<compile_context>
chip_gen: v7x
topology: tpu7x:2x2x1
jax: 0.10.2.dev20260603
libtpu: 0.0.44.dev20260713+nightly
codegen_flags: <defaults>
</compile_context>

<pallas_src>
import functools
import jax
import jax.numpy as jnp
from jax import lax
from jax.experimental import pallas as pl
from jax.experimental.pallas import tpu as pltpu
from jax.experimental.pallas import tpu_sc as plsc

PAD_ID = 0
EOS_ID = 2
BATCH = 4096
SEQ = 20
DIM = 64

NUM_CORES = 2
NUM_SUBCORES = 16
NW = NUM_CORES * NUM_SUBCORES
TOTAL = BATCH * SEQ
ROWS_PER_W = TOTAL // NW
CHUNK = 640
NCHUNK = ROWS_PER_W // CHUNK
NBUF = 2


_mesh = plsc.VectorSubcoreMesh(
    core_axis_name="c", subcore_axis_name="s",
    num_cores=NUM_CORES, num_subcores=NUM_SUBCORES)


@functools.partial(
    pl.kernel,
    mesh=_mesh,
    out_type=jax.ShapeDtypeStruct((TOTAL, DIM), jnp.float32),
    scratch_types=[
        pltpu.VMEM((CHUNK,), jnp.int32),
        pltpu.VMEM((NBUF, CHUNK, DIM), jnp.float32),
        pltpu.SemaphoreType.DMA((NBUF,)),
        pltpu.SemaphoreType.DMA((NBUF,)),
    ],
    compiler_params=pltpu.CompilerParams(use_tc_tiling_on_sc=False),
)
def _sc_gather(ids_hbm, table_hbm, out_hbm, idx_s, rows_v, gsem, osem):
    wid = lax.axis_index("s") * NUM_CORES + lax.axis_index("c")
    base = wid * ROWS_PER_W

    def do_chunk(j):
        b = j % NBUF
        pltpu.sync_copy(ids_hbm.at[wid, j], idx_s)

        def grp_start(g, carry):
            vec = idx_s[pl.ds(g * 16, 16)]
            for l in range(16):
                pltpu.async_copy(
                    table_hbm.at[pl.ds(vec[l], 1)],
                    rows_v.at[b, pl.ds(g * 16 + l, 1)],
                    gsem.at[b])
            return carry

        lax.fori_loop(0, CHUNK // 16, grp_start, 0)

        def row_wait(r, carry):
            pltpu.make_async_copy(
                table_hbm.at[pl.ds(0, 1)],
                rows_v.at[b, pl.ds(0, 1)],
                gsem.at[b]).wait()
            return carry

        lax.fori_loop(0, CHUNK, row_wait, 0)
        pltpu.async_copy(
            rows_v.at[b],
            out_hbm.at[pl.ds(base + j * CHUNK, CHUNK)], osem.at[b])

    def out_done(j):
        pltpu.make_async_copy(
            rows_v.at[j % NBUF],
            out_hbm.at[pl.ds(base + j * CHUNK, CHUNK)],
            osem.at[j % NBUF]).wait()

    for j in range(NCHUNK):
        if j >= NBUF:
            out_done(j - NBUF)
        do_chunk(j)
    for j in range(max(NCHUNK - NBUF, 0), NCHUNK):
        out_done(j)


def _mask_body(ids_ref, mask_ref, eos_ref):
    ids = ids_ref[...]
    mask_ref[...] = ids == PAD_ID
    eos_ref[...] = (ids == EOS_ID).astype(jnp.float32)


_mask_call = pl.pallas_call(
    _mask_body,
    out_shape=(
        jax.ShapeDtypeStruct((TOTAL // 128, 128), jnp.bool_),
        jax.ShapeDtypeStruct((TOTAL // 128, 128), jnp.float32),
    ),
)


def kernel(lookup_ids, embedding_matrix):
    flat = lookup_ids.reshape(-1)
    ids_sc = flat.reshape(NW, NCHUNK, CHUNK)
    gathered = _sc_gather(ids_sc, embedding_matrix)
    matrices = gathered.reshape(BATCH, SEQ, DIM)
    mask2d, eos2d = _mask_call(flat.reshape(TOTAL // 128, 128))
    mask = mask2d.reshape(BATCH, SEQ)
    eos = eos2d.reshape(BATCH, SEQ)
    return (matrices, mask, eos)

# --- scband reference (transcript-rebuilt; emitter-appended) ---
"""Pipeline reference for scband-agent-level-60962765800123 (READ-ONLY COPY).

The authoritative reference and input builder live on the scoring server;
editing this copy changes nothing except your own understanding.
"""

import jax, jax.numpy as jnp
import numpy as np

PAD_TOKEN_ID = 0
EOS_TOKEN_ID = 2
BATCH = 4096
SEQ_LEN = 20
VOCAB = 1000000
DIM = 64


def setup_inputs(seed: int = 0) -> dict:
    key = jax.random.key(seed)
    k1, k2 = jax.random.split(key)
    lookup_ids = jax.random.randint(k1, (BATCH, SEQ_LEN), 0, VOCAB, dtype=jnp.int64 if jax.config.jax_enable_x64 else jnp.int32).astype(jnp.int32)
    embedding_matrix = jax.random.normal(k2, (VOCAB, DIM), dtype=jnp.float32)
    return {"lookup_ids": lookup_ids, "embedding_matrix": embedding_matrix}


def reference(lookup_ids, embedding_matrix):
    # Faithful translation of AgentLevel.get_children for level == 0:
    #   mask = lookup_ids == pad_token_id
    #   eos_positions = (lookup_ids == eos_token_id).float()
    #   matrices = index_select(embedding_matrix, 0, lookup_ids.view(-1)).view(B, L, D)
    mask = lookup_ids == PAD_TOKEN_ID
    eos_positions = (lookup_ids == EOS_TOKEN_ID).astype(jnp.float32)
    flat_ids = lookup_ids.reshape(-1)
    matrices = jnp.take(embedding_matrix, flat_ids, axis=0)
    matrices = matrices.reshape(lookup_ids.shape[0], SEQ_LEN, DIM)
    return (matrices, mask, eos_positions)

if __name__ == "__main__":
    import jax
    _d = setup_inputs()
    print(jax.jit(kernel)(*tuple(_d.values())))

</pallas_src>

<mosaic_0001>
#map = affine_map<(d0, d1) -> (0, 0, 0)>
#map1 = affine_map<(d0, d1) -> (0, 0)>
module attributes {stable_mosaic.version = 14 : i64} {
  func.func @_sc_gather(%arg0: i32, %arg1: i32, %arg2: memref<32x4x640xi32, #tpu.memory_space<hbm>>, %arg3: memref<1000000x64xf32, #tpu.memory_space<hbm>>, %arg4: memref<81920x64xf32, #tpu.memory_space<hbm>>, %arg5: memref<640xi32, #tpu.memory_space<vmem>>, %arg6: memref<2x640x64xf32, #tpu.memory_space<vmem>>, %arg7: memref<2x!tpu.dma_semaphore, #tpu.memory_space<semaphore_mem>>, %arg8: memref<2x!tpu.dma_semaphore, #tpu.memory_space<semaphore_mem>>) attributes {dimension_semantics = [#tpu.dimension_semantics<core_parallel>, #tpu.dimension_semantics<subcore_parallel>], iteration_bounds = array<i64: 2, 16>, scalar_prefetch = 0 : i64, scratch_operands = 4 : i64, tpu.core_type = #tpu.core_type<sc_vector_subcore>, window_params = [{transform_indices = #map}, {transform_indices = #map1}, {transform_indices = #map1}]} {
    %mul3A = arith.constant 2 : i32
    %mul3A_0 = arith.muli %arg1, %mul3A : i32
    %add3A = arith.addi %mul3A_0, %arg0 : i32
    %mul3A_1 = arith.constant 2560 : i32
    %mul3A_2 = arith.muli %add3A, %mul3A_1 : i32
    %run_scoped3A = arith.constant 0 : i32
    "tpu.region"() ({
      %run_scoped3A_195 = tpu.sem_alloc : memref<!tpu.dma_semaphore, #tpu.memory_space<semaphore_mem>>
      %dma_start3A_196 = arith.constant 0 : i32
      %dma_start3A_197 = tpu.memref_slice %arg2[%add3A, %run_scoped3A, %dma_start3A_196] : memref<32x4x640xi32, #tpu.memory_space<hbm>> -> memref<1x1x640xi32, #tpu.memory_space<hbm>>
      %dma_start3A_198 = tpu.memref_squeeze %dma_start3A_197 : memref<1x1x640xi32, #tpu.memory_space<hbm>> -> memref<640xi32, #tpu.memory_space<hbm>>
      %dma_start3A_199 = arith.constant 0 : i32
      %dma_start3A_200 = tpu.memref_slice %arg2[%add3A, %run_scoped3A, %dma_start3A_199] : memref<32x4x640xi32, #tpu.memory_space<hbm>> -> memref<1x1x640xi32, #tpu.memory_space<hbm>>
      %dma_start3A_201 = tpu.memref_squeeze %dma_start3A_200 : memref<1x1x640xi32, #tpu.memory_space<hbm>> -> memref<640xi32, #tpu.memory_space<hbm>>
      tpu.enqueue_dma source(%dma_start3A_201 : memref<640xi32, #tpu.memory_space<hbm>>) target(%arg5 : memref<640xi32, #tpu.memory_space<vmem>>) target_semaphore(%run_scoped3A_195 : memref<!tpu.dma_semaphore, #tpu.memory_space<semaphore_mem>>)
      %dma_wait3A_202 = arith.constant 0 : i32
      %dma_wait3A_203 = tpu.memref_slice %arg2[%add3A, %run_scoped3A, %dma_wait3A_202] : memref<32x4x640xi32, #tpu.memory_space<hbm>> -> memref<1x1x640xi32, #tpu.memory_space<hbm>>
      %dma_wait3A_204 = tpu.memref_squeeze %dma_wait3A_203 : memref<1x1x640xi32, #tpu.memory_space<hbm>> -> memref<640xi32, #tpu.memory_space<hbm>>
      %dma_wait3A_205 = arith.constant 0 : i32
      %dma_wait3A_206 = tpu.memref_slice %arg2[%add3A, %run_scoped3A, %dma_wait3A_205] : memref<32x4x640xi32, #tpu.memory_space<hbm>> -> memref<1x1x640xi32, #tpu.memory_space<hbm>>
      %dma_wait3A_207 = tpu.memref_squeeze %dma_wait3A_206 : memref<1x1x640xi32, #tpu.memory_space<hbm>> -> memref<640xi32, #tpu.memory_space<hbm>>
      tpu.wait_dma2 semaphore(%run_scoped3A_195 : memref<!tpu.dma_semaphore, #tpu.memory_space<semaphore_mem>>) src(%dma_wait3A_207 : memref<640xi32, #tpu.memory_space<hbm>>) dst(%arg5 : memref<640xi32, #tpu.memory_space<vmem>>)
      tpu.yield
    }) : () -> ()
    %scan3A = arith.constant 0 : i32
    %scan3A_3 = arith.constant 0 : i32
    %scan3A_4 = arith.constant 40 : i32
    %scan3A_5 = arith.addi %scan3A_3, %scan3A_4 : i32
    %scan3A_6 = arith.constant 1 : i32
    scf.for %scan3A_195 = %scan3A_3 to %scan3A_5 step %scan3A_6  : i32 {
      %mul3A_196 = arith.constant 16 : i32
      %mul3A_197 = arith.muli %scan3A_195, %mul3A_196 : i32
      %get3A = arith.index_cast %mul3A_197 : i32 to index
      %get3A_198 = tpu.vector_load %arg5[%get3A] {strides = array<i32>} : memref<640xi32, #tpu.memory_space<vmem>>, vector<16xi32>,
      %get3A_199 = vector.shape_cast %get3A_198 : vector<16xi32> to vector<16xi32>
      %slice3A = vector.extract_strided_slice %get3A_199 {offsets = [0], sizes = [1], strides = [1]} : vector<16xi32> to vector<1xi32>
      %squeeze3A = vector.extract %slice3A[0] : i32 from vector<1xi32>
      %mul3A_200 = arith.constant 16 : i32
      %mul3A_201 = arith.muli %scan3A_195, %mul3A_200 : i32
      %add3A_202 = arith.constant 0 : i32
      %add3A_203 = arith.addi %mul3A_201, %add3A_202 : i32
      %dma_start3A_204 = arith.constant 0 : i32
      %dma_start3A_205 = arith.constant 0 : i32
      %dma_start3A_206 = arith.constant 0 : i32
      %dma_start3A_207 = tpu.memref_slice %arg6[%dma_start3A_204, %add3A_203, %dma_start3A_206] : memref<2x640x64xf32, #tpu.memory_space<vmem>> -> memref<1x1x64xf32, #tpu.memory_space<vmem>>
      %dma_start3A_208 = tpu.memref_squeeze %dma_start3A_207 : memref<1x1x64xf32, #tpu.memory_space<vmem>> -> memref<1x64xf32, #tpu.memory_space<vmem>>
      %dma_start3A_209 = arith.constant 0 : i32
      %dma_start3A_210 = tpu.memref_slice %arg3[%squeeze3A, %dma_start3A_209] : memref<1000000x64xf32, #tpu.memory_space<hbm>> -> memref<1x64xf32, #tpu.memory_space<hbm>>
      %dma_start3A_211 = tpu.memref_slice %arg7[%dma_start3A_205] : memref<2x!tpu.dma_semaphore, #tpu.memory_space<semaphore_mem>> -> memref<1x!tpu.dma_semaphore, #tpu.memory_space<semaphore_mem>>
      %dma_start3A_212 = tpu.memref_squeeze %dma_start3A_211 : memref<1x!tpu.dma_semaphore, #tpu.memory_space<semaphore_mem>> -> memref<!tpu.dma_semaphore, #tpu.memory_space<semaphore_mem>>
      %dma_start3A_213 = arith.constant 0 : i32
      %dma_start3A_214 = tpu.memref_slice %arg6[%dma_start3A_204, %add3A_203, %dma_start3A_213] : memref<2x640x64xf32, #tpu.memory_space<vmem>> -> memref<1x1x64xf32, #tpu.memory_space<vmem>>
      %dma_start3A_215 = tpu.memref_squeeze %dma_start3A_214 : memref<1x1x64xf32, #tpu.memory_space<vmem>> -> memref<1x64xf32, #tpu.memory_space<vmem>>
      %dma_start3A_216 = arith.constant 0 : i32
      %dma_start3A_217 = tpu.memref_slice %arg3[%squeeze3A, %dma_start3A_216] : memref<1000000x64xf32, #tpu.memory_space<hbm>> -> memref<1x64xf32, #tpu.memory_space<hbm>>
      tpu.enqueue_dma source(%dma_start3A_217 : memref<1x64xf32, #tpu.memory_space<hbm>>) target(%dma_start3A_215 : memref<1x64xf32, #tpu.memory_space<vmem>>) target_semaphore(%dma_start3A_212 : memref<!tpu.dma_semaphore, #tpu.memory_space<semaphore_mem>>)
      %slice3A_218 = vector.extract_strided_slice %get3A_199 {offsets = [1], sizes = [1], strides = [1]} : vector<16xi32> to vector<1xi32>
      %squeeze3A_219 = vector.extract %slice3A_218[0] : i32 from vector<1xi32>
      %mul3A_220 = arith.constant 16 : i32
      %mul3A_221 = arith.muli %scan3A_195, %mul3A_220 : i32
      %add3A_222 = arith.constant 1 : i32
      %add3A_223 = arith.addi %mul3A_221, %add3A_222 : i32
      %dma_start3A_224 = arith.constant 0 : i32
      %dma_start3A_225 = arith.constant 0 : i32
      %dma_start3A_226 = arith.constant 0 : i32
      %dma_start3A_227 = tpu.memref_slice %arg6[%dma_start3A_224, %add3A_223, %dma_start3A_226] : memref<2x640x64xf32, #tpu.memory_space<vmem>> -> memref<1x1x64xf32, #tpu.memory_space<vmem>>
      %dma_start3A_228 = tpu.memref_squeeze %dma_start3A_227 : memref<1x1x64xf32, #tpu.memory_space<vmem>> -> memref<1x64xf32, #tpu.memory_space<vmem>>
      %dma_start3A_229 = arith.constant 0 : i32
      %dma_start3A_230 = tpu.memref_slice %arg3[%squeeze3A_219, %dma_start3A_229] : memref<1000000x64xf32, #tpu.memory_space<hbm>> -> memref<1x64xf32, #tpu.memory_space<hbm>>
      %dma_start3A_231 = tpu.memref_slice %arg7[%dma_start3A_225] : memref<2x!tpu.dma_semaphore, #tpu.memory_space<semaphore_mem>> -> memref<1x!tpu.dma_semaphore, #tpu.memory_space<semaphore_mem>>
      %dma_start3A_232 = tpu.memref_squeeze %dma_start3A_231 : memref<1x!tpu.dma_semaphore, #tpu.memory_space<semaphore_mem>> -> memref<!tpu.dma_semaphore, #tpu.memory_space<semaphore_mem>>
      %dma_start3A_233 = arith.constant 0 : i32
      %dma_start3A_234 = tpu.memref_slice %arg6[%dma_start3A_224, %add3A_223, %dma_start3A_233] : memref<2x640x64xf32, #tpu.memory_space<vmem>> -> memref<1x1x64xf32, #tpu.memory_space<vmem>>
      %dma_start3A_235 = tpu.memref_squeeze %dma_start3A_234 : memref<1x1x64xf32, #tpu.memory_space<vmem>> -> memref<1x64xf32, #tpu.memory_space<vmem>>
      %dma_start3A_236 = arith.constant 0 : i32
      %dma_start3A_237 = tpu.memref_slice %arg3[%squeeze3A_219, %dma_start3A_236] : memref<1000000x64xf32, #tpu.memory_space<hbm>> -> memref<1x64xf32, #tpu.memory_space<hbm>>
      tpu.enqueue_dma source(%dma_start3A_237 : memref<1x64xf32, #tpu.memory_space<hbm>>) target(%dma_start3A_235 : memref<1x64xf32, #tpu.memory_space<vmem>>) target_semaphore(%dma_start3A_232 : memref<!tpu.dma_semaphore, #tpu.memory_space<semaphore_mem>>)
      %slice3A_238 = vector.extract_strided_slice %get3A_199 {offsets = [2], sizes = [1], strides = [1]} : vector<16xi32> to vector<1xi32>
      %squeeze3A_239 = vector.extract %slice3A_238[0] : i32 from vector<1xi32>
      %mul3A_240 = arith.constant 16 : i32
      %mul3A_241 = arith.muli %scan3A_195, %mul3A_240 : i32
      %add3A_242 = arith.constant 2 : i32
      %add3A_243 = arith.addi %mul3A_241, %add3A_242 : i32
      %dma_start3A_244 = arith.constant 0 : i32
      %dma_start3A_245 = arith.constant 0 : i32
      %dma_start3A_246 = arith.constant 0 : i32
      %dma_start3A_247 = tpu.memref_slice %arg6[%dma_start3A_244, %add3A_243, %dma_start3A_246] : memref<2x640x64xf32, #tpu.memory_space<vmem>> -> memref<1x1x64xf32, #tpu.memory_space<vmem>>
      %dma_start3A_248 = tpu.memref_squeeze %dma_start3A_247 : memref<1x1x64xf32, #tpu.memory_space<vmem>> -> memref<1x64xf32, #tpu.memory_space<vmem>>
      %dma_start3A_249 = arith.constant 0 : i32
      %dma_start3A_250 = tpu.memref_slice %arg3[%squeeze3A_239, %dma_start3A_249] : memref<1000000x64xf32, #tpu.memory_space<hbm>> -> memref<1x64xf32, #tpu.memory_space<hbm>>
      %dma_start3A_251 = tpu.memref_slice %arg7[%dma_start3A_245] : memref<2x!tpu.dma_semaphore, #tpu.memory_space<semaphore_mem>> -> memref<1x!tpu.dma_semaphore, #tpu.memory_space<semaphore_mem>>
      %dma_start3A_252 = tpu.memref_squeeze %dma_start3A_251 : memref<1x!tpu.dma_semaphore, #tpu.memory_space<semaphore_mem>> -> memref<!tpu.dma_semaphore, #tpu.memory_space<semaphore_mem>>
      %dma_start3A_253 = arith.constant 0 : i32
      %dma_start3A_254 = tpu.memref_slice %arg6[%dma_start3A_244, %add3A_243, %dma_start3A_253] : memref<2x640x64xf32, #tpu.memory_space<vmem>> -> memref<1x1x64xf32, #tpu.memory_space<vmem>>
      %dma_start3A_255 = tpu.memref_squeeze %dma_start3A_254 : memref<1x1x64xf32, #tpu.memory_space<vmem>> -> memref<1x64xf32, #tpu.memory_space<vmem>>
      %dma_start3A_256 = arith.constant 0 : i32
      %dma_start3A_257 = tpu.memref_slice %arg3[%squeeze3A_239, %dma_start3A_256] : memref<1000000x64xf32, #tpu.memory_space<hbm>> -> memref<1x64xf32, #tpu.memory_space<hbm>>
      tpu.enqueue_dma source(%dma_start3A_257 : memref<1x64xf32, #tpu.memory_space<hbm>>) target(%dma_start3A_255 : memref<1x64xf32, #tpu.memory_space<vmem>>) target_semaphore(%dma_start3A_252 : memref<!tpu.dma_semaphore, #tpu.memory_space<semaphore_mem>>)
      %slice3A_258 = vector.extract_strided_slice %get3A_199 {offsets = [3], sizes = [1], strides = [1]} : vector<16xi32> to vector<1xi32>
      %squeeze3A_259 = vector.extract %slice3A_258[0] : i32 from vector<1xi32>
      %mul3A_260 = arith.constant 16 : i32
      %mul3A_261 = arith.muli %scan3A_195, %mul3A_260 : i32
      %add3A_262 = arith.constant 3 : i32
      %add3A_263 = arith.addi %mul3A_261, %add3A_262 : i32
      %dma_start3A_264 = arith.constant 0 : i32
      %dma_start3A_265 = arith.constant 0 : i32
      %dma_start3A_266 = arith.constant 0 : i32
      %dma_start3A_267 = tpu.memref_slice %arg6[%dma_start3A_264, %add3A_263, %dma_start3A_266] : memref<2x640x64xf32, #tpu.memory_space<vmem>> -> memref<1x1x64xf32, #tpu.memory_space<vmem>>
      %dma_start3A_268 = tpu.memref_squeeze %dma_start3A_267 : memref<1x1x64xf32, #tpu.memory_space<vmem>> -> memref<1x64xf32, #tpu.memory_space<vmem>>
      %dma_start3A_269 = arith.constant 0 : i32
      %dma_start3A_270 = tpu.memref_slice %arg3[%squeeze3A_259, %dma_start3A_269] : memref<1000000x64xf32, #tpu.memory_space<hbm>> -> memref<1x64xf32, #tpu.memory_space<hbm>>
      %dma_start3A_271 = tpu.memref_slice %arg7[%dma_start3A_265] : memref<2x!tpu.dma_semaphore, #tpu.memory_space<semaphore_mem>> -> memref<1x!tpu.dma_semaphore, #tpu.memory_space<semaphore_mem>>
      %dma_start3A_272 = tpu.memref_squeeze %dma_start3A_271 : memref<1x!tpu.dma_semaphore, #tpu.memory_space<semaphore_mem>> -> memref<!tpu.dma_semaphore, #tpu.memory_space<semaphore_mem>>
      %dma_start3A_273 = arith.constant 0 : i32
      %dma_start3A_274 = tpu.memref_slice %arg6[%dma_start3A_264, %add3A_263, %dma_start3A_273] : memref<2x640x64xf32, #tpu.memory_space<vmem>> -> memref<1x1x64xf32, #tpu.memory_space<vmem>>
      %dma_start3A_275 = tpu.memref_squeeze %dma_start3A_274 : memref<1x1x64xf32, #tpu.memory_space<vmem>> -> memref<1x64xf32, #tpu.memory_space<vmem>>
      %dma_start3A_276 = arith.constant 0 : i32
      %dma_start3A_277 = tpu.memref_slice %arg3[%squeeze3A_259, %dma_start3A_276] : memref<1000000x64xf32, #tpu.memory_space<hbm>> -> memref<1x64xf32, #tpu.memory_space<hbm>>
      tpu.enqueue_dma source(%dma_start3A_277 : memref<1x64xf32, #tpu.memory_space<hbm>>) target(%dma_start3A_275 : memref<1x64xf32, #tpu.memory_space<vmem>>) target_semaphore(%dma_start3A_272 : memref<!tpu.dma_semaphore, #tpu.memory_space<semaphore_mem>>)
      %slice3A_278 = vector.extract_strided_slice %get3A_199 {offsets = [4], sizes = [1], strides = [1]} : vector<16xi32> to vector<1xi32>
      %squeeze3A_279 = vector.extract %slice3A_278[0] : i32 from vector<1xi32>
      %mul3A_280 = arith.constant 16 : i32
      %mul3A_281 = arith.muli %scan3A_195, %mul3A_280 : i32
      %add3A_282 = arith.constant 4 : i32
      %add3A_283 = arith.addi %mul3A_281, %add3A_282 : i32
      %dma_start3A_284 = arith.constant 0 : i32
      %dma_start3A_285 = arith.constant 0 : i32
      %dma_start3A_286 = arith.constant 0 : i32
      %dma_start3A_287 = tpu.memref_slice %arg6[%dma_start3A_284, %add3A_283, %dma_start3A_286] : memref<2x640x64xf32, #tpu.memory_space<vmem>> -> memref<1x1x64xf32, #tpu.memory_space<vmem>>
      %dma_start3A_288 = tpu.memref_squeeze %dma_start3A_287 : memref<1x1x64xf32, #tpu.memory_space<vmem>> -> memref<1x64xf32, #tpu.memory_space<vmem>>
      %dma_start3A_289 = arith.constant 0 : i32
      %dma_start3A_290 = tpu.memref_slice %arg3[%squeeze3A_279, %dma_start3A_289] : memref<1000000x64xf32, #tpu.memory_space<hbm>> -> memref<1x64xf32, #tpu.memory_space<hbm>>
      %dma_start3A_291 = tpu.memref_slice %arg7[%dma_start3A_285] : memref<2x!tpu.dma_semaphore, #tpu.memory_space<semaphore_mem>> -> memref<1x!tpu.dma_semaphore, #tpu.memory_space<semaphore_mem>>
      %dma_start3A_292 = tpu.memref_squeeze %dma_start3A_291 : memref<1x!tpu.dma_semaphore, #tpu.memory_space<semaphore_mem>> -> memref<!tpu.dma_semaphore, #tpu.memory_space<semaphore_mem>>
      %dma_start3A_293 = arith.constant 0 : i32
      %dma_start3A_294 = tpu.memref_slice %arg6[%dma_start3A_284, %add3A_283, %dma_start3A_293] : memref<2x640x64xf32, #tpu.memory_space<vmem>> -> memref<1x1x64xf32, #tpu.memory_space<vmem>>
      %dma_start3A_295 = tpu.memref_squeeze %dma_start3A_294 : memref<1x1x64xf32, #tpu.memory_space<vmem>> -> memref<1x64xf32, #tpu.memory_space<vmem>>
      %dma_start3A_296 = arith.constant 0 : i32
      %dma_start3A_297 = tpu.memref_slice %arg3[%squeeze3A_279, %dma_start3A_296] : memref<1000000x64xf32, #tpu.memory_space<hbm>> -> memref<1x64xf32, #tpu.memory_space<hbm>>
      tpu.enqueue_dma source(%dma_start3A_297 : memref<1x64xf32, #tpu.memory_space<hbm>>) target(%dma_start3A_295 : memref<1x64xf32, #tpu.memory_space<vmem>>) target_semaphore(%dma_start3A_292 : memref<!tpu.dma_semaphore, #tpu.memory_space<semaphore_mem>>)
      %slice3A_298 = vector.extract_strided_slice %get3A_199 {offsets = [5], sizes = [1], strides = [1]} : vector<16xi32> to vector<1xi32>
      %squeeze3A_299 = vector.extract %slice3A_298[0] : i32 from vector<1xi32>
      %mul3A_300 = arith.constant 16 : i32
      %mul3A_301 = arith.muli %scan3A_195, %mul3A_300 : i32
      %add3A_302 = arith.constant 5 : i32
      %add3A_303 = arith.addi %mul3A_301, %add3A_302 : i32
      %dma_start3A_304 = arith.constant 0 : i32
      %dma_start3A_305 = arith.constant 0 : i32
      %dma_start3A_306 = arith.constant 0 : i32
      %dma_start3A_307 = tpu.memref_slice %arg6[%dma_start3A_304, %add3A_303, %dma_start3A_306] : memref<2x640x64xf32, #tpu.memory_space<vmem>> -> memref<1x1x64xf32, #tpu.memory_space<vmem>>
      %dma_start3A_308 = tpu.memref_squeeze %dma_start3A_307 : memref<1x1x64xf32, #tpu.memory_space<vmem>> -> memref<1x64xf32, #tpu.memory_space<vmem>>
      %dma_start3A_309 = arith.constant 0 : i32
      %dma_start3A_310 = tpu.memref_slice %arg3[%squeeze3A_299, %dma_start3A_309] : memref<1000000x64xf32, #tpu.memory_space<hbm>> -> memref<1x64xf32, #tpu.memory_space<hbm>>
      %dma_start3A_311 = tpu.memref_slice %arg7[%dma_start3A_305] : memref<2x!tpu.dma_semaphore, #tpu.memory_space<semaphore_mem>> -> memref<1x!tpu.dma_semaphore, #tpu.memory_space<semaphore_mem>>
      %dma_start3A_312 = tpu.memref_squeeze %dma_start3A_311 : memref<1x!tpu.dma_semaphore, #tpu.memory_space<semaphore_mem>> -> memref<!tpu.dma_semaphore, #tpu.memory_space<semaphore_mem>>
      %dma_start3A_313 = arith.constant 0 : i32
      %dma_start3A_314 = tpu.memref_slice %arg6[%dma_start3A_304, %add3A_303, %dma_start3A_313] : memref<2x640x64xf32, #tpu.memory_space<vmem>> -> memref<1x1x64xf32, #tpu.memory_space<vmem>>
      %dma_start3A_315 = tpu.memref_squeeze %dma_start3A_314 : memref<1x1x64xf32, #tpu.memory_space<vmem>> -> memref<1x64xf32, #tpu.memory_space<vmem>>
      %dma_start3A_316 = arith.constant 0 : i32
      %dma_start3A_317 = tpu.memref_slice %arg3[%squeeze3A_299, %dma_start3A_316] : memref<1000000x64xf32, #tpu.memory_space<hbm>> -> memref<1x64xf32, #tpu.memory_space<hbm>>
      tpu.enqueue_dma source(%dma_start3A_317 : memref<1x64xf32, #tpu.memory_space<hbm>>) target(%dma_start3A_315 : memref<1x64xf32, #tpu.memory_space<vmem>>) target_semaphore(%dma_start3A_312 : memref<!tpu.dma_semaphore, #tpu.memory_space<semaphore_mem>>)
      %slice3A_318 = vector.extract_strided_slice %get3A_199 {offsets = [6], sizes = [1], strides = [1]} : vector<16xi32> to vector<1xi32>
      %squeeze3A_319 = vector.extract %slice3A_318[0] : i32 from vector<1xi32>
      %mul3A_320 = arith.constant 16 : i32
      %mul3A_321 = arith.muli %scan3A_195, %mul3A_320 : i32
      %add3A_322 = arith.constant 6 : i32
      %add3A_323 = arith.addi %mul3A_321, %add3A_322 : i32
      %dma_start3A_324 = arith.constant 0 : i32
      %dma_start3A_325 = arith.constant 0 : i32
      %dma_start3A_326 = arith.constant 0 : i32
      %dma_start3A_327 = tpu.memref_slice %arg6[%dma_start3A_324, %add3A_323, %dma_start3A_326] : memref<2x640x64xf32, #tpu.memory_space<vmem>> -> memref<1x1x64xf32, #tpu.memory_space<vmem>>
      %dma_start3A_328 = tpu.memref_squeeze %dma_start3A_327 : memref<1x1x64xf32, #tpu.memory_space<vmem>> -> memref<1x64xf32, #tpu.memory_space<vmem>>
      %dma_start3A_329 = arith.constant 0 : i32
      %dma_start3A_330 = tpu.memref_slice %arg3[%squeeze3A_319, %dma_start3A_329] : memref<1000000x64xf32, #tpu.memory_space<hbm>> -> memref<1x64xf32, #tpu.memory_space<hbm>>
      %dma_start3A_331 = tpu.memref_slice %arg7[%dma_start3A_325] : memref<2x!tpu.dma_semaphore, #tpu.memory_space<semaphore_mem>> -> memref<1x!tpu.dma_semaphore, #tpu.memory_space<semaphore_mem>>
      %dma_start3A_332 = tpu.memref_squeeze %dma_start3A_331 : memref<1x!tpu.dma_semaphore, #tpu.memory_space<semaphore_mem>> -> memref<!tpu.dma_semaphore, #tpu.memory_space<semaphore_mem>>
      %dma_start3A_333 = arith.constant 0 : i32
      %dma_start3A_334 = tpu.memref_slice %arg6[%dma_start3A_324, %add3A_323, %dma_start3A_333] : memref<2x640x64xf32, #tpu.memory_space<vmem>> -> memref<1x1x64xf32, #tpu.memory_space<vmem>>
      %dma_start3A_335 = tpu.memref_squeeze %dma_start3A_334 : memref<1x1x64xf32, #tpu.memory_space<vmem>> -> memref<1x64xf32, #tpu.memory_space<vmem>>
      %dma_start3A_336 = arith.constant 0 : i32
      %dma_start3A_337 = tpu.memref_slice %arg3[%squeeze3A_319, %dma_start3A_336] : memref<1000000x64xf32, #tpu.memory_space<hbm>> -> memref<1x64xf32, #tpu.memory_space<hbm>>
      tpu.enqueue_dma source(%dma_start3A_337 : memref<1x64xf32, #tpu.memory_space<hbm>>) target(%dma_start3A_335 : memref<1x64xf32, #tpu.memory_space<vmem>>) target_semaphore(%dma_start3A_332 : memref<!tpu.dma_semaphore, #tpu.memory_space<semaphore_mem>>)
      %slice3A_338 = vector.extract_strided_slice %get3A_199 {offsets = [7], sizes = [1], strides = [1]} : vector<16xi32> to vector<1xi32>
      %squeeze3A_339 = vector.extract %slice3A_338[0] : i32 from vector<1xi32>
      %mul3A_340 = arith.constant 16 : i32
      %mul3A_341 = arith.muli %scan3A_195, %mul3A_340 : i32
      %add3A_342 = arith.constant 7 : i32
      %add3A_343 = arith.addi %mul3A_341, %add3A_342 : i32
      %dma_start3A_344 = arith.constant 0 : i32
      %dma_start3A_345 = arith.constant 0 : i32
      %dma_start3A_346 = arith.constant 0 : i32
      %dma_start3A_347 = tpu.memref_slice %arg6[%dma_start3A_344, %add3A_343, %dma_start3A_346] : memref<2x640x64xf32, #tpu.memory_space<vmem>> -> memref<1x1x64xf32, #tpu.memory_space<vmem>>
      %dma_start3A_348 = tpu.memref_squeeze %dma_start3A_347 : memref<1x1x64xf32, #tpu.memory_space<vmem>> -> memref<1x64xf32, #tpu.memory_space<vmem>>
      %dma_start3A_349 = arith.constant 0 : i32
      %dma_start3A_350 = tpu.memref_slice %arg3[%squeeze3A_339, %dma_start3A_349] : memref<1000000x64xf32, #tpu.memory_space<hbm>> -> memref<1x64xf32, #tpu.memory_space<hbm>>
      %dma_start3A_351 = tpu.memref_slice %arg7[%dma_start3A_345] : memref<2x!tpu.dma_semaphore, #tpu.memory_space<semaphore_mem>> -> memref<1x!tpu.dma_semaphore, #tpu.memory_space<semaphore_mem>>
      %dma_start3A_352 = tpu.memref_squeeze %dma_start3A_351 : memref<1x!tpu.dma_semaphore, #tpu.memory_space<semaphore_mem>> -> memref<!tpu.dma_semaphore, #tpu.memory_space<semaphore_mem>>
      %dma_start3A_353 = arith.constant 0 : i32
      %dma_start3A_354 = tpu.memref_slice %arg6[%dma_start3A_344, %add3A_343, %dma_start3A_353] : memref<2x640x64xf32, #tpu.memory_space<vmem>> -> memref<1x1x64xf32, #tpu.memory_space<vmem>>
      %dma_start3A_355 = tpu.memref_squeeze %dma_start3A_354 : memref<1x1x64xf32, #tpu.memory_space<vmem>> -> memref<1x64xf32, #tpu.memory_space<vmem>>
      %dma_start3A_356 = arith.constant 0 : i32
      %dma_start3A_357 = tpu.memref_slice %arg3[%squeeze3A_339, %dma_start3A_356] : memref<1000000x64xf32, #tpu.memory_space<hbm>> -> memref<1x64xf32, #tpu.memory_space<hbm>>
      tpu.enqueue_dma source(%dma_start3A_357 : memref<1x64xf32, #tpu.memory_space<hbm>>) target(%dma_start3A_355 : memref<1x64xf32, #tpu.memory_space<vmem>>) target_semaphore(%dma_start3A_352 : memref<!tpu.dma_semaphore, #tpu.memory_space<semaphore_mem>>)
      %slice3A_358 = vector.extract_strided_slice %get3A_199 {offsets = [8], sizes = [1], strides = [1]} : vector<16xi32> to vector<1xi32>
      %squeeze3A_359 = vector.extract %slice3A_358[0] : i32 from vector<1xi32>
      %mul3A_360 = arith.constant 16 : i32
      %mul3A_361 = arith.muli %scan3A_195, %mul3A_360 : i32
      %add3A_362 = arith.constant 8 : i32
      %add3A_363 = arith.addi %mul3A_361, %add3A_362 : i32
      %dma_start3A_364 = arith.constant 0 : i32
      %dma_start3A_365 = arith.constant 0 : i32
      %dma_start3A_366 = arith.constant 0 : i32
      %dma_start3A_367 = tpu.memref_slice %arg6[%dma_start3A_364, %add3A_363, %dma_start3A_366] : memref<2x640x64xf32, #tpu.memory_space<vmem>> -> memref<1x1x64xf32, #tpu.memory_space<vmem>>
      %dma_start3A_368 = tpu.memref_squeeze %dma_start3A_367 : memref<1x1x64xf32, #tpu.memory_space<vmem>> -> memref<1x64xf32, #tpu.memory_space<vmem>>
      %dma_start3A_369 = arith.constant 0 : i32
      %dma_start3A_370 = tpu.memref_slice %arg3[%squeeze3A_359, %dma_start3A_369] : memref<1000000x64xf32, #tpu.memory_space<hbm>> -> memref<1x64xf32, #tpu.memory_space<hbm>>
      %dma_start3A_371 = tpu.memref_slice %arg7[%dma_start3A_365] : memref<2x!tpu.dma_semaphore, #tpu.memory_space<semaphore_mem>> -> memref<1x!tpu.dma_semaphore, #tpu.memory_space<semaphore_mem>>
      %dma_start3A_372 = tpu.memref_squeeze %dma_start3A_371 : memref<1x!tpu.dma_semaphore, #tpu.memory_space<semaphore_mem>> -> memref<!tpu.dma_semaphore, #tpu.memory_space<semaphore_mem>>
      %dma_start3A_373 = arith.constant 0 : i32
      %dma_start3A_374 = tpu.memref_slice %arg6[%dma_start3A_364, %add3A_363, %dma_start3A_373] : memref<2x640x64xf32, #tpu.memory_space<vmem>> -> memref<1x1x64xf32, #tpu.memory_space<vmem>>
      %dma_start3A_375 = tpu.memref_squeeze %dma_start3A_374 : memref<1x1x64xf32, #tpu.memory_space<vmem>> -> memref<1x64xf32, #tpu.memory_space<vmem>>
      %dma_start3A_376 = arith.constant 0 : i32
      %dma_start3A_377 = tpu.memref_slice %arg3[%squeeze3A_359, %dma_start3A_376] : memref<1000000x64xf32, #tpu.memory_space<hbm>> -> memref<1x64xf32, #tpu.memory_space<hbm>>
      tpu.enqueue_dma source(%dma_start3A_377 : memref<1x64xf32, #tpu.memory_space<hbm>>) target(%dma_start3A_375 : memref<1x64xf32, #tpu.memory_space<vmem>>) target_semaphore(%dma_start3A_372 : memref<!tpu.dma_semaphore, #tpu.memory_space<semaphore_mem>>)
      %slice3A_378 = vector.extract_strided_slice %get3A_199 {offsets = [9], sizes = [1], strides = [1]} : vector<16xi32> to vector<1xi32>
      %squeeze3A_379 = vector.extract %slice3A_378[0] : i32 from vector<1xi32>
      %mul3A_380 = arith.constant 16 : i32
      %mul3A_381 = arith.muli %scan3A_195, %mul3A_380 : i32
      %add3A_382 = arith.constant 9 : i32
      %add3A_383 = arith.addi %mul3A_381, %add3A_382 : i32
      %dma_start3A_384 = arith.constant 0 : i32
      %dma_start3A_385 = arith.constant 0 : i32
      %dma_start3A_386 = arith.constant 0 : i32
      %dma_start3A_387 = tpu.memref_slice %arg6[%dma_start3A_384, %add3A_383, %dma_start3A_386] : memref<2x640x64xf32, #tpu.memory_space<vmem>> -> memref<1x1x64xf32, #tpu.memory_space<vmem>>
      %dma_start3A_388 = tpu.memref_squeeze %dma_start3A_387 : memref<1x1x64xf32, #tpu.memory_space<vmem>> -> memref<1x64xf32, #tpu.memory_space<vmem>>
      %dma_start3A_389 = arith.constant 0 : i32
      %dma_start3A_390 = tpu.memref_slice %arg3[%squeeze3A_379, %dma_start3A_389] : memref<1000000x64xf32, #tpu.memory_space<hbm>> -> memref<1x64xf32, #tpu.memory_space<hbm>>
      %dma_start3A_391 = tpu.memref_slice %arg7[%dma_start3A_385] : memref<2x!tpu.dma_semaphore, #tpu.memory_space<semaphore_mem>> -> memref<1x!tpu.dma_semaphore, #tpu.memory_space<semaphore_mem>>
      %dma_start3A_392 = tpu.memref_squeeze %dma_start3A_391 : memref<1x!tpu.dma_semaphore, #tpu.memory_space<semaphore_mem>> -> memref<!tpu.dma_semaphore, #tpu.memory_space<semaphore_mem>>
      %dma_start3A_393 = arith.constant 0 : i32
      %dma_start3A_394 = tpu.memref_slice %arg6[%dma_start3A_384, %add3A_383, %dma_start3A_393] : memref<2x640x64xf32, #tpu.memory_space<vmem>> -> memref<1x1x64xf32, #tpu.memory_space<vmem>>
      %dma_start3A_395 = tpu.memref_squeeze %dma_start3A_394 : memref<1x1x64xf32, #tpu.memory_space<vmem>> -> memref<1x64xf32, #tpu.memory_space<vmem>>
      %dma_start3A_396 = arith.constant 0 : i32
      %dma_start3A_397 = tpu.memref_slice %arg3[%squeeze3A_379, %dma_start3A_396] : memref<1000000x64xf32, #tpu.memory_space<hbm>> -> memref<1x64xf32, #tpu.memory_space<hbm>>
      tpu.enqueue_dma source(%dma_start3A_397 : memref<1x64xf32, #tpu.memory_space<hbm>>) target(%dma_start3A_395 : memref<1x64xf32, #tpu.memory_space<vmem>>) target_semaphore(%dma_start3A_392 : memref<!tpu.dma_semaphore, #tpu.memory_space<semaphore_mem>>)
      %slice3A_398 = vector.extract_strided_slice %get3A_199 {offsets = [10], sizes = [1], strides = [1]} : vector<16xi32> to vector<1xi32>
      %squeeze3A_399 = vector.extract %slice3A_398[0] : i32 from vector<1xi32>
      %mul3A_400 = arith.constant 16 : i32
      %mul3A_401 = arith.muli %scan3A_195, %mul3A_400 : i32
      %add3A_402 = arith.constant 10 : i32
      %add3A_403 = arith.addi %mul3A_401, %add3A_402 : i32
      %dma_start3A_404 = arith.constant 0 : i32
      %dma_start3A_405 = arith.constant 0 : i32
      %dma_start3A_406 = arith.constant 0 : i32
      %dma_start3A_407 = tpu.memref_slice %arg6[%dma_start3A_404, %add3A_403, %dma_start3A_406] : memref<2x640x64xf32, #tpu.memory_space<vmem>> -> memref<1x1x64xf32, #tpu.memory_space<vmem>>
      %dma_start3A_408 = tpu.memref_squeeze %dma_start3A_407 : memref<1x1x64xf32, #tpu.memory_space<vmem>> -> memref<1x64xf32, #tpu.memory_space<vmem>>
      %dma_start3A_409 = arith.constant 0 : i32
      %dma_start3A_410 = tpu.memref_slice %arg3[%squeeze3A_399, %dma_start3A_409] : memref<1000000x64xf32, #tpu.memory_space<hbm>> -> memref<1x64xf32, #tpu.memory_space<hbm>>
      %dma_start3A_411 = tpu.memref_slice %arg7[%dma_start3A_405] : memref<2x!tpu.dma_semaphore, #tpu.memory_space<semaphore_mem>> -> memref<1x!tpu.dma_semaphore, #tpu.memory_space<semaphore_mem>>
      %dma_start3A_412 = tpu.memref_squeeze %dma_start3A_411 : memref<1x!tpu.dma_semaphore, #tpu.memory_space<semaphore_mem>> -> memref<!tpu.dma_semaphore, #tpu.memory_space<semaphore_mem>>
      %dma_start3A_413 = arith.constant 0 : i32
      %dma_start3A_414 = tpu.memref_slice %arg6[%dma_start3A_404, %add3A_403, %dma_start3A_413] : memref<2x640x64xf32, #tpu.memory_space<vmem>> -> memref<1x1x64xf32, #tpu.memory_space<vmem>>
      %dma_start3A_415 = tpu.memref_squeeze %dma_start3A_414 : memref<1x1x64xf32, #tpu.memory_space<vmem>> -> memref<1x64xf32, #tpu.memory_space<vmem>>
      %dma_start3A_416 = arith.constant 0 : i32
      %dma_start3A_417 = tpu.memref_slice %arg3[%squeeze3A_399, %dma_start3A_416] : memref<1000000x64xf32, #tpu.memory_space<hbm>> -> memref<1x64xf32, #tpu.memory_space<hbm>>
      tpu.enqueue_dma source(%dma_start3A_417 : memref<1x64xf32, #tpu.memory_space<hbm>>) target(%dma_start3A_415 : memref<1x64xf32, #tpu.memory_space<vmem>>) target_semaphore(%dma_start3A_412 : memref<!tpu.dma_semaphore, #tpu.memory_space<semaphore_mem>>)
      %slice3A_418 = vector.extract_strided_slice %get3A_199 {offsets = [11], sizes = [1], strides = [1]} : vector<16xi32> to vector<1xi32>
      %squeeze3A_419 = vector.extract %slice3A_418[0] : i32 from vector<1xi32>
      %mul3A_420 = arith.constant 16 : i32
      %mul3A_421 = arith.muli %scan3A_195, %mul3A_420 : i32
      %add3A_422 = arith.constant 11 : i32
      %add3A_423 = arith.addi %mul3A_421, %add3A_422 : i32
      %dma_start3A_424 = arith.constant 0 : i32
      %dma_start3A_425 = arith.constant 0 : i32
      %dma_start3A_426 = arith.constant 0 : i32
      %dma_start3A_427 = tpu.memref_slice %arg6[%dma_start3A_424, %add3A_423, %dma_start3A_426] : memref<2x640x64xf32, #tpu.memory_space<vmem>> -> memref<1x1x64xf32, #tpu.memory_space<vmem>>
      %dma_start3A_428 = tpu.memref_squeeze %dma_start3A_427 : memref<1x1x64xf32, #tpu.memory_space<vmem>> -> memref<1x64xf32, #tpu.memory_space<vmem>>
      %dma_start3A_429 = arith.constant 0 : i32
      %dma_start3A_430 = tpu.memref_slice %arg3[%squeeze3A_419, %dma_start3A_429] : memref<1000000x64xf32, #tpu.memory_space<hbm>> -> memref<1x64xf32, #tpu.memory_space<hbm>>
      %dma_start3A_431 = tpu.memref_slice %arg7[%dma_start3A_425] : memref<2x!tpu.dma_semaphore, #tpu.memory_space<semaphore_mem>> -> memref<1x!tpu.dma_semaphore, #tpu.memory_space<semaphore_mem>>
      %dma_start3A_432 = tpu.memref_squeeze %dma_start3A_431 : memref<1x!tpu.dma_semaphore, #tpu.memory_space<semaphore_mem>> -> memref<!tpu.dma_semaphore, #tpu.memory_space<semaphore_mem>>
      %dma_start3A_433 = arith.constant 0 : i32
      %dma_start3A_434 = tpu.memref_slice %arg6[%dma_start3A_424, %add3A_423, %dma_start3A_433] : memref<2x640x64xf32, #tpu.memory_space<vmem>> -> memref<1x1x64xf32, #tpu.memory_space<vmem>>
      %dma_start3A_435 = tpu.memref_squeeze %dma_start3A_434 : memref<1x1x64xf32, #tpu.memory_space<vmem>> -> memref<1x64xf32, #tpu.memory_space<vmem>>
      %dma_start3A_436 = arith.constant 0 : i32
      %dma_start3A_437 = tpu.memref_slice %arg3[%squeeze3A_419, %dma_start3A_436] : memref<1000000x64xf32, #tpu.memory_space<hbm>> -> memref<1x64xf32, #tpu.memory_space<hbm>>
      tpu.enqueue_dma source(%dma_start3A_437 : memref<1x64xf32, #tpu.memory_space<hbm>>) target(%dma_start3A_435 : memref<1x64xf32, #tpu.memory_space<vmem>>) target_semaphore(%dma_start3A_432 : memref<!tpu.dma_semaphore, #tpu.memory_space<semaphore_mem>>)
      %slice3A_438 = vector.extract_strided_slice %get3A_199 {offsets = [12], sizes = [1], strides = [1]} : vector<16xi32> to vector<1xi32>
      %squeeze3A_439 = vector.extract %slice3A_438[0] : i32 from vector<1xi32>
      %mul3A_440 = arith.constant 16 : i32
      %mul3A_441 = arith.muli %scan3A_195, %mul3A_440 : i32
      %add3A_442 = arith.constant 12 : i32
      %add3A_443 = arith.addi %mul3A_441, %add3A_442 : i32
      %dma_start3A_444 = arith.constant 0 : i32
      %dma_start3A_445 = arith.constant 0 : i32
      %dma_start3A_446 = arith.constant 0 : i32
      %dma_start3A_447 = tpu.memref_slice %arg6[%dma_start3A_444, %add3A_443, %dma_start3A_446] : memref<2x640x64xf32, #tpu.memory_space<vmem>> -> memref<1x1x64xf32, #tpu.memory_space<vmem>>
      %dma_start3A_448 = tpu.memref_squeeze %dma_start3A_447 : memref<1x1x64xf32, #tpu.memory_space<vmem>> -> memref<1x64xf32, #tpu.memory_space<vmem>>
      %dma_start3A_449 = arith.constant 0 : i32
      %dma_start3A_450 = tpu.memref_slice %arg3[%squeeze3A_439, %dma_start3A_449] : memref<1000000x64xf32, #tpu.memory_space<hbm>> -> memref<1x64xf32, #tpu.memory_space<hbm>>
      %dma_start3A_451 = tpu.memref_slice %arg7[%dma_start3A_445] : memref<2x!tpu.dma_semaphore, #tpu.memory_space<semaphore_mem>> -> memref<1x!tpu.dma_semaphore, #tpu.memory_space<semaphore_mem>>
      %dma_start3A_452 = tpu.memref_squeeze %dma_start3A_451 : memref<1x!tpu.dma_semaphore, #tpu.memory_space<semaphore_mem>> -> memref<!tpu.dma_semaphore, #tpu.memory_space<semaphore_mem>>
      %dma_start3A_453 = arith.constant 0 : i32
      %dma_start3A_454 = tpu.memref_slice %arg6[%dma_start3A_444, %add3A_443, %dma_start3A_453] : memref<2x640x64xf32, #tpu.memory_space<vmem>> -> memref<1x1x64xf32, #tpu.memory_space<vmem>>
      %dma_start3A_455 = tpu.memref_squeeze %dma_start3A_454 : memref<1x1x64xf32, #tpu.memory_space<vmem>> -> memref<1x64xf32, #tpu.memory_space<vmem>>
      %dma_start3A_456 = arith.constant 0 : i32
      %dma_start3A_457 = tpu.memref_slice %arg3[%squeeze3A_439, %dma_start3A_456] : memref<1000000x64xf32, #tpu.memory_space<hbm>> -> memref<1x64xf32, #tpu.memory_space<hbm>>
      tpu.enqueue_dma source(%dma_start3A_457 : memref<1x64xf32, #tpu.memory_space<hbm>>) target(%dma_start3A_455 : memref<1x64xf32, #tpu.memory_space<vmem>>) target_semaphore(%dma_start3A_452 : memref<!tpu.dma_semaphore, #tpu.memory_space<semaphore_mem>>)
      %slice3A_458 = vector.extract_strided_slice %get3A_199 {offsets = [13], sizes = [1], strides = [1]} : vector<16xi32> to vector<1xi32>
      %squeeze3A_459 = vector.extract %slice3A_458[0] : i32 from vector<1xi32>
      %mul3A_460 = arith.constant 16 : i32
      %mul3A_461 = arith.muli %scan3A_195, %mul3A_460 : i32
      %add3A_462 = arith.constant 13 : i32
      %add3A_463 = arith.addi %mul3A_461, %add3A_462 : i32
      %dma_start3A_464 = arith.constant 0 : i32
      %dma_start3A_465 = arith.constant 0 : i32
      %dma_start3A_466 = arith.constant 0 : i32
      %dma_start3A_467 = tpu.memref_slice %arg6[%dma_start3A_464, %add3A_463, %dma_start3A_466] : memref<2x640x64xf32, #tpu.memory_space<vmem>> -> memref<1x1x64xf32, #tpu.memory_space<vmem>>
      %dma_start3A_468 = tpu.memref_squeeze %dma_start3A_467 : memref<1x1x64xf32, #tpu.memory_space<vmem>> -> memref<1x64xf32, #tpu.memory_space<vmem>>
      %dma_start3A_469 = arith.constant 0 : i32
      %dma_start3A_470 = tpu.memref_slice %arg3[%squeeze3A_459, %dma_start3A_469] : memref<1000000x64xf32, #tpu.memory_space<hbm>> -> memref<1x64xf32, #tpu.memory_space<hbm>>
      %dma_start3A_471 = tpu.memref_slice %arg7[%dma_start3A_465] : memref<2x!tpu.dma_semaphore, #tpu.memory_space<semaphore_mem>> -> memref<1x!tpu.dma_semaphore, #tpu.memory_space<semaphore_mem>>
      %dma_start3A_472 = tpu.memref_squeeze %dma_start3A_471 : memref<1x!tpu.dma_semaphore, #tpu.memory_space<semaphore_mem>> -> memref<!tpu.dma_semaphore, #tpu.memory_space<semaphore_mem>>
      %dma_start3A_473 = arith.constant 0 : i32
      %dma_start3A_474 = tpu.memref_slice %arg6[%dma_start3A_464, %add3A_463, %dma_start3A_473] : memref<2x640x64xf32, #tpu.memory_space<vmem>> -> memref<1x1x64xf32, #tpu.memory_space<vmem>>
      %dma_start3A_475 = tpu.memref_squeeze %dma_start3A_474 : memref<1x1x64xf32, #tpu.memory_space<vmem>> -> memref<1x64xf32, #tpu.memory_space<vmem>>
      %dma_start3A_476 = arith.constant 0 : i32
      %dma_start3A_477 = tpu.memref_slice %arg3[%squeeze3A_459, %dma_start3A_476] : memref<1000000x64xf32, #tpu.memory_space<hbm>> -> memref<1x64xf32, #tpu.memory_space<hbm>>
      tpu.enqueue_dma source(%dma_start3A_477 : memref<1x64xf32, #tpu.memory_space<hbm>>) target(%dma_start3A_475 : memref<1x64xf32, #tpu.memory_space<vmem>>) target_semaphore(%dma_start3A_472 : memref<!tpu.dma_semaphore, #tpu.memory_space<semaphore_mem>>)
      %slice3A_478 = vector.extract_strided_slice %get3A_199 {offsets = [14], sizes = [1], strides = [1]} : vector<16xi32> to vector<1xi32>
      %squeeze3A_479 = vector.extract %slice3A_478[0] : i32 from vector<1xi32>
      %mul3A_480 = arith.constant 16 : i32
      %mul3A_481 = arith.muli %scan3A_195, %mul3A_480 : i32
      %add3A_482 = arith.constant 14 : i32
      %add3A_483 = arith.addi %mul3A_481, %add3A_482 : i32
      %dma_start3A_484 = arith.constant 0 : i32
      %dma_start3A_485 = arith.constant 0 : i32
      %dma_start3A_486 = arith.constant 0 : i32
      %dma_start3A_487 = tpu.memref_slice %arg6[%dma_start3A_484, %add3A_483, %dma_start3A_486] : memref<2x640x64xf32, #tpu.memory_space<vmem>> -> memref<1x1x64xf32, #tpu.memory_space<vmem>>
      %dma_start3A_488 = tpu.memref_squeeze %dma_start3A_487 : memref<1x1x64xf32, #tpu.memory_space<vmem>> -> memref<1x64xf32, #tpu.memory_space<vmem>>
      %dma_start3A_489 = arith.constant 0 : i32
      %dma_start3A_490 = tpu.memref_slice %arg3[%squeeze3A_479, %dma_start3A_489] : memref<1000000x64xf32, #tpu.memory_space<hbm>> -> memref<1x64xf32, #tpu.memory_space<hbm>>
      %dma_start3A_491 = tpu.memref_slice %arg7[%dma_start3A_485] : memref<2x!tpu.dma_semaphore, #tpu.memory_space<semaphore_mem>> -> memref<1x!tpu.dma_semaphore, #tpu.memory_space<semaphore_mem>>
      %dma_start3A_492 = tpu.memref_squeeze %dma_start3A_491 : memref<1x!tpu.dma_semaphore, #tpu.memory_space<semaphore_mem>> -> memref<!tpu.dma_semaphore, #tpu.memory_space<semaphore_mem>>
      %dma_start3A_493 = arith.constant 0 : i32
      %dma_start3A_494 = tpu.memref_slice %arg6[%dma_start3A_484, %add3A_483, %dma_start3A_493] : memref<2x640x64xf32, #tpu.memory_space<vmem>> -> memref<1x1x64xf32, #tpu.memory_space<vmem>>
      %dma_start3A_495 = tpu.memref_squeeze %dma_start3A_494 : memref<1x1x64xf32, #tpu.memory_space<vmem>> -> memref<1x64xf32, #tpu.memory_space<vmem>>
      %dma_start3A_496 = arith.constant 0 : i32
      %dma_start3A_497 = tpu.memref_slice %arg3[%squeeze3A_479, %dma_start3A_496] : memref<1000000x64xf32, #tpu.memory_space<hbm>> -> memref<1x64xf32, #tpu.memory_space<hbm>>
      tpu.enqueue_dma source(%dma_start3A_497 : memref<1x64xf32, #tpu.memory_space<hbm>>) target(%dma_start3A_495 : memref<1x64xf32, #tpu.memory_space<vmem>>) target_semaphore(%dma_start3A_492 : memref<!tpu.dma_semaphore, #tpu.memory_space<semaphore_mem>>)
      %slice3A_498 = vector.extract_strided_slice %get3A_199 {offsets = [15], sizes = [1], strides = [1]} : vector<16xi32> to vector<1xi32>
      %squeeze3A_499 = vector.extract %slice3A_498[0] : i32 from vector<1xi32>
      %mul3A_500 = arith.constant 16 : i32
      %mul3A_501 = arith.muli %scan3A_195, %mul3A_500 : i32
      %add3A_502 = arith.constant 15 : i32
      %add3A_503 = arith.addi %mul3A_501, %add3A_502 : i32
      %dma_start3A_504 = arith.constant 0 : i32
      %dma_start3A_505 = arith.constant 0 : i32
      %dma_start3A_506 = arith.constant 0 : i32
      %dma_start3A_507 = tpu.memref_slice %arg6[%dma_start3A_504, %add3A_503, %dma_start3A_506] : memref<2x640x64xf32, #tpu.memory_space<vmem>> -> memref<1x1x64xf32, #tpu.memory_space<vmem>>
      %dma_start3A_508 = tpu.memref_squeeze %dma_start3A_507 : memref<1x1x64xf32, #tpu.memory_space<vmem>> -> memref<1x64xf32, #tpu.memory_space<vmem>>
      %dma_start3A_509 = arith.constant 0 : i32
      %dma_start3A_510 = tpu.memref_slice %arg3[%squeeze3A_499, %dma_start3A_509] : memref<1000000x64xf32, #tpu.memory_space<hbm>> -> memref<1x64xf32, #tpu.memory_space<hbm>>
      %dma_start3A_511 = tpu.memref_slice %arg7[%dma_start3A_505] : memref<2x!tpu.dma_semaphore, #tpu.memory_space<semaphore_mem>> -> memref<1x!tpu.dma_semaphore, #tpu.memory_space<semaphore_mem>>
      %dma_start3A_512 = tpu.memref_squeeze %dma_start3A_511 : memref<1x!tpu.dma_semaphore, #tpu.memory_space<semaphore_mem>> -> memref<!tpu.dma_semaphore, #tpu.memory_space<semaphore_mem>>
      %dma_start3A_513 = arith.constant 0 : i32
      %dma_start3A_514 = tpu.memref_slice %arg6[%dma_start3A_504, %add3A_503, %dma_start3A_513] : memref<2x640x64xf32, #tpu.memory_space<vmem>> -> memref<1x1x64xf32, #tpu.memory_space<vmem>>
      %dma_start3A_515 = tpu.memref_squeeze %dma_start3A_514 : memref<1x1x64xf32, #tpu.memory_space<vmem>> -> memref<1x64xf32, #tpu.memory_space<vmem>>
      %dma_start3A_516 = arith.constant 0 : i32
      %dma_start3A_517 = tpu.memref_slice %arg3[%squeeze3A_499, %dma_start3A_516] : memref<1000000x64xf32, #tpu.memory_space<hbm>> -> memref<1x64xf32, #tpu.memory_space<hbm>>
      tpu.enqueue_dma source(%dma_start3A_517 : memref<1x64xf32, #tpu.memory_space<hbm>>) target(%dma_start3A_515 : memref<1x64xf32, #tpu.memory_space<vmem>>) target_semaphore(%dma_start3A_512 : memref<!tpu.dma_semaphore, #tpu.memory_space<semaphore_mem>>)
    }
    %scan3A_7 = arith.constant 40 : i32
    %scan3A_8 = arith.constant 0 : i32
    %scan3A_9 = arith.constant 0 : i32
    %scan3A_10 = arith.constant 640 : i32
    %scan3A_11 = arith.addi %scan3A_9, %scan3A_10 : i32
    %scan3A_12 = arith.constant 1 : i32
    scf.for %scan3A_195 = %scan3A_9 to %scan3A_11 step %scan3A_12  : i32 {
      %dma_wait3A_196 = arith.constant 0 : i32
      %dma_wait3A_197 = arith.constant 0 : i32
      %dma_wait3A_198 = arith.constant 0 : i32
      %dma_wait3A_199 = arith.constant 0 : i32
      %dma_wait3A_200 = tpu.memref_slice %arg6[%dma_wait3A_196, %dma_wait3A_198, %dma_wait3A_199] : memref<2x640x64xf32, #tpu.memory_space<vmem>> -> memref<1x1x64xf32, #tpu.memory_space<vmem>>
      %dma_wait3A_201 = tpu.memref_squeeze %dma_wait3A_200 : memref<1x1x64xf32, #tpu.memory_space<vmem>> -> memref<1x64xf32, #tpu.memory_space<vmem>>
      %dma_wait3A_202 = arith.constant 0 : i32
      %dma_wait3A_203 = arith.constant 0 : i32
      %dma_wait3A_204 = tpu.memref_slice %arg3[%dma_wait3A_202, %dma_wait3A_203] : memref<1000000x64xf32, #tpu.memory_space<hbm>> -> memref<1x64xf32, #tpu.memory_space<hbm>>
      %dma_wait3A_205 = tpu.memref_slice %arg7[%dma_wait3A_197] : memref<2x!tpu.dma_semaphore, #tpu.memory_space<semaphore_mem>> -> memref<1x!tpu.dma_semaphore, #tpu.memory_space<semaphore_mem>>
      %dma_wait3A_206 = tpu.memref_squeeze %dma_wait3A_205 : memref<1x!tpu.dma_semaphore, #tpu.memory_space<semaphore_mem>> -> memref<!tpu.dma_semaphore, #tpu.memory_space<semaphore_mem>>
      %dma_wait3A_207 = arith.constant 0 : i32
      %dma_wait3A_208 = arith.constant 0 : i32
      %dma_wait3A_209 = tpu.memref_slice %arg6[%dma_wait3A_196, %dma_wait3A_207, %dma_wait3A_208] : memref<2x640x64xf32, #tpu.memory_space<vmem>> -> memref<1x1x64xf32, #tpu.memory_space<vmem>>
      %dma_wait3A_210 = tpu.memref_squeeze %dma_wait3A_209 : memref<1x1x64xf32, #tpu.memory_space<vmem>> -> memref<1x64xf32, #tpu.memory_space<vmem>>
      %dma_wait3A_211 = arith.constant 0 : i32
      %dma_wait3A_212 = arith.constant 0 : i32
      %dma_wait3A_213 = tpu.memref_slice %arg3[%dma_wait3A_211, %dma_wait3A_212] : memref<1000000x64xf32, #tpu.memory_space<hbm>> -> memref<1x64xf32, #tpu.memory_space<hbm>>
      tpu.wait_dma2 semaphore(%dma_wait3A_206 : memref<!tpu.dma_semaphore, #tpu.memory_space<semaphore_mem>>) src(%dma_wait3A_213 : memref<1x64xf32, #tpu.memory_space<hbm>>) dst(%dma_wait3A_210 : memref<1x64xf32, #tpu.memory_space<vmem>>)
    }
    %scan3A_13 = arith.constant 640 : i32
    %add3A_14 = arith.constant 0 : i32
    %add3A_15 = arith.addi %mul3A_2, %add3A_14 : i32
    %dma_start3A = arith.constant 0 : i32
    %dma_start3A_16 = arith.constant 0 : i32
    %dma_start3A_17 = arith.constant 0 : i32
    %dma_start3A_18 = arith.constant 0 : i32
    %dma_start3A_19 = tpu.memref_slice %arg6[%dma_start3A, %dma_start3A_17, %dma_start3A_18] : memref<2x640x64xf32, #tpu.memory_space<vmem>> -> memref<1x640x64xf32, #tpu.memory_space<vmem>>
    %dma_start3A_20 = tpu.memref_squeeze %dma_start3A_19 : memref<1x640x64xf32, #tpu.memory_space<vmem>> -> memref<640x64xf32, #tpu.memory_space<vmem>>
    %dma_start3A_21 = arith.constant 0 : i32
    %dma_start3A_22 = tpu.memref_slice %arg4[%add3A_15, %dma_start3A_21] : memref<81920x64xf32, #tpu.memory_space<hbm>> -> memref<640x64xf32, #tpu.memory_space<hbm>>
    %dma_start3A_23 = tpu.memref_slice %arg8[%dma_start3A_16] : memref<2x!tpu.dma_semaphore, #tpu.memory_space<semaphore_mem>> -> memref<1x!tpu.dma_semaphore, #tpu.memory_space<semaphore_mem>>
    %dma_start3A_24 = tpu.memref_squeeze %dma_start3A_23 : memref<1x!tpu.dma_semaphore, #tpu.memory_space<semaphore_mem>> -> memref<!tpu.dma_semaphore, #tpu.memory_space<semaphore_mem>>
    %dma_start3A_25 = arith.constant 0 : i32
    %dma_start3A_26 = tpu.memref_slice %arg4[%add3A_15, %dma_start3A_25] : memref<81920x64xf32, #tpu.memory_space<hbm>> -> memref<640x64xf32, #tpu.memory_space<hbm>>
    %dma_start3A_27 = arith.constant 0 : i32
    %dma_start3A_28 = arith.constant 0 : i32
    %dma_start3A_29 = tpu.memref_slice %arg6[%dma_start3A, %dma_start3A_27, %dma_start3A_28] : memref<2x640x64xf32, #tpu.memory_space<vmem>> -> memref<1x640x64xf32, #tpu.memory_space<vmem>>
    %dma_start3A_30 = tpu.memref_squeeze %dma_start3A_29 : memref<1x640x64xf32, #tpu.memory_space<vmem>> -> memref<640x64xf32, #tpu.memory_space<vmem>>
    tpu.enqueue_dma source(%dma_start3A_30 : memref<640x64xf32, #tpu.memory_space<vmem>>) target(%dma_start3A_26 : memref<640x64xf32, #tpu.memory_space<hbm>>) target_semaphore(%dma_start3A_24 : memref<!tpu.dma_semaphore, #tpu.memory_space<semaphore_mem>>)
    %run_scoped3A_31 = arith.constant 1 : i32
    "tpu.region"() ({
      %run_scoped3A_195 = tpu.sem_alloc : memref<!tpu.dma_semaphore, #tpu.memory_space<semaphore_mem>>
      %dma_start3A_196 = arith.constant 0 : i32
      %dma_start3A_197 = tpu.memref_slice %arg2[%add3A, %run_scoped3A_31, %dma_start3A_196] : memref<32x4x640xi32, #tpu.memory_space<hbm>> -> memref<1x1x640xi32, #tpu.memory_space<hbm>>
      %dma_start3A_198 = tpu.memref_squeeze %dma_start3A_197 : memref<1x1x640xi32, #tpu.memory_space<hbm>> -> memref<640xi32, #tpu.memory_space<hbm>>
      %dma_start3A_199 = arith.constant 0 : i32
      %dma_start3A_200 = tpu.memref_slice %arg2[%add3A, %run_scoped3A_31, %dma_start3A_199] : memref<32x4x640xi32, #tpu.memory_space<hbm>> -> memref<1x1x640xi32, #tpu.memory_space<hbm>>
      %dma_start3A_201 = tpu.memref_squeeze %dma_start3A_200 : memref<1x1x640xi32, #tpu.memory_space<hbm>> -> memref<640xi32, #tpu.memory_space<hbm>>
      tpu.enqueue_dma source(%dma_start3A_201 : memref<640xi32, #tpu.memory_space<hbm>>) target(%arg5 : memref<640xi32, #tpu.memory_space<vmem>>) target_semaphore(%run_scoped3A_195 : memref<!tpu.dma_semaphore, #tpu.memory_space<semaphore_mem>>)
      %dma_wait3A_202 = arith.constant 0 : i32
      %dma_wait3A_203 = tpu.memref_slice %arg2[%add3A, %run_scoped3A_31, %dma_wait3A_202] : memref<32x4x640xi32, #tpu.memory_space<hbm>> -> memref<1x1x640xi32, #tpu.memory_space<hbm>>
      %dma_wait3A_204 = tpu.memref_squeeze %dma_wait3A_203 : memref<1x1x640xi32, #tpu.memory_space<hbm>> -> memref<640xi32, #tpu.memory_space<hbm>>
      %dma_wait3A_205 = arith.constant 0 : i32
      %dma_wait3A_206 = tpu.memref_slice %arg2[%add3A, %run_scoped3A_31, %dma_wait3A_205] : memref<32x4x640xi32, #tpu.memory_space<hbm>> -> memref<1x1x640xi32, #tpu.memory_space<hbm>>
      %dma_wait3A_207 = tpu.memref_squeeze %dma_wait3A_206 : memref<1x1x640xi32, #tpu.memory_space<hbm>> -> memref<640xi32, #tpu.memory_space<hbm>>
      tpu.wait_dma2 semaphore(%run_scoped3A_195 : memref<!tpu.dma_semaphore, #tpu.memory_space<semaphore_mem>>) src(%dma_wait3A_207 : memref<640xi32, #tpu.memory_space<hbm>>) dst(%arg5 : memref<640xi32, #tpu.memory_space<vmem>>)
      tpu.yield
    }) : () -> ()
    %scan3A_32 = arith.constant 0 : i32
    %scan3A_33 = arith.constant 0 : i32
    %scan3A_34 = arith.constant 40 : i32
    %scan3A_35 = arith.addi %scan3A_33, %scan3A_34 : i32
    %scan3A_36 = arith.constant 1 : i32
    scf.for %scan3A_195 = %scan3A_33 to %scan3A_35 step %scan3A_36  : i32 {
      %mul3A_196 = arith.constant 16 : i32
      %mul3A_197 = arith.muli %scan3A_195, %mul3A_196 : i32
      %get3A = arith.index_cast %mul3A_197 : i32 to index
      %get3A_198 = tpu.vector_load %arg5[%get3A] {strides = array<i32>} : memref<640xi32, #tpu.memory_space<vmem>>, vector<16xi32>,
      %get3A_199 = vector.shape_cast %get3A_198 : vector<16xi32> to vector<16xi32>
      %slice3A = vector.extract_strided_slice %get3A_199 {offsets = [0], sizes = [1], strides = [1]} : vector<16xi32> to vector<1xi32>
      %squeeze3A = vector.extract %slice3A[0] : i32 from vector<1xi32>
      %mul3A_200 = arith.constant 16 : i32
      %mul3A_201 = arith.muli %scan3A_195, %mul3A_200 : i32
      %add3A_202 = arith.constant 0 : i32
      %add3A_203 = arith.addi %mul3A_201, %add3A_202 : i32
      %dma_start3A_204 = arith.constant 1 : i32
      %dma_start3A_205 = arith.constant 1 : i32
      %dma_start3A_206 = arith.constant 0 : i32
      %dma_start3A_207 = tpu.memref_slice %arg6[%dma_start3A_204, %add3A_203, %dma_start3A_206] : memref<2x640x64xf32, #tpu.memory_space<vmem>> -> memref<1x1x64xf32, #tpu.memory_space<vmem>>
      %dma_start3A_208 = tpu.memref_squeeze %dma_start3A_207 : memref<1x1x64xf32, #tpu.memory_space<vmem>> -> memref<1x64xf32, #tpu.memory_space<vmem>>
      %dma_start3A_209 = arith.constant 0 : i32
      %dma_start3A_210 = tpu.memref_slice %arg3[%squeeze3A, %dma_start3A_209] : memref<1000000x64xf32, #tpu.memory_space<hbm>> -> memref<1x64xf32, #tpu.memory_space<hbm>>
      %dma_start3A_211 = tpu.memref_slice %arg7[%dma_start3A_205] : memref<2x!tpu.dma_semaphore, #tpu.memory_space<semaphore_mem>> -> memref<1x!tpu.dma_semaphore, #tpu.memory_space<semaphore_mem>>
      %dma_start3A_212 = tpu.memref_squeeze %dma_start3A_211 : memref<1x!tpu.dma_semaphore, #tpu.memory_space<semaphore_mem>> -> memref<!tpu.dma_semaphore, #tpu.memory_space<semaphore_mem>>
      %dma_start3A_213 = arith.constant 0 : i32
      %dma_start3A_214 = tpu.memref_slice %arg6[%dma_start3A_204, %add3A_203, %dma_start3A_213] : memref<2x640x64xf32, #tpu.memory_space<vmem>> -> memref<1x1x64xf32, #tpu.memory_space<vmem>>
      %dma_start3A_215 = tpu.memref_squeeze %dma_start3A_214 : memref<1x1x64xf32, #tpu.memory_space<vmem>> -> memref<1x64xf32, #tpu.memory_space<vmem>>
      %dma_start3A_216 = arith.constant 0 : i32
      %dma_start3A_217 = tpu.memref_slice %arg3[%squeeze3A, %dma_start3A_216] : memref<1000000x64xf32, #tpu.memory_space<hbm>> -> memref<1x64xf32, #tpu.memory_space<hbm>>
      tpu.enqueue_dma source(%dma_start3A_217 : memref<1x64xf32, #tpu.memory_space<hbm>>) target(%dma_start3A_215 : memref<1x64xf32, #tpu.memory_space<vmem>>) target_semaphore(%dma_start3A_212 : memref<!tpu.dma_semaphore, #tpu.memory_space<semaphore_mem>>)
      %slice3A_218 = vector.extract_strided_slice %get3A_199 {offsets = [1], sizes = [1], strides = [1]} : vector<16xi32> to vector<1xi32>
      %squeeze3A_219 = vector.extract %slice3A_218[0] : i32 from vector<1xi32>
      %mul3A_220 = arith.constant 16 : i32
      %mul3A_221 = arith.muli %scan3A_195, %mul3A_220 : i32
      %add3A_222 = arith.constant 1 : i32
      %add3A_223 = arith.addi %mul3A_221, %add3A_222 : i32
      %dma_start3A_224 = arith.constant 1 : i32
      %dma_start3A_225 = arith.constant 1 : i32
      %dma_start3A_226 = arith.constant 0 : i32
      %dma_start3A_227 = tpu.memref_slice %arg6[%dma_start3A_224, %add3A_223, %dma_start3A_226] : memref<2x640x64xf32, #tpu.memory_space<vmem>> -> memref<1x1x64xf32, #tpu.memory_space<vmem>>
      %dma_start3A_228 = tpu.memref_squeeze %dma_start3A_227 : memref<1x1x64xf32, #tpu.memory_space<vmem>> -> memref<1x64xf32, #tpu.memory_space<vmem>>
      %dma_start3A_229 = arith.constant 0 : i32
      %dma_start3A_230 = tpu.memref_slice %arg3[%squeeze3A_219, %dma_start3A_229] : memref<1000000x64xf32, #tpu.memory_space<hbm>> -> memref<1x64xf32, #tpu.memory_space<hbm>>
      %dma_start3A_231 = tpu.memref_slice %arg7[%dma_start3A_225] : memref<2x!tpu.dma_semaphore, #tpu.memory_space<semaphore_mem>> -> memref<1x!tpu.dma_semaphore, #tpu.memory_space<semaphore_mem>>
      %dma_start3A_232 = tpu.memref_squeeze %dma_start3A_231 : memref<1x!tpu.dma_semaphore, #tpu.memory_space<semaphore_mem>> -> memref<!tpu.dma_semaphore, #tpu.memory_space<semaphore_mem>>
      %dma_start3A_233 = arith.constant 0 : i32
      %dma_start3A_234 = tpu.memref_slice %arg6[%dma_start3A_224, %add3A_223, %dma_start3A_233] : memref<2x640x64xf32, #tpu.memory_space<vmem>> -> memref<1x1x64xf32, #tpu.memory_space<vmem>>
      %dma_start3A_235 = tpu.memref_squeeze %dma_start3A_234 : memref<1x1x64xf32, #tpu.memory_space<vmem>> -> memref<1x64xf32, #tpu.memory_space<vmem>>
      %dma_start3A_236 = arith.constant 0 : i32
      %dma_start3A_237 = tpu.memref_slice %arg3[%squeeze3A_219, %dma_start3A_236] : memref<1000000x64xf32, #tpu.memory_space<hbm>> -> memref<1x64xf32, #tpu.memory_space<hbm>>
      tpu.enqueue_dma source(%dma_start3A_237 : memref<1x64xf32, #tpu.memory_space<hbm>>) target(%dma_start3A_235 : memref<1x64xf32, #tpu.memory_space<vmem>>) target_semaphore(%dma_start3A_232 : memref<!tpu.dma_semaphore, #tpu.memory_space<semaphore_mem>>)
      %slice3A_238 = vector.extract_strided_slice %get3A_199 {offsets = [2], sizes = [1], strides = [1]} : vector<16xi32> to vector<1xi32>
      %squeeze3A_239 = vector.extract %slice3A_238[0] : i32 from vector<1xi32>
      %mul3A_240 = arith.constant 16 : i32
      %mul3A_241 = arith.muli %scan3A_195, %mul3A_240 : i32
      %add3A_242 = arith.constant 2 : i32
      %add3A_243 = arith.addi %mul3A_241, %add3A_242 : i32
      %dma_start3A_244 = arith.constant 1 : i32
      %dma_start3A_245 = arith.constant 1 : i32
      %dma_start3A_246 = arith.constant 0 : i32
      %dma_start3A_247 = tpu.memref_slice %arg6[%dma_start3A_244, %add3A_243, %dma_start3A_246] : memref<2x640x64xf32, #tpu.memory_space<vmem>> -> memref<1x1x64xf32, #tpu.memory_space<vmem>>
      %dma_start3A_248 = tpu.memref_squeeze %dma_start3A_247 : memref<1x1x64xf32, #tpu.memory_space<vmem>> -> memref<1x64xf32, #tpu.memory_space<vmem>>
      %dma_start3A_249 = arith.constant 0 : i32
      %dma_start3A_250 = tpu.memref_slice %arg3[%squeeze3A_239, %dma_start3A_249] : memref<1000000x64xf32, #tpu.memory_space<hbm>> -> memref<1x64xf32, #tpu.memory_space<hbm>>
      %dma_start3A_251 = tpu.memref_slice %arg7[%dma_start3A_245] : memref<2x!tpu.dma_semaphore, #tpu.memory_space<semaphore_mem>> -> memref<1x!tpu.dma_semaphore, #tpu.memory_space<semaphore_mem>>
      %dma_start3A_252 = tpu.memref_squeeze %dma_start3A_251 : memref<1x!tpu.dma_semaphore, #tpu.memory_space<semaphore_mem>> -> memref<!tpu.dma_semaphore, #tpu.memory_space<semaphore_mem>>
      %dma_start3A_253 = arith.constant 0 : i32
      %dma_start3A_254 = tpu.memref_slice %arg6[%dma_start3A_244, %add3A_243, %dma_start3A_253] : memref<2x640x64xf32, #tpu.memory_space<vmem>> -> memref<1x1x64xf32, #tpu.memory_space<vmem>>
      %dma_start3A_255 = tpu.memref_squeeze %dma_start3A_254 : memref<1x1x64xf32, #tpu.memory_space<vmem>> -> memref<1x64xf32, #tpu.memory_space<vmem>>
      %dma_start3A_256 = arith.constant 0 : i32
      %dma_start3A_257 = tpu.memref_slice %arg3[%squeeze3A_239, %dma_start3A_256] : memref<1000000x64xf32, #tpu.memory_space<hbm>> -> memref<1x64xf32, #tpu.memory_space<hbm>>
      tpu.enqueue_dma source(%dma_start3A_257 : memref<1x64xf32, #tpu.memory_space<hbm>>) target(%dma_start3A_255 : memref<1x64xf32, #tpu.memory_space<vmem>>) target_semaphore(%dma_start3A_252 : memref<!tpu.dma_semaphore, #tpu.memory_space<semaphore_mem>>)
      %slice3A_258 = vector.extract_strided_slice %get3A_199 {offsets = [3], sizes = [1], strides = [1]} : vector<16xi32> to vector<1xi32>
      %squeeze3A_259 = vector.extract %slice3A_258[0] : i32 from vector<1xi32>
      %mul3A_260 = arith.constant 16 : i32
      %mul3A_261 = arith.muli %scan3A_195, %mul3A_260 : i32
      %add3A_262 = arith.constant 3 : i32
      %add3A_263 = arith.addi %mul3A_261, %add3A_262 : i32
      %dma_start3A_264 = arith.constant 1 : i32
      %dma_start3A_265 = arith.constant 1 : i32
      %dma_start3A_266 = arith.constant 0 : i32
      %dma_start3A_267 = tpu.memref_slice %arg6[%dma_start3A_264, %add3A_263, %dma_start3A_266] : memref<2x640x64xf32, #tpu.memory_space<vmem>> -> memref<1x1x64xf32, #tpu.memory_space<vmem>>
      %dma_start3A_268 = tpu.memref_squeeze %dma_start3A_267 : memref<1x1x64xf32, #tpu.memory_space<vmem>> -> memref<1x64xf32, #tpu.memory_space<vmem>>
      %dma_start3A_269 = arith.constant 0 : i32
      %dma_start3A_270 = tpu.memref_slice %arg3[%squeeze3A_259, %dma_start3A_269] : memref<1000000x64xf32, #tpu.memory_space<hbm>> -> memref<1x64xf32, #tpu.memory_space<hbm>>
      %dma_start3A_271 = tpu.memref_slice %arg7[%dma_start3A_265] : memref<2x!tpu.dma_semaphore, #tpu.memory_space<semaphore_mem>> -> memref<1x!tpu.dma_semaphore, #tpu.memory_space<semaphore_mem>>
      %dma_start3A_272 = tpu.memref_squeeze %dma_start3A_271 : memref<1x!tpu.dma_semaphore, #tpu.memory_space<semaphore_mem>> -> memref<!tpu.dma_semaphore, #tpu.memory_space<semaphore_mem>>
      %dma_start3A_273 = arith.constant 0 : i32
      %dma_start3A_274 = tpu.memref_slice %arg6[%dma_start3A_264, %add3A_263, %dma_start3A_273] : memref<2x640x64xf32, #tpu.memory_space<vmem>> -> memref<1x1x64xf32, #tpu.memory_space<vmem>>
      %dma_start3A_275 = tpu.memref_squeeze %dma_start3A_274 : memref<1x1x64xf32, #tpu.memory_space<vmem>> -> memref<1x64xf32, #tpu.memory_space<vmem>>
      %dma_start3A_276 = arith.constant 0 : i32
      %dma_start3A_277 = tpu.memref_slice %arg3[%squeeze3A_259, %dma_start3A_276] : memref<1000000x64xf32, #tpu.memory_space<hbm>> -> memref<1x64xf32, #tpu.memory_space<hbm>>
      tpu.enqueue_dma source(%dma_start3A_277 : memref<1x64xf32, #tpu.memory_space<hbm>>) target(%dma_start3A_275 : memref<1x64xf32, #tpu.memory_space<vmem>>) target_semaphore(%dma_start3A_272 : memref<!tpu.dma_semaphore, #tpu.memory_space<semaphore_mem>>)
      %slice3A_278 = vector.extract_strided_slice %get3A_199 {offsets = [4], sizes = [1], strides = [1]} : vector<16xi32> to vector<1xi32>
      %squeeze3A_279 = vector.extract %slice3A_278[0] : i32 from vector<1xi32>
      %mul3A_280 = arith.constant 16 : i32
      %mul3A_281 = arith.muli %scan3A_195, %mul3A_280 : i32
      %add3A_282 = arith.constant 4 : i32
      %add3A_283 = arith.addi %mul3A_281, %add3A_282 : i32
      %dma_start3A_284 = arith.constant 1 : i32
      %dma_start3A_285 = arith.constant 1 : i32
      %dma_start3A_286 = arith.constant 0 : i32
      %dma_start3A_287 = tpu.memref_slice %arg6[%dma_start3A_284, %add3A_283, %dma_start3A_286] : memref<2x640x64xf32, #tpu.memory_space<vmem>> -> memref<1x1x64xf32, #tpu.memory_space<vmem>>
      %dma_start3A_288 = tpu.memref_squeeze %dma_start3A_287 : memref<1x1x64xf32, #tpu.memory_space<vmem>> -> memref<1x64xf32, #tpu.memory_space<vmem>>
      %dma_start3A_289 = arith.constant 0 : i32
      %dma_start3A_290 = tpu.memref_slice %arg3[%squeeze3A_279, %dma_start3A_289] : memref<1000000x64xf32, #tpu.memory_space<hbm>> -> memref<1x64xf32, #tpu.memory_space<hbm>>
      %dma_start3A_291 = tpu.memref_slice %arg7[%dma_start3A_285] : memref<2x!tpu.dma_semaphore, #tpu.memory_space<semaphore_mem>> -> memref<1x!tpu.dma_semaphore, #tpu.memory_space<semaphore_mem>>
      %dma_start3A_292 = tpu.memref_squeeze %dma_start3A_291 : memref<1x!tpu.dma_semaphore, #tpu.memory_space<semaphore_mem>> -> memref<!tpu.dma_semaphore, #tpu.memory_space<semaphore_mem>>
      %dma_start3A_293 = arith.constant 0 : i32
      %dma_start3A_294 = tpu.memref_slice %arg6[%dma_start3A_284, %add3A_283, %dma_start3A_293] : memref<2x640x64xf32, #tpu.memory_space<vmem>> -> memref<1x1x64xf32, #tpu.memory_space<vmem>>
      %dma_start3A_295 = tpu.memref_squeeze %dma_start3A_294 : memref<1x1x64xf32, #tpu.memory_space<vmem>> -> memref<1x64xf32, #tpu.memory_space<vmem>>
      %dma_start3A_296 = arith.constant 0 : i32
      %dma_start3A_297 = tpu.memref_slice %arg3[%squeeze3A_279, %dma_start3A_296] : memref<1000000x64xf32, #tpu.memory_space<hbm>> -> memref<1x64xf32, #tpu.memory_space<hbm>>
      tpu.enqueue_dma source(%dma_start3A_297 : memref<1x64xf32, #tpu.memory_space<hbm>>) target(%dma_start3A_295 : memref<1x64xf32, #tpu.memory_space<vmem>>) target_semaphore(%dma_start3A_292 : memref<!tpu.dma_semaphore, #tpu.memory_space<semaphore_mem>>)
      %slice3A_298 = vector.extract_strided_slice %get3A_199 {offsets = [5], sizes = [1], strides = [1]} : vector<16xi32> to vector<1xi32>
      %squeeze3A_299 = vector.extract %slice3A_298[0] : i32 from vector<1xi32>
      %mul3A_300 = arith.constant 16 : i32
      %mul3A_301 = arith.muli %scan3A_195, %mul3A_300 : i32
      %add3A_302 = arith.constant 5 : i32
      %add3A_303 = arith.addi %mul3A_301, %add3A_302 : i32
      %dma_start3A_304 = arith.constant 1 : i32
      %dma_start3A_305 = arith.constant 1 : i32
      %dma_start3A_306 = arith.constant 0 : i32
      %dma_start3A_307 = tpu.memref_slice %arg6[%dma_start3A_304, %add3A_303, %dma_start3A_306] : memref<2x640x64xf32, #tpu.memory_space<vmem>> -> memref<1x1x64xf32, #tpu.memory_space<vmem>>
      %dma_start3A_308 = tpu.memref_squeeze %dma_start3A_307 : memref<1x1x64xf32, #tpu.memory_space<vmem>> -> memref<1x64xf32, #tpu.memory_space<vmem>>
      %dma_start3A_309 = arith.constant 0 : i32
      %dma_start3A_310 = tpu.memref_slice %arg3[%squeeze3A_299, %dma_start3A_309] : memref<1000000x64xf32, #tpu.memory_space<hbm>> -> memref<1x64xf32, #tpu.memory_space<hbm>>
      %dma_start3A_311 = tpu.memref_slice %arg7[%dma_start3A_305] : memref<2x!tpu.dma_semaphore, #tpu.memory_space<semaphore_mem>> -> memref<1x!tpu.dma_semaphore, #tpu.memory_space<semaphore_mem>>
      %dma_start3A_312 = tpu.memref_squeeze %dma_start3A_311 : memref<1x!tpu.dma_semaphore, #tpu.memory_space<semaphore_mem>> -> memref<!tpu.dma_semaphore, #tpu.memory_space<semaphore_mem>>
      %dma_start3A_313 = arith.constant 0 : i32
      %dma_start3A_314 = tpu.memref_slice %arg6[%dma_start3A_304, %add3A_303, %dma_start3A_313] : memref<2x640x64xf32, #tpu.memory_space<vmem>> -> memref<1x1x64xf32, #tpu.memory_space<vmem>>
      %dma_start3A_315 = tpu.memref_squeeze %dma_start3A_314 : memref<1x1x64xf32, #tpu.memory_space<vmem>> -> memref<1x64xf32, #tpu.memory_space<vmem>>
      %dma_start3A_316 = arith.constant 0 : i32
      %dma_start3A_317 = tpu.memref_slice %arg3[%squeeze3A_299, %dma_start3A_316] : memref<1000000x64xf32, #tpu.memory_space<hbm>> -> memref<1x64xf32, #tpu.memory_space<hbm>>
      tpu.enqueue_dma source(%dma_start3A_317 : memref<1x64xf32, #tpu.memory_space<hbm>>) target(%dma_start3A_315 : memref<1x64xf32, #tpu.memory_space<vmem>>) target_semaphore(%dma_start3A_312 : memref<!tpu.dma_semaphore, #tpu.memory_space<semaphore_mem>>)
      %slice3A_318 = vector.extract_strided_slice %get3A_199 {offsets = [6], sizes = [1], strides = [1]} : vector<16xi32> to vector<1xi32>
      %squeeze3A_319 = vector.extract %slice3A_318[0] : i32 from vector<1xi32>
      %mul3A_320 = arith.constant 16 : i32
      %mul3A_321 = arith.muli %scan3A_195, %mul3A_320 : i32
      %add3A_322 = arith.constant 6 : i32
      %add3A_323 = arith.addi %mul3A_321, %add3A_322 : i32
      %dma_start3A_324 = arith.constant 1 : i32
      %dma_start3A_325 = arith.constant 1 : i32
      %dma_start3A_326 = arith.constant 0 : i32
      %dma_start3A_327 = tpu.memref_slice %arg6[%dma_start3A_324, %add3A_323, %dma_start3A_326] : memref<2x640x64xf32, #tpu.memory_space<vmem>> -> memref<1x1x64xf32, #tpu.memory_space<vmem>>
      %dma_start3A_328 = tpu.memref_squeeze %dma_start3A_327 : memref<1x1x64xf32, #tpu.memory_space<vmem>> -> memref<1x64xf32, #tpu.memory_space<vmem>>
      %dma_start3A_329 = arith.constant 0 : i32
      %dma_start3A_330 = tpu.memref_slice %arg3[%squeeze3A_319, %dma_start3A_329] : memref<1000000x64xf32, #tpu.memory_space<hbm>> -> memref<1x64xf32, #tpu.memory_space<hbm>>
      %dma_start3A_331 = tpu.memref_slice %arg7[%dma_start3A_325] : memref<2x!tpu.dma_semaphore, #tpu.memory_space<semaphore_mem>> -> memref<1x!tpu.dma_semaphore, #tpu.memory_space<semaphore_mem>>
      %dma_start3A_332 = tpu.memref_squeeze %dma_start3A_331 : memref<1x!tpu.dma_semaphore, #tpu.memory_space<semaphore_mem>> -> memref<!tpu.dma_semaphore, #tpu.memory_space<semaphore_mem>>
      %dma_start3A_333 = arith.constant 0 : i32
      %dma_start3A_334 = tpu.memref_slice %arg6[%dma_start3A_324, %add3A_323, %dma_start3A_333] : memref<2x640x64xf32, #tpu.memory_space<vmem>> -> memref<1x1x64xf32, #tpu.memory_space<vmem>>
      %dma_start3A_335 = tpu.memref_squeeze %dma_start3A_334 : memref<1x1x64xf32, #tpu.memory_space<vmem>> -> memref<1x64xf32, #tpu.memory_space<vmem>>
      %dma_start3A_336 = arith.constant 0 : i32
      %dma_start3A_337 = tpu.memref_slice %arg3[%squeeze3A_319, %dma_start3A_336] : memref<1000000x64xf32, #tpu.memory_space<hbm>> -> memref<1x64xf32, #tpu.memory_space<hbm>>
      tpu.enqueue_dma source(%dma_start3A_337 : memref<1x64xf32, #tpu.memory_space<hbm>>) target(%dma_start3A_335 : memref<1x64xf32, #tpu.memory_space<vmem>>) target_semaphore(%dma_start3A_332 : memref<!tpu.dma_semaphore, #tpu.memory_space<semaphore_mem>>)
      %slice3A_338 = vector.extract_strided_slice %get3A_199 {offsets = [7], sizes = [1], strides = [1]} : vector<16xi32> to vector<1xi32>
      %squeeze3A_339 = vector.extract %slice3A_338[0] : i32 from vector<1xi32>
      %mul3A_340 = arith.constant 16 : i32
      %mul3A_341 = arith.muli %scan3A_195, %mul3A_340 : i32
      %add3A_342 = arith.constant 7 : i32
      %add3A_343 = arith.addi %mul3A_341, %add3A_342 : i32
      %dma_start3A_344 = arith.constant 1 : i32
      %dma_start3A_345 = arith.constant 1 : i32
      %dma_start3A_346 = arith.constant 0 : i32
      %dma_start3A_347 = tpu.memref_slice %arg6[%dma_start3A_344, %add3A_343, %dma_start3A_346] : memref<2x640x64xf32, #tpu.memory_space<vmem>> -> memref<1x1x64xf32, #tpu.memory_space<vmem>>
      %dma_start3A_348 = tpu.memref_squeeze %dma_start3A_347 : memref<1x1x64xf32, #tpu.memory_space<vmem>> -> memref<1x64xf32, #tpu.memory_space<vmem>>
      %dma_start3A_349 = arith.constant 0 : i32
      %dma_start3A_350 = tpu.memref_slice %arg3[%squeeze3A_339, %dma_start3A_349] : memref<1000000x64xf32, #tpu.memory_space<hbm>> -> memref<1x64xf32, #tpu.memory_space<hbm>>
      %dma_start3A_351 = tpu.memref_slice %arg7[%dma_start3A_345] : memref<2x!tpu.dma_semaphore, #tpu.memory_space<semaphore_mem>> -> memref<1x!tpu.dma_semaphore, #tpu.memory_space<semaphore_mem>>
      %dma_start3A_352 = tpu.memref_squeeze %dma_start3A_351 : memref<1x!tpu.dma_semaphore, #tpu.memory_space<semaphore_mem>> -> memref<!tpu.dma_semaphore, #tpu.memory_space<semaphore_mem>>
      %dma_start3A_353 = arith.constant 0 : i32
      %dma_start3A_354 = tpu.memref_slice %arg6[%dma_start3A_344, %add3A_343, %dma_start3A_353] : memref<2x640x64xf32, #tpu.memory_space<vmem>> -> memref<1x1x64xf32, #tpu.memory_space<vmem>>
      %dma_start3A_355 = tpu.memref_squeeze %dma_start3A_354 : memref<1x1x64xf32, #tpu.memory_space<vmem>> -> memref<1x64xf32, #tpu.memory_space<vmem>>
      %dma_start3A_356 = arith.constant 0 : i32
      %dma_start3A_357 = tpu.memref_slice %arg3[%squeeze3A_339, %dma_start3A_356] : memref<1000000x64xf32, #tpu.memory_space<hbm>> -> memref<1x64xf32, #tpu.memory_space<hbm>>
      tpu.enqueue_dma source(%dma_start3A_357 : memref<1x64xf32, #tpu.memory_space<hbm>>) target(%dma_start3A_355 : memref<1x64xf32, #tpu.memory_space<vmem>>) target_semaphore(%dma_start3A_352 : memref<!tpu.dma_semaphore, #tpu.memory_space<semaphore_mem>>)
      %slice3A_358 = vector.extract_strided_slice %get3A_199 {offsets = [8], sizes = [1], strides = [1]} : vector<16xi32> to vector<1xi32>
      %squeeze3A_359 = vector.extract %slice3A_358[0] : i32 from vector<1xi32>
      %mul3A_360 = arith.constant 16 : i32
      %mul3A_361 = arith.muli %scan3A_195, %mul3A_360 : i32
      %add3A_362 = arith.constant 8 : i32
      %add3A_363 = arith.addi %mul3A_361, %add3A_362 : i32
      %dma_start3A_364 = arith.constant 1 : i32
      %dma_start3A_365 = arith.constant 1 : i32
      %dma_start3A_366 = arith.constant 0 : i32
      %dma_start3A_367 = tpu.memref_slice %arg6[%dma_start3A_364, %add3A_363, %dma_start3A_366] : memref<2x640x64xf32, #tpu.memory_space<vmem>> -> memref<1x1x64xf32, #tpu.memory_space<vmem>>
      %dma_start3A_368 = tpu.memref_squeeze %dma_start3A_367 : memref<1x1x64xf32, #tpu.memory_space<vmem>> -> memref<1x64xf32, #tpu.memory_space<vmem>>
      %dma_start3A_369 = arith.constant 0 : i32
      %dma_start3A_370 = tpu.memref_slice %arg3[%squeeze3A_359, %dma_start3A_369] : memref<1000000x64xf32, #tpu.memory_space<hbm>> -> memref<1x64xf32, #tpu.memory_space<hbm>>
      %dma_start3A_371 = tpu.memref_slice %arg7[%dma_start3A_365] : memref<2x!tpu.dma_semaphore, #tpu.memory_space<semaphore_mem>> -> memref<1x!tpu.dma_semaphore, #tpu.memory_space<semaphore_mem>>
      %dma_start3A_372 = tpu.memref_squeeze %dma_start3A_371 : memref<1x!tpu.dma_semaphore, #tpu.memory_space<semaphore_mem>> -> memref<!tpu.dma_semaphore, #tpu.memory_space<semaphore_mem>>
      %dma_start3A_373 = arith.constant 0 : i32
      %dma_start3A_374 = tpu.memref_slice %arg6[%dma_start3A_364, %add3A_363, %dma_start3A_373] : memref<2x640x64xf32, #tpu.memory_space<vmem>> -> memref<1x1x64xf32, #tpu.memory_space<vmem>>
      %dma_start3A_375 = tpu.memref_squeeze %dma_start3A_374 : memref<1x1x64xf32, #tpu.memory_space<vmem>> -> memref<1x64xf32, #tpu.memory_space<vmem>>
      %dma_start3A_376 = arith.constant 0 : i32
      %dma_start3A_377 = tpu.memref_slice %arg3[%squeeze3A_359, %dma_start3A_376] : memref<1000000x64xf32, #tpu.memory_space<hbm>> -> memref<1x64xf32, #tpu.memory_space<hbm>>
      tpu.enqueue_dma source(%dma_start3A_377 : memref<1x64xf32, #tpu.memory_space<hbm>>) target(%dma_start3A_375 : memref<1x64xf32, #tpu.memory_space<vmem>>) target_semaphore(%dma_start3A_372 : memref<!tpu.dma_semaphore, #tpu.memory_space<semaphore_mem>>)
      %slice3A_378 = vector.extract_strided_slice %get3A_199 {offsets = [9], sizes = [1], strides = [1]} : vector<16xi32> to vector<1xi32>
      %squeeze3A_379 = vector.extract %slice3A_378[0] : i32 from vector<1xi32>
      %mul3A_380 = arith.constant 16 : i32
      %mul3A_381 = arith.muli %scan3A_195, %mul3A_380 : i32
      %add3A_382 = arith.constant 9 : i32
      %add3A_383 = arith.addi %mul3A_381, %add3A_382 : i32
      %dma_start3A_384 = arith.constant 1 : i32
      %dma_start3A_385 = arith.constant 1 : i32
      %dma_start3A_386 = arith.constant 0 : i32
      %dma_start3A_387 = tpu.memref_slice %arg6[%dma_start3A_384, %add3A_383, %dma_start3A_386] : memref<2x640x64xf32, #tpu.memory_space<vmem>> -> memref<1x1x64xf32, #tpu.memory_space<vmem>>
      %dma_start3A_388 = tpu.memref_squeeze %dma_start3A_387 : memref<1x1x64xf32, #tpu.memory_space<vmem>> -> memref<1x64xf32, #tpu.memory_space<vmem>>
      %dma_start3A_389 = arith.constant 0 : i32
      %dma_start3A_390 = tpu.memref_slice %arg3[%squeeze3A_379, %dma_start3A_389] : memref<1000000x64xf32, #tpu.memory_space<hbm>> -> memref<1x64xf32, #tpu.memory_space<hbm>>
      %dma_start3A_391 = tpu.memref_slice %arg7[%dma_start3A_385] : memref<2x!tpu.dma_semaphore, #tpu.memory_space<semaphore_mem>> -> memref<1x!tpu.dma_semaphore, #tpu.memory_space<semaphore_mem>>
      %dma_start3A_392 = tpu.memref_squeeze %dma_start3A_391 : memref<1x!tpu.dma_semaphore, #tpu.memory_space<semaphore_mem>> -> memref<!tpu.dma_semaphore, #tpu.memory_space<semaphore_mem>>
      %dma_start3A_393 = arith.constant 0 : i32
      %dma_start3A_394 = tpu.memref_slice %arg6[%dma_start3A_384, %add3A_383, %dma_start3A_393] : memref<2x640x64xf32, #tpu.memory_space<vmem>> -> memref<1x1x64xf32, #tpu.memory_space<vmem>>
      %dma_start3A_395 = tpu.memref_squeeze %dma_start3A_394 : memref<1x1x64xf32, #tpu.memory_space<vmem>> -> memref<1x64xf32, #tpu.memory_space<vmem>>
      %dma_start3A_396 = arith.constant 0 : i32
      %dma_start3A_397 = tpu.memref_slice %arg3[%squeeze3A_379, %dma_start3A_396] : memref<1000000x64xf32, #tpu.memory_space<hbm>> -> memref<1x64xf32, #tpu.memory_space<hbm>>
      tpu.enqueue_dma source(%dma_start3A_397 : memref<1x64xf32, #tpu.memory_space<hbm>>) target(%dma_start3A_395 : memref<1x64xf32, #tpu.memory_space<vmem>>) target_semaphore(%dma_start3A_392 : memref<!tpu.dma_semaphore, #tpu.memory_space<semaphore_mem>>)
      %slice3A_398 = vector.extract_strided_slice %get3A_199 {offsets = [10], sizes = [1], strides = [1]} : vector<16xi32> to vector<1xi32>
      %squeeze3A_399 = vector.extract %slice3A_398[0] : i32 from vector<1xi32>
      %mul3A_400 = arith.constant 16 : i32
      %mul3A_401 = arith.muli %scan3A_195, %mul3A_400 : i32
      %add3A_402 = arith.constant 10 : i32
      %add3A_403 = arith.addi %mul3A_401, %add3A_402 : i32
      %dma_start3A_404 = arith.constant 1 : i32
      %dma_start3A_405 = arith.constant 1 : i32
      %dma_start3A_406 = arith.constant 0 : i32
      %dma_start3A_407 = tpu.memref_slice %arg6[%dma_start3A_404, %add3A_403, %dma_start3A_406] : memref<2x640x64xf32, #tpu.memory_space<vmem>> -> memref<1x1x64xf32, #tpu.memory_space<vmem>>
      %dma_start3A_408 = tpu.memref_squeeze %dma_start3A_407 : memref<1x1x64xf32, #tpu.memory_space<vmem>> -> memref<1x64xf32, #tpu.memory_space<vmem>>
      %dma_start3A_409 = arith.constant 0 : i32
      %dma_start3A_410 = tpu.memref_slice %arg3[%squeeze3A_399, %dma_start3A_409] : memref<1000000x64xf32, #tpu.memory_space<hbm>> -> memref<1x64xf32, #tpu.memory_space<hbm>>
      %dma_start3A_411 = tpu.memref_slice %arg7[%dma_start3A_405] : memref<2x!tpu.dma_semaphore, #tpu.memory_space<semaphore_mem>> -> memref<1x!tpu.dma_semaphore, #tpu.memory_space<semaphore_mem>>
      %dma_start3A_412 = tpu.memref_squeeze %dma_start3A_411 : memref<1x!tpu.dma_semaphore, #tpu.memory_space<semaphore_mem>> -> memref<!tpu.dma_semaphore, #tpu.memory_space<semaphore_mem>>
      %dma_start3A_413 = arith.constant 0 : i32
      %dma_start3A_414 = tpu.memref_slice %arg6[%dma_start3A_404, %add3A_403, %dma_start3A_413] : memref<2x640x64xf32, #tpu.memory_space<vmem>> -> memref<1x1x64xf32, #tpu.memory_space<vmem>>
      %dma_start3A_415 = tpu.memref_squeeze %dma_start3A_414 : memref<1x1x64xf32, #tpu.memory_space<vmem>> -> memref<1x64xf32, #tpu.memory_space<vmem>>
      %dma_start3A_416 = arith.constant 0 : i32
      %dma_start3A_417 = tpu.memref_slice %arg3[%squeeze3A_399, %dma_start3A_416] : memref<1000000x64xf32, #tpu.memory_space<hbm>> -> memref<1x64xf32, #tpu.memory_space<hbm>>
      tpu.enqueue_dma source(%dma_start3A_417 : memref<1x64xf32, #tpu.memory_space<hbm>>) target(%dma_start3A_415 : memref<1x64xf32, #tpu.memory_space<vmem>>) target_semaphore(%dma_start3A_412 : memref<!tpu.dma_semaphore, #tpu.memory_space<semaphore_mem>>)
      %slice3A_418 = vector.extract_strided_slice %get3A_199 {offsets = [11], sizes = [1], strides = [1]} : vector<16xi32> to vector<1xi32>
      %squeeze3A_419 = vector.extract %slice3A_418[0] : i32 from vector<1xi32>
      %mul3A_420 = arith.constant 16 : i32
      %mul3A_421 = arith.muli %scan3A_195, %mul3A_420 : i32
      %add3A_422 = arith.constant 11 : i32
      %add3A_423 = arith.addi %mul3A_421, %add3A_422 : i32
      %dma_start3A_424 = arith.constant 1 : i32
      %dma_start3A_425 = arith.constant 1 : i32
      %dma_start3A_426 = arith.constant 0 : i32
      %dma_start3A_427 = tpu.memref_slice %arg6[%dma_start3A_424, %add3A_423, %dma_start3A_426] : memref<2x640x64xf32, #tpu.memory_space<vmem>> -> memref<1x1x64xf32, #tpu.memory_space<vmem>>
      %dma_start3A_428 = tpu.memref_squeeze %dma_start3A_427 : memref<1x1x64xf32, #tpu.memory_space<vmem>> -> memref<1x64xf32, #tpu.memory_space<vmem>>
      %dma_start3A_429 = arith.constant 0 : i32
      %dma_start3A_430 = tpu.memref_slice %arg3[%squeeze3A_419, %dma_start3A_429] : memref<1000000x64xf32, #tpu.memory_space<hbm>> -> memref<1x64xf32, #tpu.memory_space<hbm>>
      %dma_start3A_431 = tpu.memref_slice %arg7[%dma_start3A_425] : memref<2x!tpu.dma_semaphore, #tpu.memory_space<semaphore_mem>> -> memref<1x!tpu.dma_semaphore, #tpu.memory_space<semaphore_mem>>
      %dma_start3A_432 = tpu.memref_squeeze %dma_start3A_431 : memref<1x!tpu.dma_semaphore, #tpu.memory_space<semaphore_mem>> -> memref<!tpu.dma_semaphore, #tpu.memory_space<semaphore_mem>>
      %dma_start3A_433 = arith.constant 0 : i32
      %dma_start3A_434 = tpu.memref_slice %arg6[%dma_start3A_424, %add3A_423, %dma_start3A_433] : memref<2x640x64xf32, #tpu.memory_space<vmem>> -> memref<1x1x64xf32, #tpu.memory_space<vmem>>
      %dma_start3A_435 = tpu.memref_squeeze %dma_start3A_434 : memref<1x1x64xf32, #tpu.memory_space<vmem>> -> memref<1x64xf32, #tpu.memory_space<vmem>>
      %dma_start3A_436 = arith.constant 0 : i32
      %dma_start3A_437 = tpu.memref_slice %arg3[%squeeze3A_419, %dma_start3A_436] : memref<1000000x64xf32, #tpu.memory_space<hbm>> -> memref<1x64xf32, #tpu.memory_space<hbm>>
      tpu.enqueue_dma source(%dma_start3A_437 : memref<1x64xf32, #tpu.memory_space<hbm>>) target(%dma_start3A_435 : memref<1x64xf32, #tpu.memory_space<vmem>>) target_semaphore(%dma_start3A_432 : memref<!tpu.dma_semaphore, #tpu.memory_space<semaphore_mem>>)
      %slice3A_438 = vector.extract_strided_slice %get3A_199 {offsets = [12], sizes = [1], strides = [1]} : vector<16xi32> to vector<1xi32>
      %squeeze3A_439 = vector.extract %slice3A_438[0] : i32 from vector<1xi32>
      %mul3A_440 = arith.constant 16 : i32
      %mul3A_441 = arith.muli %scan3A_195, %mul3A_440 : i32
      %add3A_442 = arith.constant 12 : i32
      %add3A_443 = arith.addi %mul3A_441, %add3A_442 : i32
      %dma_start3A_444 = arith.constant 1 : i32
      %dma_start3A_445 = arith.constant 1 : i32
      %dma_start3A_446 = arith.constant 0 : i32
      %dma_start3A_447 = tpu.memref_slice %arg6[%dma_start3A_444, %add3A_443, %dma_start3A_446] : memref<2x640x64xf32, #tpu.memory_space<vmem>> -> memref<1x1x64xf32, #tpu.memory_space<vmem>>
      %dma_start3A_448 = tpu.memref_squeeze %dma_start3A_447 : memref<1x1x64xf32, #tpu.memory_space<vmem>> -> memref<1x64xf32, #tpu.memory_space<vmem>>
      %dma_start3A_449 = arith.constant 0 : i32
      %dma_start3A_450 = tpu.memref_slice %arg3[%squeeze3A_439, %dma_start3A_449] : memref<1000000x64xf32, #tpu.memory_space<hbm>> -> memref<1x64xf32, #tpu.memory_space<hbm>>
      %dma_start3A_451 = tpu.memref_slice %arg7[%dma_start3A_445] : memref<2x!tpu.dma_semaphore, #tpu.memory_space<semaphore_mem>> -> memref<1x!tpu.dma_semaphore, #tpu.memory_space<semaphore_mem>>
      %dma_start3A_452 = tpu.memref_squeeze %dma_start3A_451 : memref<1x!tpu.dma_semaphore, #tpu.memory_space<semaphore_mem>> -> memref<!tpu.dma_semaphore, #tpu.memory_space<semaphore_mem>>
      %dma_start3A_453 = arith.constant 0 : i32
      %dma_start3A_454 = tpu.memref_slice %arg6[%dma_start3A_444, %add3A_443, %dma_start3A_453] : memref<2x640x64xf32, #tpu.memory_space<vmem>> -> memref<1x1x64xf32, #tpu.memory_space<vmem>>
      %dma_start3A_455 = tpu.memref_squeeze %dma_start3A_454 : memref<1x1x64xf32, #tpu.memory_space<vmem>> -> memref<1x64xf32, #tpu.memory_space<vmem>>
      %dma_start3A_456 = arith.constant 0 : i32
      %dma_start3A_457 = tpu.memref_slice %arg3[%squeeze3A_439, %dma_start3A_456] : memref<1000000x64xf32, #tpu.memory_space<hbm>> -> memref<1x64xf32, #tpu.memory_space<hbm>>
      tpu.enqueue_dma source(%dma_start3A_457 : memref<1x64xf32, #tpu.memory_space<hbm>>) target(%dma_start3A_455 : memref<1x64xf32, #tpu.memory_space<vmem>>) target_semaphore(%dma_start3A_452 : memref<!tpu.dma_semaphore, #tpu.memory_space<semaphore_mem>>)
      %slice3A_458 = vector.extract_strided_slice %get3A_199 {offsets = [13], sizes = [1], strides = [1]} : vector<16xi32> to vector<1xi32>
      %squeeze3A_459 = vector.extract %slice3A_458[0] : i32 from vector<1xi32>
      %mul3A_460 = arith.constant 16 : i32
      %mul3A_461 = arith.muli %scan3A_195, %mul3A_460 : i32
      %add3A_462 = arith.constant 13 : i32
      %add3A_463 = arith.addi %mul3A_461, %add3A_462 : i32
      %dma_start3A_464 = arith.constant 1 : i32
      %dma_start3A_465 = arith.constant 1 : i32
      %dma_start3A_466 = arith.constant 0 : i32
      %dma_start3A_467 = tpu.memref_slice %arg6[%dma_start3A_464, %add3A_463, %dma_start3A_466] : memref<2x640x64xf32, #tpu.memory_space<vmem>> -> memref<1x1x64xf32, #tpu.memory_space<vmem>>
      %dma_start3A_468 = tpu.memref_squeeze %dma_start3A_467 : memref<1x1x64xf32, #tpu.memory_space<vmem>> -> memref<1x64xf32, #tpu.memory_space<vmem>>
      %dma_start3A_469 = arith.constant 0 : i32
      %dma_start3A_470 = tpu.memref_slice %arg3[%squeeze3A_459, %dma_start3A_469] : memref<1000000x64xf32, #tpu.memory_space<hbm>> -> memref<1x64xf32, #tpu.memory_space<hbm>>
      %dma_start3A_471 = tpu.memref_slice %arg7[%dma_start3A_465] : memref<2x!tpu.dma_semaphore, #tpu.memory_space<semaphore_mem>> -> memref<1x!tpu.dma_semaphore, #tpu.memory_space<semaphore_mem>>
      %dma_start3A_472 = tpu.memref_squeeze %dma_start3A_471 : memref<1x!tpu.dma_semaphore, #tpu.memory_space<semaphore_mem>> -> memref<!tpu.dma_semaphore, #tpu.memory_space<semaphore_mem>>
      %dma_start3A_473 = arith.constant 0 : i32
      %dma_start3A_474 = tpu.memref_slice %arg6[%dma_start3A_464, %add3A_463, %dma_start3A_473] : memref<2x640x64xf32, #tpu.memory_space<vmem>> -> memref<1x1x64xf32, #tpu.memory_space<vmem>>
      %dma_start3A_475 = tpu.memref_squeeze %dma_start3A_474 : memref<1x1x64xf32, #tpu.memory_space<vmem>> -> memref<1x64xf32, #tpu.memory_space<vmem>>
      %dma_start3A_476 = arith.constant 0 : i32
      %dma_start3A_477 = tpu.memref_slice %arg3[%squeeze3A_459, %dma_start3A_476] : memref<1000000x64xf32, #tpu.memory_space<hbm>> -> memref<1x64xf32, #tpu.memory_space<hbm>>
      tpu.enqueue_dma source(%dma_start3A_477 : memref<1x64xf32, #tpu.memory_space<hbm>>) target(%dma_start3A_475 : memref<1x64xf32, #tpu.memory_space<vmem>>) target_semaphore(%dma_start3A_472 : memref<!tpu.dma_semaphore, #tpu.memory_space<semaphore_mem>>)
      %slice3A_478 = vector.extract_strided_slice %get3A_199 {offsets = [14], sizes = [1], strides = [1]} : vector<16xi32> to vector<1xi32>
      %squeeze3A_479 = vector.extract %slice3A_478[0] : i32 from vector<1xi32>
      %mul3A_480 = arith.constant 16 : i32
      %mul3A_481 = arith.muli %scan3A_195, %mul3A_480 : i32
      %add3A_482 = arith.constant 14 : i32
      %add3A_483 = arith.addi %mul3A_481, %add3A_482 : i32
      %dma_start3A_484 = arith.constant 1 : i32
      %dma_start3A_485 = arith.constant 1 : i32
      %dma_start3A_486 = arith.constant 0 : i32
      %dma_start3A_487 = tpu.memref_slice %arg6[%dma_start3A_484, %add3A_483, %dma_start3A_486] : memref<2x640x64xf32, #tpu.memory_space<vmem>> -> memref<1x1x64xf32, #tpu.memory_space<vmem>>
      %dma_start3A_488 = tpu.memref_squeeze %dma_start3A_487 : memref<1x1x64xf32, #tpu.memory_space<vmem>> -> memref<1x64xf32, #tpu.memory_space<vmem>>
      %dma_start3A_489 = arith.constant 0 : i32
      %dma_start3A_490 = tpu.memref_slice %arg3[%squeeze3A_479, %dma_start3A_489] : memref<1000000x64xf32, #tpu.memory_space<hbm>> -> memref<1x64xf32, #tpu.memory_space<hbm>>
      %dma_start3A_491 = tpu.memref_slice %arg7[%dma_start3A_485] : memref<2x!tpu.dma_semaphore, #tpu.memory_space<semaphore_mem>> -> memref<1x!tpu.dma_semaphore, #tpu.memory_space<semaphore_mem>>
      %dma_start3A_492 = tpu.memref_squeeze %dma_start3A_491 : memref<1x!tpu.dma_semaphore, #tpu.memory_space<semaphore_mem>> -> memref<!tpu.dma_semaphore, #tpu.memory_space<semaphore_mem>>
      %dma_start3A_493 = arith.constant 0 : i32
      %dma_start3A_494 = tpu.memref_slice %arg6[%dma_start3A_484, %add3A_483, %dma_start3A_493] : memref<2x640x64xf32, #tpu.memory_space<vmem>> -> memref<1x1x64xf32, #tpu.memory_space<vmem>>
      %dma_start3A_495 = tpu.memref_squeeze %dma_start3A_494 : memref<1x1x64xf32, #tpu.memory_space<vmem>> -> memref<1x64xf32, #tpu.memory_space<vmem>>
      %dma_start3A_496 = arith.constant 0 : i32
      %dma_start3A_497 = tpu.memref_slice %arg3[%squeeze3A_479, %dma_start3A_496] : memref<1000000x64xf32, #tpu.memory_space<hbm>> -> memref<1x64xf32, #tpu.memory_space<hbm>>
      tpu.enqueue_dma source(%dma_start3A_497 : memref<1x64xf32, #tpu.memory_space<hbm>>) target(%dma_start3A_495 : memref<1x64xf32, #tpu.memory_space<vmem>>) target_semaphore(%dma_start3A_492 : memref<!tpu.dma_semaphore, #tpu.memory_space<semaphore_mem>>)
      %slice3A_498 = vector.extract_strided_slice %get3A_199 {offsets = [15], sizes = [1], strides = [1]} : vector<16xi32> to vector<1xi32>
      %squeeze3A_499 = vector.extract %slice3A_498[0] : i32 from vector<1xi32>
      %mul3A_500 = arith.constant 16 : i32
      %mul3A_501 = arith.muli %scan3A_195, %mul3A_500 : i32
      %add3A_502 = arith.constant 15 : i32
      %add3A_503 = arith.addi %mul3A_501, %add3A_502 : i32
      %dma_start3A_504 = arith.constant 1 : i32
      %dma_start3A_505 = arith.constant 1 : i32
      %dma_start3A_506 = arith.constant 0 : i32
      %dma_start3A_507 = tpu.memref_slice %arg6[%dma_start3A_504, %add3A_503, %dma_start3A_506] : memref<2x640x64xf32, #tpu.memory_space<vmem>> -> memref<1x1x64xf32, #tpu.memory_space<vmem>>
      %dma_start3A_508 = tpu.memref_squeeze %dma_start3A_507 : memref<1x1x64xf32, #tpu.memory_space<vmem>> -> memref<1x64xf32, #tpu.memory_space<vmem>>
      %dma_start3A_509 = arith.constant 0 : i32
      %dma_start3A_510 = tpu.memref_slice %arg3[%squeeze3A_499, %dma_start3A_509] : memref<1000000x64xf32, #tpu.memory_space<hbm>> -> memref<1x64xf32, #tpu.memory_space<hbm>>
      %dma_start3A_511 = tpu.memref_slice %arg7[%dma_start3A_505] : memref<2x!tpu.dma_semaphore, #tpu.memory_space<semaphore_mem>> -> memref<1x!tpu.dma_semaphore, #tpu.memory_space<semaphore_mem>>
      %dma_start3A_512 = tpu.memref_squeeze %dma_start3A_511 : memref<1x!tpu.dma_semaphore, #tpu.memory_space<semaphore_mem>> -> memref<!tpu.dma_semaphore, #tpu.memory_space<semaphore_mem>>
      %dma_start3A_513 = arith.constant 0 : i32
      %dma_start3A_514 = tpu.memref_slice %arg6[%dma_start3A_504, %add3A_503, %dma_start3A_513] : memref<2x640x64xf32, #tpu.memory_space<vmem>> -> memref<1x1x64xf32, #tpu.memory_space<vmem>>
      %dma_start3A_515 = tpu.memref_squeeze %dma_start3A_514 : memref<1x1x64xf32, #tpu.memory_space<vmem>> -> memref<1x64xf32, #tpu.memory_space<vmem>>
      %dma_start3A_516 = arith.constant 0 : i32
      %dma_start3A_517 = tpu.memref_slice %arg3[%squeeze3A_499, %dma_start3A_516] : memref<1000000x64xf32, #tpu.memory_space<hbm>> -> memref<1x64xf32, #tpu.memory_space<hbm>>
      tpu.enqueue_dma source(%dma_start3A_517 : memref<1x64xf32, #tpu.memory_space<hbm>>) target(%dma_start3A_515 : memref<1x64xf32, #tpu.memory_space<vmem>>) target_semaphore(%dma_start3A_512 : memref<!tpu.dma_semaphore, #tpu.memory_space<semaphore_mem>>)
    }
    %scan3A_37 = arith.constant 40 : i32
    %scan3A_38 = arith.constant 0 : i32
    %scan3A_39 = arith.constant 0 : i32
    %scan3A_40 = arith.constant 640 : i32
    %scan3A_41 = arith.addi %scan3A_39, %scan3A_40 : i32
    %scan3A_42 = arith.constant 1 : i32
    scf.for %scan3A_195 = %scan3A_39 to %scan3A_41 step %scan3A_42  : i32 {
      %dma_wait3A_196 = arith.constant 1 : i32
      %dma_wait3A_197 = arith.constant 1 : i32
      %dma_wait3A_198 = arith.constant 0 : i32
      %dma_wait3A_199 = arith.constant 0 : i32
      %dma_wait3A_200 = tpu.memref_slice %arg6[%dma_wait3A_196, %dma_wait3A_198, %dma_wait3A_199] : memref<2x640x64xf32, #tpu.memory_space<vmem>> -> memref<1x1x64xf32, #tpu.memory_space<vmem>>
      %dma_wait3A_201 = tpu.memref_squeeze %dma_wait3A_200 : memref<1x1x64xf32, #tpu.memory_space<vmem>> -> memref<1x64xf32, #tpu.memory_space<vmem>>
      %dma_wait3A_202 = arith.constant 0 : i32
      %dma_wait3A_203 = arith.constant 0 : i32
      %dma_wait3A_204 = tpu.memref_slice %arg3[%dma_wait3A_202, %dma_wait3A_203] : memref<1000000x64xf32, #tpu.memory_space<hbm>> -> memref<1x64xf32, #tpu.memory_space<hbm>>
      %dma_wait3A_205 = tpu.memref_slice %arg7[%dma_wait3A_197] : memref<2x!tpu.dma_semaphore, #tpu.memory_space<semaphore_mem>> -> memref<1x!tpu.dma_semaphore, #tpu.memory_space<semaphore_mem>>
      %dma_wait3A_206 = tpu.memref_squeeze %dma_wait3A_205 : memref<1x!tpu.dma_semaphore, #tpu.memory_space<semaphore_mem>> -> memref<!tpu.dma_semaphore, #tpu.memory_space<semaphore_mem>>
      %dma_wait3A_207 = arith.constant 0 : i32
      %dma_wait3A_208 = arith.constant 0 : i32
      %dma_wait3A_209 = tpu.memref_slice %arg6[%dma_wait3A_196, %dma_wait3A_207, %dma_wait3A_208] : memref<2x640x64xf32, #tpu.memory_space<vmem>> -> memref<1x1x64xf32, #tpu.memory_space<vmem>>
      %dma_wait3A_210 = tpu.memref_squeeze %dma_wait3A_209 : memref<1x1x64xf32, #tpu.memory_space<vmem>> -> memref<1x64xf32, #tpu.memory_space<vmem>>
      %dma_wait3A_211 = arith.constant 0 : i32
      %dma_wait3A_212 = arith.constant 0 : i32
      %dma_wait3A_213 = tpu.memref_slice %arg3[%dma_wait3A_211, %dma_wait3A_212] : memref<1000000x64xf32, #tpu.memory_space<hbm>> -> memref<1x64xf32, #tpu.memory_space<hbm>>
      tpu.wait_dma2 semaphore(%dma_wait3A_206 : memref<!tpu.dma_semaphore, #tpu.memory_space<semaphore_mem>>) src(%dma_wait3A_213 : memref<1x64xf32, #tpu.memory_space<hbm>>) dst(%dma_wait3A_210 : memref<1x64xf32, #tpu.memory_space<vmem>>)
    }
    %scan3A_43 = arith.constant 640 : i32
    %add3A_44 = arith.constant 640 : i32
    %add3A_45 = arith.addi %mul3A_2, %add3A_44 : i32
    %dma_start3A_46 = arith.constant 1 : i32
    %dma_start3A_47 = arith.constant 1 : i32
    %dma_start3A_48 = arith.constant 0 : i32
    %dma_start3A_49 = arith.constant 0 : i32
    %dma_start3A_50 = tpu.memref_slice %arg6[%dma_start3A_46, %dma_start3A_48, %dma_start3A_49] : memref<2x640x64xf32, #tpu.memory_space<vmem>> -> memref<1x640x64xf32, #tpu.memory_space<vmem>>
    %dma_start3A_51 = tpu.memref_squeeze %dma_start3A_50 : memref<1x640x64xf32, #tpu.memory_space<vmem>> -> memref<640x64xf32, #tpu.memory_space<vmem>>
    %dma_start3A_52 = arith.constant 0 : i32
    %dma_start3A_53 = tpu.memref_slice %arg4[%add3A_45, %dma_start3A_52] : memref<81920x64xf32, #tpu.memory_space<hbm>> -> memref<640x64xf32, #tpu.memory_space<hbm>>
    %dma_start3A_54 = tpu.memref_slice %arg8[%dma_start3A_47] : memref<2x!tpu.dma_semaphore, #tpu.memory_space<semaphore_mem>> -> memref<1x!tpu.dma_semaphore, #tpu.memory_space<semaphore_mem>>
    %dma_start3A_55 = tpu.memref_squeeze %dma_start3A_54 : memref<1x!tpu.dma_semaphore, #tpu.memory_space<semaphore_mem>> -> memref<!tpu.dma_semaphore, #tpu.memory_space<semaphore_mem>>
    %dma_start3A_56 = arith.constant 0 : i32
    %dma_start3A_57 = tpu.memref_slice %arg4[%add3A_45, %dma_start3A_56] : memref<81920x64xf32, #tpu.memory_space<hbm>> -> memref<640x64xf32, #tpu.memory_space<hbm>>
    %dma_start3A_58 = arith.constant 0 : i32
    %dma_start3A_59 = arith.constant 0 : i32
    %dma_start3A_60 = tpu.memref_slice %arg6[%dma_start3A_46, %dma_start3A_58, %dma_start3A_59] : memref<2x640x64xf32, #tpu.memory_space<vmem>> -> memref<1x640x64xf32, #tpu.memory_space<vmem>>
    %dma_start3A_61 = tpu.memref_squeeze %dma_start3A_60 : memref<1x640x64xf32, #tpu.memory_space<vmem>> -> memref<640x64xf32, #tpu.memory_space<vmem>>
    tpu.enqueue_dma source(%dma_start3A_61 : memref<640x64xf32, #tpu.memory_space<vmem>>) target(%dma_start3A_57 : memref<640x64xf32, #tpu.memory_space<hbm>>) target_semaphore(%dma_start3A_55 : memref<!tpu.dma_semaphore, #tpu.memory_space<semaphore_mem>>)
    %add3A_62 = arith.constant 0 : i32
    %add3A_63 = arith.addi %mul3A_2, %add3A_62 : i32
    %dma_wait3A = arith.constant 0 : i32
    %dma_wait3A_64 = arith.constant 0 : i32
    %dma_wait3A_65 = arith.constant 0 : i32
    %dma_wait3A_66 = arith.constant 0 : i32
    %dma_wait3A_67 = tpu.memref_slice %arg6[%dma_wait3A, %dma_wait3A_65, %dma_wait3A_66] : memref<2x640x64xf32, #tpu.memory_space<vmem>> -> memref<1x640x64xf32, #tpu.memory_space<vmem>>
    %dma_wait3A_68 = tpu.memref_squeeze %dma_wait3A_67 : memref<1x640x64xf32, #tpu.memory_space<vmem>> -> memref<640x64xf32, #tpu.memory_space<vmem>>
    %dma_wait3A_69 = arith.constant 0 : i32
    %dma_wait3A_70 = tpu.memref_slice %arg4[%add3A_63, %dma_wait3A_69] : memref<81920x64xf32, #tpu.memory_space<hbm>> -> memref<640x64xf32, #tpu.memory_space<hbm>>
    %dma_wait3A_71 = tpu.memref_slice %arg8[%dma_wait3A_64] : memref<2x!tpu.dma_semaphore, #tpu.memory_space<semaphore_mem>> -> memref<1x!tpu.dma_semaphore, #tpu.memory_space<semaphore_mem>>
    %dma_wait3A_72 = tpu.memref_squeeze %dma_wait3A_71 : memref<1x!tpu.dma_semaphore, #tpu.memory_space<semaphore_mem>> -> memref<!tpu.dma_semaphore, #tpu.memory_space<semaphore_mem>>
    %dma_wait3A_73 = arith.constant 0 : i32
    %dma_wait3A_74 = tpu.memref_slice %arg4[%add3A_63, %dma_wait3A_73] : memref<81920x64xf32, #tpu.memory_space<hbm>> -> memref<640x64xf32, #tpu.memory_space<hbm>>
    %dma_wait3A_75 = arith.constant 0 : i32
    %dma_wait3A_76 = arith.constant 0 : i32
    %dma_wait3A_77 = tpu.memref_slice %arg6[%dma_wait3A, %dma_wait3A_75, %dma_wait3A_76] : memref<2x640x64xf32, #tpu.memory_space<vmem>> -> memref<1x640x64xf32, #tpu.memory_space<vmem>>
    %dma_wait3A_78 = tpu.memref_squeeze %dma_wait3A_77 : memref<1x640x64xf32, #tpu.memory_space<vmem>> -> memref<640x64xf32, #tpu.memory_space<vmem>>
    tpu.wait_dma2 semaphore(%dma_wait3A_72 : memref<!tpu.dma_semaphore, #tpu.memory_space<semaphore_mem>>) src(%dma_wait3A_78 : memref<640x64xf32, #tpu.memory_space<vmem>>) dst(%dma_wait3A_74 : memref<640x64xf32, #tpu.memory_space<hbm>>)
    %run_scoped3A_79 = arith.constant 2 : i32
    "tpu.region"() ({
      %run_scoped3A_195 = tpu.sem_alloc : memref<!tpu.dma_semaphore, #tpu.memory_space<semaphore_mem>>
      %dma_start3A_196 = arith.constant 0 : i32
      %dma_start3A_197 = tpu.memref_slice %arg2[%add3A, %run_scoped3A_79, %dma_start3A_196] : memref<32x4x640xi32, #tpu.memory_space<hbm>> -> memref<1x1x640xi32, #tpu.memory_space<hbm>>
      %dma_start3A_198 = tpu.memref_squeeze %dma_start3A_197 : memref<1x1x640xi32, #tpu.memory_space<hbm>> -> memref<640xi32, #tpu.memory_space<hbm>>
      %dma_start3A_199 = arith.constant 0 : i32
      %dma_start3A_200 = tpu.memref_slice %arg2[%add3A, %run_scoped3A_79, %dma_start3A_199] : memref<32x4x640xi32, #tpu.memory_space<hbm>> -> memref<1x1x640xi32, #tpu.memory_space<hbm>>
      %dma_start3A_201 = tpu.memref_squeeze %dma_start3A_200 : memref<1x1x640xi32, #tpu.memory_space<hbm>> -> memref<640xi32, #tpu.memory_space<hbm>>
      tpu.enqueue_dma source(%dma_start3A_201 : memref<640xi32, #tpu.memory_space<hbm>>) target(%arg5 : memref<640xi32, #tpu.memory_space<vmem>>) target_semaphore(%run_scoped3A_195 : memref<!tpu.dma_semaphore, #tpu.memory_space<semaphore_mem>>)
      %dma_wait3A_202 = arith.constant 0 : i32
      %dma_wait3A_203 = tpu.memref_slice %arg2[%add3A, %run_scoped3A_79, %dma_wait3A_202] : memref<32x4x640xi32, #tpu.memory_space<hbm>> -> memref<1x1x640xi32, #tpu.memory_space<hbm>>
      %dma_wait3A_204 = tpu.memref_squeeze %dma_wait3A_203 : memref<1x1x640xi32, #tpu.memory_space<hbm>> -> memref<640xi32, #tpu.memory_space<hbm>>
      %dma_wait3A_205 = arith.constant 0 : i32
      %dma_wait3A_206 = tpu.memref_slice %arg2[%add3A, %run_scoped3A_79, %dma_wait3A_205] : memref<32x4x640xi32, #tpu.memory_space<hbm>> -> memref<1x1x640xi32, #tpu.memory_space<hbm>>
      %dma_wait3A_207 = tpu.memref_squeeze %dma_wait3A_206 : memref<1x1x640xi32, #tpu.memory_space<hbm>> -> memref<640xi32, #tpu.memory_space<hbm>>
      tpu.wait_dma2 semaphore(%run_scoped3A_195 : memref<!tpu.dma_semaphore, #tpu.memory_space<semaphore_mem>>) src(%dma_wait3A_207 : memref<640xi32, #tpu.memory_space<hbm>>) dst(%arg5 : memref<640xi32, #tpu.memory_space<vmem>>)
      tpu.yield
    }) : () -> ()
    %scan3A_80 = arith.constant 0 : i32
    %scan3A_81 = arith.constant 0 : i32
    %scan3A_82 = arith.constant 40 : i32
    %scan3A_83 = arith.addi %scan3A_81, %scan3A_82 : i32
    %scan3A_84 = arith.constant 1 : i32
    scf.for %scan3A_195 = %scan3A_81 to %scan3A_83 step %scan3A_84  : i32 {
      %mul3A_196 = arith.constant 16 : i32
      %mul3A_197 = arith.muli %scan3A_195, %mul3A_196 : i32
      %get3A = arith.index_cast %mul3A_197 : i32 to index
      %get3A_198 = tpu.vector_load %arg5[%get3A] {strides = array<i32>} : memref<640xi32, #tpu.memory_space<vmem>>, vector<16xi32>,
      %get3A_199 = vector.shape_cast %get3A_198 : vector<16xi32> to vector<16xi32>
      %slice3A = vector.extract_strided_slice %get3A_199 {offsets = [0], sizes = [1], strides = [1]} : vector<16xi32> to vector<1xi32>
      %squeeze3A = vector.extract %slice3A[0] : i32 from vector<1xi32>
      %mul3A_200 = arith.constant 16 : i32
      %mul3A_201 = arith.muli %scan3A_195, %mul3A_200 : i32
      %add3A_202 = arith.constant 0 : i32
      %add3A_203 = arith.addi %mul3A_201, %add3A_202 : i32
      %dma_start3A_204 = arith.constant 0 : i32
      %dma_start3A_205 = arith.constant 0 : i32
      %dma_start3A_206 = arith.constant 0 : i32
      %dma_start3A_207 = tpu.memref_slice %arg6[%dma_start3A_204, %add3A_203, %dma_start3A_206] : memref<2x640x64xf32, #tpu.memory_space<vmem>> -> memref<1x1x64xf32, #tpu.memory_space<vmem>>
      %dma_start3A_208 = tpu.memref_squeeze %dma_start3A_207 : memref<1x1x64xf32, #tpu.memory_space<vmem>> -> memref<1x64xf32, #tpu.memory_space<vmem>>
      %dma_start3A_209 = arith.constant 0 : i32
      %dma_start3A_210 = tpu.memref_slice %arg3[%squeeze3A, %dma_start3A_209] : memref<1000000x64xf32, #tpu.memory_space<hbm>> -> memref<1x64xf32, #tpu.memory_space<hbm>>
      %dma_start3A_211 = tpu.memref_slice %arg7[%dma_start3A_205] : memref<2x!tpu.dma_semaphore, #tpu.memory_space<semaphore_mem>> -> memref<1x!tpu.dma_semaphore, #tpu.memory_space<semaphore_mem>>
      %dma_start3A_212 = tpu.memref_squeeze %dma_start3A_211 : memref<1x!tpu.dma_semaphore, #tpu.memory_space<semaphore_mem>> -> memref<!tpu.dma_semaphore, #tpu.memory_space<semaphore_mem>>
      %dma_start3A_213 = arith.constant 0 : i32
      %dma_start3A_214 = tpu.memref_slice %arg6[%dma_start3A_204, %add3A_203, %dma_start3A_213] : memref<2x640x64xf32, #tpu.memory_space<vmem>> -> memref<1x1x64xf32, #tpu.memory_space<vmem>>
      %dma_start3A_215 = tpu.memref_squeeze %dma_start3A_214 : memref<1x1x64xf32, #tpu.memory_space<vmem>> -> memref<1x64xf32, #tpu.memory_space<vmem>>
      %dma_start3A_216 = arith.constant 0 : i32
      %dma_start3A_217 = tpu.memref_slice %arg3[%squeeze3A, %dma_start3A_216] : memref<1000000x64xf32, #tpu.memory_space<hbm>> -> memref<1x64xf32, #tpu.memory_space<hbm>>
      tpu.enqueue_dma source(%dma_start3A_217 : memref<1x64xf32, #tpu.memory_space<hbm>>) target(%dma_start3A_215 : memref<1x64xf32, #tpu.memory_space<vmem>>) target_semaphore(%dma_start3A_212 : memref<!tpu.dma_semaphore, #tpu.memory_space<semaphore_mem>>)
      %slice3A_218 = vector.extract_strided_slice %get3A_199 {offsets = [1], sizes = [1], strides = [1]} : vector<16xi32> to vector<1xi32>
      %squeeze3A_219 = vector.extract %slice3A_218[0] : i32 from vector<1xi32>
      %mul3A_220 = arith.constant 16 : i32
      %mul3A_221 = arith.muli %scan3A_195, %mul3A_220 : i32
      %add3A_222 = arith.constant 1 : i32
      %add3A_223 = arith.addi %mul3A_221, %add3A_222 : i32
      %dma_start3A_224 = arith.constant 0 : i32
      %dma_start3A_225 = arith.constant 0 : i32
      %dma_start3A_226 = arith.constant 0 : i32
      %dma_start3A_227 = tpu.memref_slice %arg6[%dma_start3A_224, %add3A_223, %dma_start3A_226] : memref<2x640x64xf32, #tpu.memory_space<vmem>> -> memref<1x1x64xf32, #tpu.memory_space<vmem>>
      %dma_start3A_228 = tpu.memref_squeeze %dma_start3A_227 : memref<1x1x64xf32, #tpu.memory_space<vmem>> -> memref<1x64xf32, #tpu.memory_space<vmem>>
      %dma_start3A_229 = arith.constant 0 : i32
      %dma_start3A_230 = tpu.memref_slice %arg3[%squeeze3A_219, %dma_start3A_229] : memref<1000000x64xf32, #tpu.memory_space<hbm>> -> memref<1x64xf32, #tpu.memory_space<hbm>>
      %dma_start3A_231 = tpu.memref_slice %arg7[%dma_start3A_225] : memref<2x!tpu.dma_semaphore, #tpu.memory_space<semaphore_mem>> -> memref<1x!tpu.dma_semaphore, #tpu.memory_space<semaphore_mem>>
      %dma_start3A_232 = tpu.memref_squeeze %dma_start3A_231 : memref<1x!tpu.dma_semaphore, #tpu.memory_space<semaphore_mem>> -> memref<!tpu.dma_semaphore, #tpu.memory_space<semaphore_mem>>
      %dma_start3A_233 = arith.constant 0 : i32
      %dma_start3A_234 = tpu.memref_slice %arg6[%dma_start3A_224, %add3A_223, %dma_start3A_233] : memref<2x640x64xf32, #tpu.memory_space<vmem>> -> memref<1x1x64xf32, #tpu.memory_space<vmem>>
      %dma_start3A_235 = tpu.memref_squeeze %dma_start3A_234 : memref<1x1x64xf32, #tpu.memory_space<vmem>> -> memref<1x64xf32, #tpu.memory_space<vmem>>
      %dma_start3A_236 = arith.constant 0 : i32
      %dma_start3A_237 = tpu.memref_slice %arg3[%squeeze3A_219, %dma_start3A_236] : memref<1000000x64xf32, #tpu.memory_space<hbm>> -> memref<1x64xf32, #tpu.memory_space<hbm>>
      tpu.enqueue_dma source(%dma_start3A_237 : memref<1x64xf32, #tpu.memory_space<hbm>>) target(%dma_start3A_235 : memref<1x64xf32, #tpu.memory_space<vmem>>) target_semaphore(%dma_start3A_232 : memref<!tpu.dma_semaphore, #tpu.memory_space<semaphore_mem>>)
      %slice3A_238 = vector.extract_strided_slice %get3A_199 {offsets = [2], sizes = [1], strides = [1]} : vector<16xi32> to vector<1xi32>
      %squeeze3A_239 = vector.extract %slice3A_238[0] : i32 from vector<1xi32>
      %mul3A_240 = arith.constant 16 : i32
      %mul3A_241 = arith.muli %scan3A_195, %mul3A_240 : i32
      %add3A_242 = arith.constant 2 : i32
      %add3A_243 = arith.addi %mul3A_241, %add3A_242 : i32
      %dma_start3A_244 = arith.constant 0 : i32
      %dma_start3A_245 = arith.constant 0 : i32
      %dma_start3A_246 = arith.constant 0 : i32
      %dma_start3A_247 = tpu.memref_slice %arg6[%dma_start3A_244, %add3A_243, %dma_start3A_246] : memref<2x640x64xf32, #tpu.memory_space<vmem>> -> memref<1x1x64xf32, #tpu.memory_space<vmem>>
      %dma_start3A_248 = tpu.memref_squeeze %dma_start3A_247 : memref<1x1x64xf32, #tpu.memory_space<vmem>> -> memref<1x64xf32, #tpu.memory_space<vmem>>
      %dma_start3A_249 = arith.constant 0 : i32
      %dma_start3A_250 = tpu.memref_slice %arg3[%squeeze3A_239, %dma_start3A_249] : memref<1000000x64xf32, #tpu.memory_space<hbm>> -> memref<1x64xf32, #tpu.memory_space<hbm>>
      %dma_start3A_251 = tpu.memref_slice %arg7[%dma_start3A_245] : memref<2x!tpu.dma_semaphore, #tpu.memory_space<semaphore_mem>> -> memref<1x!tpu.dma_semaphore, #tpu.memory_space<semaphore_mem>>
      %dma_start3A_252 = tpu.memref_squeeze %dma_start3A_251 : memref<1x!tpu.dma_semaphore, #tpu.memory_space<semaphore_mem>> -> memref<!tpu.dma_semaphore, #tpu.memory_space<semaphore_mem>>
      %dma_start3A_253 = arith.constant 0 : i32
      %dma_start3A_254 = tpu.memref_slice %arg6[%dma_start3A_244, %add3A_243, %dma_start3A_253] : memref<2x640x64xf32, #tpu.memory_space<vmem>> -> memref<1x1x64xf32, #tpu.memory_space<vmem>>
      %dma_start3A_255 = tpu.memref_squeeze %dma_start3A_254 : memref<1x1x64xf32, #tpu.memory_space<vmem>> -> memref<1x64xf32, #tpu.memory_space<vmem>>
      %dma_start3A_256 = arith.constant 0 : i32
      %dma_start3A_257 = tpu.memref_slice %arg3[%squeeze3A_239, %dma_start3A_256] : memref<1000000x64xf32, #tpu.memory_space<hbm>> -> memref<1x64xf32, #tpu.memory_space<hbm>>
      tpu.enqueue_dma source(%dma_start3A_257 : memref<1x64xf32, #tpu.memory_space<hbm>>) target(%dma_start3A_255 : memref<1x64xf32, #tpu.memory_space<vmem>>) target_semaphore(%dma_start3A_252 : memref<!tpu.dma_semaphore, #tpu.memory_space<semaphore_mem>>)
      %slice3A_258 = vector.extract_strided_slice %get3A_199 {offsets = [3], sizes = [1], strides = [1]} : vector<16xi32> to vector<1xi32>
      %squeeze3A_259 = vector.extract %slice3A_258[0] : i32 from vector<1xi32>
      %mul3A_260 = arith.constant 16 : i32
      %mul3A_261 = arith.muli %scan3A_195, %mul3A_260 : i32
      %add3A_262 = arith.constant 3 : i32
      %add3A_263 = arith.addi %mul3A_261, %add3A_262 : i32
      %dma_start3A_264 = arith.constant 0 : i32
      %dma_start3A_265 = arith.constant 0 : i32
      %dma_start3A_266 = arith.constant 0 : i32
      %dma_start3A_267 = tpu.memref_slice %arg6[%dma_start3A_264, %add3A_263, %dma_start3A_266] : memref<2x640x64xf32, #tpu.memory_space<vmem>> -> memref<1x1x64xf32, #tpu.memory_space<vmem>>
      %dma_start3A_268 = tpu.memref_squeeze %dma_start3A_267 : memref<1x1x64xf32, #tpu.memory_space<vmem>> -> memref<1x64xf32, #tpu.memory_space<vmem>>
      %dma_start3A_269 = arith.constant 0 : i32
      %dma_start3A_270 = tpu.memref_slice %arg3[%squeeze3A_259, %dma_start3A_269] : memref<1000000x64xf32, #tpu.memory_space<hbm>> -> memref<1x64xf32, #tpu.memory_space<hbm>>
      %dma_start3A_271 = tpu.memref_slice %arg7[%dma_start3A_265] : memref<2x!tpu.dma_semaphore, #tpu.memory_space<semaphore_mem>> -> memref<1x!tpu.dma_semaphore, #tpu.memory_space<semaphore_mem>>
      %dma_start3A_272 = tpu.memref_squeeze %dma_start3A_271 : memref<1x!tpu.dma_semaphore, #tpu.memory_space<semaphore_mem>> -> memref<!tpu.dma_semaphore, #tpu.memory_space<semaphore_mem>>
      %dma_start3A_273 = arith.constant 0 : i32
      %dma_start3A_274 = tpu.memref_slice %arg6[%dma_start3A_264, %add3A_263, %dma_start3A_273] : memref<2x640x64xf32, #tpu.memory_space<vmem>> -> memref<1x1x64xf32, #tpu.memory_space<vmem>>
      %dma_start3A_275 = tpu.memref_squeeze %dma_start3A_274 : memref<1x1x64xf32, #tpu.memory_space<vmem>> -> memref<1x64xf32, #tpu.memory_space<vmem>>
      %dma_start3A_276 = arith.constant 0 : i32
      %dma_start3A_277 = tpu.memref_slice %arg3[%squeeze3A_259, %dma_start3A_276] : memref<1000000x64xf32, #tpu.memory_space<hbm>> -> memref<1x64xf32, #tpu.memory_space<hbm>>
      tpu.enqueue_dma source(%dma_start3A_277 : memref<1x64xf32, #tpu.memory_space<hbm>>) target(%dma_start3A_275 : memref<1x64xf32, #tpu.memory_space<vmem>>) target_semaphore(%dma_start3A_272 : memref<!tpu.dma_semaphore, #tpu.memory_space<semaphore_mem>>)
      %slice3A_278 = vector.extract_strided_slice %get3A_199 {offsets = [4], sizes = [1], strides = [1]} : vector<16xi32> to vector<1xi32>
      %squeeze3A_279 = vector.extract %slice3A_278[0] : i32 from vector<1xi32>
      %mul3A_280 = arith.constant 16 : i32
      %mul3A_281 = arith.muli %scan3A_195, %mul3A_280 : i32
      %add3A_282 = arith.constant 4 : i32
      %add3A_283 = arith.addi %mul3A_281, %add3A_282 : i32
      %dma_start3A_284 = arith.constant 0 : i32
      %dma_start3A_285 = arith.constant 0 : i32
      %dma_start3A_286 = arith.constant 0 : i32
      %dma_start3A_287 = tpu.memref_slice %arg6[%dma_start3A_284, %add3A_283, %dma_start3A_286] : memref<2x640x64xf32, #tpu.memory_space<vmem>> -> memref<1x1x64xf32, #tpu.memory_space<vmem>>
      %dma_start3A_288 = tpu.memref_squeeze %dma_start3A_287 : memref<1x1x64xf32, #tpu.memory_space<vmem>> -> memref<1x64xf32, #tpu.memory_space<vmem>>
      %dma_start3A_289 = arith.constant 0 : i32
      %dma_start3A_290 = tpu.memref_slice %arg3[%squeeze3A_279, %dma_start3A_289] : memref<1000000x64xf32, #tpu.memory_space<hbm>> -> memref<1x64xf32, #tpu.memory_space<hbm>>
      %dma_start3A_291 = tpu.memref_slice %arg7[%dma_start3A_285] : memref<2x!tpu.dma_semaphore, #tpu.memory_space<semaphore_mem>> -> memref<1x!tpu.dma_semaphore, #tpu.memory_space<semaphore_mem>>
      %dma_start3A_292 = tpu.memref_squeeze %dma_start3A_291 : memref<1x!tpu.dma_semaphore, #tpu.memory_space<semaphore_mem>> -> memref<!tpu.dma_semaphore, #tpu.memory_space<semaphore_mem>>
      %dma_start3A_293 = arith.constant 0 : i32
      %dma_start3A_294 = tpu.memref_slice %arg6[%dma_start3A_284, %add3A_283, %dma_start3A_293] : memref<2x640x64xf32, #tpu.memory_space<vmem>> -> memref<1x1x64xf32, #tpu.memory_space<vmem>>
      %dma_start3A_295 = tpu.memref_squeeze %dma_start3A_294 : memref<1x1x64xf32, #tpu.memory_space<vmem>> -> memref<1x64xf32, #tpu.memory_space<vmem>>
      %dma_start3A_296 = arith.constant 0 : i32
      %dma_start3A_297 = tpu.memref_slice %arg3[%squeeze3A_279, %dma_start3A_296] : memref<1000000x64xf32, #tpu.memory_space<hbm>> -> memref<1x64xf32, #tpu.memory_space<hbm>>
      tpu.enqueue_dma source(%dma_start3A_297 : memref<1x64xf32, #tpu.memory_space<hbm>>) target(%dma_start3A_295 : memref<1x64xf32, #tpu.memory_space<vmem>>) target_semaphore(%dma_start3A_292 : memref<!tpu.dma_semaphore, #tpu.memory_space<semaphore_mem>>)
      %slice3A_298 = vector.extract_strided_slice %get3A_199 {offsets = [5], sizes = [1], strides = [1]} : vector<16xi32> to vector<1xi32>
      %squeeze3A_299 = vector.extract %slice3A_298[0] : i32 from vector<1xi32>
      %mul3A_300 = arith.constant 16 : i32
      %mul3A_301 = arith.muli %scan3A_195, %mul3A_300 : i32
      %add3A_302 = arith.constant 5 : i32
      %add3A_303 = arith.addi %mul3A_301, %add3A_302 : i32
      %dma_start3A_304 = arith.constant 0 : i32
      %dma_start3A_305 = arith.constant 0 : i32
      %dma_start3A_306 = arith.constant 0 : i32
      %dma_start3A_307 = tpu.memref_slice %arg6[%dma_start3A_304, %add3A_303, %dma_start3A_306] : memref<2x640x64xf32, #tpu.memory_space<vmem>> -> memref<1x1x64xf32, #tpu.memory_space<vmem>>
      %dma_start3A_308 = tpu.memref_squeeze %dma_start3A_307 : memref<1x1x64xf32, #tpu.memory_space<vmem>> -> memref<1x64xf32, #tpu.memory_space<vmem>>
      %dma_start3A_309 = arith.constant 0 : i32
      %dma_start3A_310 = tpu.memref_slice %arg3[%squeeze3A_299, %dma_start3A_309] : memref<1000000x64xf32, #tpu.memory_space<hbm>> -> memref<1x64xf32, #tpu.memory_space<hbm>>
      %dma_start3A_311 = tpu.memref_slice %arg7[%dma_start3A_305] : memref<2x!tpu.dma_semaphore, #tpu.memory_space<semaphore_mem>> -> memref<1x!tpu.dma_semaphore, #tpu.memory_space<semaphore_mem>>
      %dma_start3A_312 = tpu.memref_squeeze %dma_start3A_311 : memref<1x!tpu.dma_semaphore, #tpu.memory_space<semaphore_mem>> -> memref<!tpu.dma_semaphore, #tpu.memory_space<semaphore_mem>>
      %dma_start3A_313 = arith.constant 0 : i32
      %dma_start3A_314 = tpu.memref_slice %arg6[%dma_start3A_304, %add3A_303, %dma_start3A_313] : memref<2x640x64xf32, #tpu.memory_space<vmem>> -> memref<1x1x64xf32, #tpu.memory_space<vmem>>
      %dma_start3A_315 = tpu.memref_squeeze %dma_start3A_314 : memref<1x1x64xf32, #tpu.memory_space<vmem>> -> memref<1x64xf32, #tpu.memory_space<vmem>>
      %dma_start3A_316 = arith.constant 0 : i32
      %dma_start3A_317 = tpu.memref_slice %arg3[%squeeze3A_299, %dma_start3A_316] : memref<1000000x64xf32, #tpu.memory_space<hbm>> -> memref<1x64xf32, #tpu.memory_space<hbm>>
      tpu.enqueue_dma source(%dma_start3A_317 : memref<1x64xf32, #tpu.memory_space<hbm>>) target(%dma_start3A_315 : memref<1x64xf32, #tpu.memory_space<vmem>>) target_semaphore(%dma_start3A_312 : memref<!tpu.dma_semaphore, #tpu.memory_space<semaphore_mem>>)
      %slice3A_318 = vector.extract_strided_slice %get3A_199 {offsets = [6], sizes = [1], strides = [1]} : vector<16xi32> to vector<1xi32>
      %squeeze3A_319 = vector.extract %slice3A_318[0] : i32 from vector<1xi32>
      %mul3A_320 = arith.constant 16 : i32
      %mul3A_321 = arith.muli %scan3A_195, %mul3A_320 : i32
      %add3A_322 = arith.constant 6 : i32
      %add3A_323 = arith.addi %mul3A_321, %add3A_322 : i32
      %dma_start3A_324 = arith.constant 0 : i32
      %dma_start3A_325 = arith.constant 0 : i32
      %dma_start3A_326 = arith.constant 0 : i32
      %dma_start3A_327 = tpu.memref_slice %arg6[%dma_start3A_324, %add3A_323, %dma_start3A_326] : memref<2x640x64xf32, #tpu.memory_space<vmem>> -> memref<1x1x64xf32, #tpu.memory_space<vmem>>
      %dma_start3A_328 = tpu.memref_squeeze %dma_start3A_327 : memref<1x1x64xf32, #tpu.memory_space<vmem>> -> memref<1x64xf32, #tpu.memory_space<vmem>>
      %dma_start3A_329 = arith.constant 0 : i32
      %dma_start3A_330 = tpu.memref_slice %arg3[%squeeze3A_319, %dma_start3A_329] : memref<1000000x64xf32, #tpu.memory_space<hbm>> -> memref<1x64xf32, #tpu.memory_space<hbm>>
      %dma_start3A_331 = tpu.memref_slice %arg7[%dma_start3A_325] : memref<2x!tpu.dma_semaphore, #tpu.memory_space<semaphore_mem>> -> memref<1x!tpu.dma_semaphore, #tpu.memory_space<semaphore_mem>>
      %dma_start3A_332 = tpu.memref_squeeze %dma_start3A_331 : memref<1x!tpu.dma_semaphore, #tpu.memory_space<semaphore_mem>> -> memref<!tpu.dma_semaphore, #tpu.memory_space<semaphore_mem>>
      %dma_start3A_333 = arith.constant 0 : i32
      %dma_start3A_334 = tpu.memref_slice %arg6[%dma_start3A_324, %add3A_323, %dma_start3A_333] : memref<2x640x64xf32, #tpu.memory_space<vmem>> -> memref<1x1x64xf32, #tpu.memory_space<vmem>>
      %dma_start3A_335 = tpu.memref_squeeze %dma_start3A_334 : memref<1x1x64xf32, #tpu.memory_space<vmem>> -> memref<1x64xf32, #tpu.memory_space<vmem>>
      %dma_start3A_336 = arith.constant 0 : i32
      %dma_start3A_337 = tpu.memref_slice %arg3[%squeeze3A_319, %dma_start3A_336] : memref<1000000x64xf32, #tpu.memory_space<hbm>> -> memref<1x64xf32, #tpu.memory_space<hbm>>
      tpu.enqueue_dma source(%dma_start3A_337 : memref<1x64xf32, #tpu.memory_space<hbm>>) target(%dma_start3A_335 : memref<1x64xf32, #tpu.memory_space<vmem>>) target_semaphore(%dma_start3A_332 : memref<!tpu.dma_semaphore, #tpu.memory_space<semaphore_mem>>)
      %slice3A_338 = vector.extract_strided_slice %get3A_199 {offsets = [7], sizes = [1], strides = [1]} : vector<16xi32> to vector<1xi32>
      %squeeze3A_339 = vector.extract %slice3A_338[0] : i32 from vector<1xi32>
      %mul3A_340 = arith.constant 16 : i32
      %mul3A_341 = arith.muli %scan3A_195, %mul3A_340 : i32
      %add3A_342 = arith.constant 7 : i32
      %add3A_343 = arith.addi %mul3A_341, %add3A_342 : i32
      %dma_start3A_344 = arith.constant 0 : i32
      %dma_start3A_345 = arith.constant 0 : i32
      %dma_start3A_346 = arith.constant 0 : i32
      %dma_start3A_347 = tpu.memref_slice %arg6[%dma_start3A_344, %add3A_343, %dma_start3A_346] : memref<2x640x64xf32, #tpu.memory_space<vmem>> -> memref<1x1x64xf32, #tpu.memory_space<vmem>>
      %dma_start3A_348 = tpu.memref_squeeze %dma_start3A_347 : memref<1x1x64xf32, #tpu.memory_space<vmem>> -> memref<1x64xf32, #tpu.memory_space<vmem>>
      %dma_start3A_349 = arith.constant 0 : i32
      %dma_start3A_350 = tpu.memref_slice %arg3[%squeeze3A_339, %dma_start3A_349] : memref<1000000x64xf32, #tpu.memory_space<hbm>> -> memref<1x64xf32, #tpu.memory_space<hbm>>
      %dma_start3A_351 = tpu.memref_slice %arg7[%dma_start3A_345] : memref<2x!tpu.dma_semaphore, #tpu.memory_space<semaphore_mem>> -> memref<1x!tpu.dma_semaphore, #tpu.memory_space<semaphore_mem>>
      %dma_start3A_352 = tpu.memref_squeeze %dma_start3A_351 : memref<1x!tpu.dma_semaphore, #tpu.memory_space<semaphore_mem>> -> memref<!tpu.dma_semaphore, #tpu.memory_space<semaphore_mem>>
      %dma_start3A_353 = arith.constant 0 : i32
      %dma_start3A_354 = tpu.memref_slice %arg6[%dma_start3A_344, %add3A_343, %dma_start3A_353] : memref<2x640x64xf32, #tpu.memory_space<vmem>> -> memref<1x1x64xf32, #tpu.memory_space<vmem>>
      %dma_start3A_355 = tpu.memref_squeeze %dma_start3A_354 : memref<1x1x64xf32, #tpu.memory_space<vmem>> -> memref<1x64xf32, #tpu.memory_space<vmem>>
      %dma_start3A_356 = arith.constant 0 : i32
      %dma_start3A_357 = tpu.memref_slice %arg3[%squeeze3A_339, %dma_start3A_356] : memref<1000000x64xf32, #tpu.memory_space<hbm>> -> memref<1x64xf32, #tpu.memory_space<hbm>>
      tpu.enqueue_dma source(%dma_start3A_357 : memref<1x64xf32, #tpu.memory_space<hbm>>) target(%dma_start3A_355 : memref<1x64xf32, #tpu.memory_space<vmem>>) target_semaphore(%dma_start3A_352 : memref<!tpu.dma_semaphore, #tpu.memory_space<semaphore_mem>>)
      %slice3A_358 = vector.extract_strided_slice %get3A_199 {offsets = [8], sizes = [1], strides = [1]} : vector<16xi32> to vector<1xi32>
      %squeeze3A_359 = vector.extract %slice3A_358[0] : i32 from vector<1xi32>
      %mul3A_360 = arith.constant 16 : i32
      %mul3A_361 = arith.muli %scan3A_195, %mul3A_360 : i32
      %add3A_362 = arith.constant 8 : i32
      %add3A_363 = arith.addi %mul3A_361, %add3A_362 : i32
      %dma_start3A_364 = arith.constant 0 : i32
      %dma_start3A_365 = arith.constant 0 : i32
      %dma_start3A_366 = arith.constant 0 : i32
      %dma_start3A_367 = tpu.memref_slice %arg6[%dma_start3A_364, %add3A_363, %dma_start3A_366] : memref<2x640x64xf32, #tpu.memory_space<vmem>> -> memref<1x1x64xf32, #tpu.memory_space<vmem>>
      %dma_start3A_368 = tpu.memref_squeeze %dma_start3A_367 : memref<1x1x64xf32, #tpu.memory_space<vmem>> -> memref<1x64xf32, #tpu.memory_space<vmem>>
      %dma_start3A_369 = arith.constant 0 : i32
      %dma_start3A_370 = tpu.memref_slice %arg3[%squeeze3A_359, %dma_start3A_369] : memref<1000000x64xf32, #tpu.memory_space<hbm>> -> memref<1x64xf32, #tpu.memory_space<hbm>>
      %dma_start3A_371 = tpu.memref_slice %arg7[%dma_start3A_365] : memref<2x!tpu.dma_semaphore, #tpu.memory_space<semaphore_mem>> -> memref<1x!tpu.dma_semaphore, #tpu.memory_space<semaphore_mem>>
      %dma_start3A_372 = tpu.memref_squeeze %dma_start3A_371 : memref<1x!tpu.dma_semaphore, #tpu.memory_space<semaphore_mem>> -> memref<!tpu.dma_semaphore, #tpu.memory_space<semaphore_mem>>
      %dma_start3A_373 = arith.constant 0 : i32
      %dma_start3A_374 = tpu.memref_slice %arg6[%dma_start3A_364, %add3A_363, %dma_start3A_373] : memref<2x640x64xf32, #tpu.memory_space<vmem>> -> memref<1x1x64xf32, #tpu.memory_space<vmem>>
      %dma_start3A_375 = tpu.memref_squeeze %dma_start3A_374 : memref<1x1x64xf32, #tpu.memory_space<vmem>> -> memref<1x64xf32, #tpu.memory_space<vmem>>
      %dma_start3A_376 = arith.constant 0 : i32
      %dma_start3A_377 = tpu.memref_slice %arg3[%squeeze3A_359, %dma_start3A_376] : memref<1000000x64xf32, #tpu.memory_space<hbm>> -> memref<1x64xf32, #tpu.memory_space<hbm>>
      tpu.enqueue_dma source(%dma_start3A_377 : memref<1x64xf32, #tpu.memory_space<hbm>>) target(%dma_start3A_375 : memref<1x64xf32, #tpu.memory_space<vmem>>) target_semaphore(%dma_start3A_372 : memref<!tpu.dma_semaphore, #tpu.memory_space<semaphore_mem>>)
      %slice3A_378 = vector.extract_strided_slice %get3A_199 {offsets = [9], sizes = [1], strides = [1]} : vector<16xi32> to vector<1xi32>
      %squeeze3A_379 = vector.extract %slice3A_378[0] : i32 from vector<1xi32>
      %mul3A_380 = arith.constant 16 : i32
      %mul3A_381 = arith.muli %scan3A_195, %mul3A_380 : i32
      %add3A_382 = arith.constant 9 : i32
      %add3A_383 = arith.addi %mul3A_381, %add3A_382 : i32
      %dma_start3A_384 = arith.constant 0 : i32
      %dma_start3A_385 = arith.constant 0 : i32
      %dma_start3A_386 = arith.constant 0 : i32
      %dma_start3A_387 = tpu.memref_slice %arg6[%dma_start3A_384, %add3A_383, %dma_start3A_386] : memref<2x640x64xf32, #tpu.memory_space<vmem>> -> memref<1x1x64xf32, #tpu.memory_space<vmem>>
      %dma_start3A_388 = tpu.memref_squeeze %dma_start3A_387 : memref<1x1x64xf32, #tpu.memory_space<vmem>> -> memref<1x64xf32, #tpu.memory_space<vmem>>
      %dma_start3A_389 = arith.constant 0 : i32
      %dma_start3A_390 = tpu.memref_slice %arg3[%squeeze3A_379, %dma_start3A_389] : memref<1000000x64xf32, #tpu.memory_space<hbm>> -> memref<1x64xf32, #tpu.memory_space<hbm>>
      %dma_start3A_391 = tpu.memref_slice %arg7[%dma_start3A_385] : memref<2x!tpu.dma_semaphore, #tpu.memory_space<semaphore_mem>> -> memref<1x!tpu.dma_semaphore, #tpu.memory_space<semaphore_mem>>
      %dma_start3A_392 = tpu.memref_squeeze %dma_start3A_391 : memref<1x!tpu.dma_semaphore, #tpu.memory_space<semaphore_mem>> -> memref<!tpu.dma_semaphore, #tpu.memory_space<semaphore_mem>>
      %dma_start3A_393 = arith.constant 0 : i32
      %dma_start3A_394 = tpu.memref_slice %arg6[%dma_start3A_384, %add3A_383, %dma_start3A_393] : memref<2x640x64xf32, #tpu.memory_space<vmem>> -> memref<1x1x64xf32, #tpu.memory_space<vmem>>
      %dma_start3A_395 = tpu.memref_squeeze %dma_start3A_394 : memref<1x1x64xf32, #tpu.memory_space<vmem>> -> memref<1x64xf32, #tpu.memory_space<vmem>>
      %dma_start3A_396 = arith.constant 0 : i32
      %dma_start3A_397 = tpu.memref_slice %arg3[%squeeze3A_379, %dma_start3A_396] : memref<1000000x64xf32, #tpu.memory_space<hbm>> -> memref<1x64xf32, #tpu.memory_space<hbm>>
      tpu.enqueue_dma source(%dma_start3A_397 : memref<1x64xf32, #tpu.memory_space<hbm>>) target(%dma_start3A_395 : memref<1x64xf32, #tpu.memory_space<vmem>>) target_semaphore(%dma_start3A_392 : memref<!tpu.dma_semaphore, #tpu.memory_space<semaphore_mem>>)
      %slice3A_398 = vector.extract_strided_slice %get3A_199 {offsets = [10], sizes = [1], strides = [1]} : vector<16xi32> to vector<1xi32>
      %squeeze3A_399 = vector.extract %slice3A_398[0] : i32 from vector<1xi32>
      %mul3A_400 = arith.constant 16 : i32
      %mul3A_401 = arith.muli %scan3A_195, %mul3A_400 : i32
      %add3A_402 = arith.constant 10 : i32
      %add3A_403 = arith.addi %mul3A_401, %add3A_402 : i32
      %dma_start3A_404 = arith.constant 0 : i32
      %dma_start3A_405 = arith.constant 0 : i32
      %dma_start3A_406 = arith.constant 0 : i32
      %dma_start3A_407 = tpu.memref_slice %arg6[%dma_start3A_404, %add3A_403, %dma_start3A_406] : memref<2x640x64xf32, #tpu.memory_space<vmem>> -> memref<1x1x64xf32, #tpu.memory_space<vmem>>
      %dma_start3A_408 = tpu.memref_squeeze %dma_start3A_407 : memref<1x1x64xf32, #tpu.memory_space<vmem>> -> memref<1x64xf32, #tpu.memory_space<vmem>>
      %dma_start3A_409 = arith.constant 0 : i32
      %dma_start3A_410 = tpu.memref_slice %arg3[%squeeze3A_399, %dma_start3A_409] : memref<1000000x64xf32, #tpu.memory_space<hbm>> -> memref<1x64xf32, #tpu.memory_space<hbm>>
      %dma_start3A_411 = tpu.memref_slice %arg7[%dma_start3A_405] : memref<2x!tpu.dma_semaphore, #tpu.memory_space<semaphore_mem>> -> memref<1x!tpu.dma_semaphore, #tpu.memory_space<semaphore_mem>>
      %dma_start3A_412 = tpu.memref_squeeze %dma_start3A_411 : memref<1x!tpu.dma_semaphore, #tpu.memory_space<semaphore_mem>> -> memref<!tpu.dma_semaphore, #tpu.memory_space<semaphore_mem>>
      %dma_start3A_413 = arith.constant 0 : i32
      %dma_start3A_414 = tpu.memref_slice %arg6[%dma_start3A_404, %add3A_403, %dma_start3A_413] : memref<2x640x64xf32, #tpu.memory_space<vmem>> -> memref<1x1x64xf32, #tpu.memory_space<vmem>>
      %dma_start3A_415 = tpu.memref_squeeze %dma_start3A_414 : memref<1x1x64xf32, #tpu.memory_space<vmem>> -> memref<1x64xf32, #tpu.memory_space<vmem>>
      %dma_start3A_416 = arith.constant 0 : i32
      %dma_start3A_417 = tpu.memref_slice %arg3[%squeeze3A_399, %dma_start3A_416] : memref<1000000x64xf32, #tpu.memory_space<hbm>> -> memref<1x64xf32, #tpu.memory_space<hbm>>
      tpu.enqueue_dma source(%dma_start3A_417 : memref<1x64xf32, #tpu.memory_space<hbm>>) target(%dma_start3A_415 : memref<1x64xf32, #tpu.memory_space<vmem>>) target_semaphore(%dma_start3A_412 : memref<!tpu.dma_semaphore, #tpu.memory_space<semaphore_mem>>)
      %slice3A_418 = vector.extract_strided_slice %get3A_199 {offsets = [11], sizes = [1], strides = [1]} : vector<16xi32> to vector<1xi32>
      %squeeze3A_419 = vector.extract %slice3A_418[0] : i32 from vector<1xi32>
      %mul3A_420 = arith.constant 16 : i32
      %mul3A_421 = arith.muli %scan3A_195, %mul3A_420 : i32
      %add3A_422 = arith.constant 11 : i32
      %add3A_423 = arith.addi %mul3A_421, %add3A_422 : i32
      %dma_start3A_424 = arith.constant 0 : i32
      %dma_start3A_425 = arith.constant 0 : i32
      %dma_start3A_426 = arith.constant 0 : i32
      %dma_start3A_427 = tpu.memref_slice %arg6[%dma_start3A_424, %add3A_423, %dma_start3A_426] : memref<2x640x64xf32, #tpu.memory_space<vmem>> -> memref<1x1x64xf32, #tpu.memory_space<vmem>>
      %dma_start3A_428 = tpu.memref_squeeze %dma_start3A_427 : memref<1x1x64xf32, #tpu.memory_space<vmem>> -> memref<1x64xf32, #tpu.memory_space<vmem>>
      %dma_start3A_429 = arith.constant 0 : i32
      %dma_start3A_430 = tpu.memref_slice %arg3[%squeeze3A_419, %dma_start3A_429] : memref<1000000x64xf32, #tpu.memory_space<hbm>> -> memref<1x64xf32, #tpu.memory_space<hbm>>
      %dma_start3A_431 = tpu.memref_slice %arg7[%dma_start3A_425] : memref<2x!tpu.dma_semaphore, #tpu.memory_space<semaphore_mem>> -> memref<1x!tpu.dma_semaphore, #tpu.memory_space<semaphore_mem>>
      %dma_start3A_432 = tpu.memref_squeeze %dma_start3A_431 : memref<1x!tpu.dma_semaphore, #tpu.memory_space<semaphore_mem>> -> memref<!tpu.dma_semaphore, #tpu.memory_space<semaphore_mem>>
      %dma_start3A_433 = arith.constant 0 : i32
      %dma_start3A_434 = tpu.memref_slice %arg6[%dma_start3A_424, %add3A_423, %dma_start3A_433] : memref<2x640x64xf32, #tpu.memory_space<vmem>> -> memref<1x1x64xf32, #tpu.memory_space<vmem>>
      %dma_start3A_435 = tpu.memref_squeeze %dma_start3A_434 : memref<1x1x64xf32, #tpu.memory_space<vmem>> -> memref<1x64xf32, #tpu.memory_space<vmem>>
      %dma_start3A_436 = arith.constant 0 : i32
      %dma_start3A_437 = tpu.memref_slice %arg3[%squeeze3A_419, %dma_start3A_436] : memref<1000000x64xf32, #tpu.memory_space<hbm>> -> memref<1x64xf32, #tpu.memory_space<hbm>>
      tpu.enqueue_dma source(%dma_start3A_437 : memref<1x64xf32, #tpu.memory_space<hbm>>) target(%dma_start3A_435 : memref<1x64xf32, #tpu.memory_space<vmem>>) target_semaphore(%dma_start3A_432 : memref<!tpu.dma_semaphore, #tpu.memory_space<semaphore_mem>>)
      %slice3A_438 = vector.extract_strided_slice %get3A_199 {offsets = [12], sizes = [1], strides = [1]} : vector<16xi32> to vector<1xi32>
      %squeeze3A_439 = vector.extract %slice3A_438[0] : i32 from vector<1xi32>
      %mul3A_440 = arith.constant 16 : i32
      %mul3A_441 = arith.muli %scan3A_195, %mul3A_440 : i32
      %add3A_442 = arith.constant 12 : i32
      %add3A_443 = arith.addi %mul3A_441, %add3A_442 : i32
      %dma_start3A_444 = arith.constant 0 : i32
      %dma_start3A_445 = arith.constant 0 : i32
      %dma_start3A_446 = arith.constant 0 : i32
      %dma_start3A_447 = tpu.memref_slice %arg6[%dma_start3A_444, %add3A_443, %dma_start3A_446] : memref<2x640x64xf32, #tpu.memory_space<vmem>> -> memref<1x1x64xf32, #tpu.memory_space<vmem>>
      %dma_start3A_448 = tpu.memref_squeeze %dma_start3A_447 : memref<1x1x64xf32, #tpu.memory_space<vmem>> -> memref<1x64xf32, #tpu.memory_space<vmem>>
      %dma_start3A_449 = arith.constant 0 : i32
      %dma_start3A_450 = tpu.memref_slice %arg3[%squeeze3A_439, %dma_start3A_449] : memref<1000000x64xf32, #tpu.memory_space<hbm>> -> memref<1x64xf32, #tpu.memory_space<hbm>>
      %dma_start3A_451 = tpu.memref_slice %arg7[%dma_start3A_445] : memref<2x!tpu.dma_semaphore, #tpu.memory_space<semaphore_mem>> -> memref<1x!tpu.dma_semaphore, #tpu.memory_space<semaphore_mem>>
      %dma_start3A_452 = tpu.memref_squeeze %dma_start3A_451 : memref<1x!tpu.dma_semaphore, #tpu.memory_space<semaphore_mem>> -> memref<!tpu.dma_semaphore, #tpu.memory_space<semaphore_mem>>
      %dma_start3A_453 = arith.constant 0 : i32
      %dma_start3A_454 = tpu.memref_slice %arg6[%dma_start3A_444, %add3A_443, %dma_start3A_453] : memref<2x640x64xf32, #tpu.memory_space<vmem>> -> memref<1x1x64xf32, #tpu.memory_space<vmem>>
      %dma_start3A_455 = tpu.memref_squeeze %dma_start3A_454 : memref<1x1x64xf32, #tpu.memory_space<vmem>> -> memref<1x64xf32, #tpu.memory_space<vmem>>
      %dma_start3A_456 = arith.constant 0 : i32
      %dma_start3A_457 = tpu.memref_slice %arg3[%squeeze3A_439, %dma_start3A_456] : memref<1000000x64xf32, #tpu.memory_space<hbm>> -> memref<1x64xf32, #tpu.memory_space<hbm>>
      tpu.enqueue_dma source(%dma_start3A_457 : memref<1x64xf32, #tpu.memory_space<hbm>>) target(%dma_start3A_455 : memref<1x64xf32, #tpu.memory_space<vmem>>) target_semaphore(%dma_start3A_452 : memref<!tpu.dma_semaphore, #tpu.memory_space<semaphore_mem>>)
      %slice3A_458 = vector.extract_strided_slice %get3A_199 {offsets = [13], sizes = [1], strides = [1]} : vector<16xi32> to vector<1xi32>
      %squeeze3A_459 = vector.extract %slice3A_458[0] : i32 from vector<1xi32>
      %mul3A_460 = arith.constant 16 : i32
      %mul3A_461 = arith.muli %scan3A_195, %mul3A_460 : i32
      %add3A_462 = arith.constant 13 : i32
      %add3A_463 = arith.addi %mul3A_461, %add3A_462 : i32
      %dma_start3A_464 = arith.constant 0 : i32
      %dma_start3A_465 = arith.constant 0 : i32
      %dma_start3A_466 = arith.constant 0 : i32
      %dma_start3A_467 = tpu.memref_slice %arg6[%dma_start3A_464, %add3A_463, %dma_start3A_466] : memref<2x640x64xf32, #tpu.memory_space<vmem>> -> memref<1x1x64xf32, #tpu.memory_space<vmem>>
      %dma_start3A_468 = tpu.memref_squeeze %dma_start3A_467 : memref<1x1x64xf32, #tpu.memory_space<vmem>> -> memref<1x64xf32, #tpu.memory_space<vmem>>
      %dma_start3A_469 = arith.constant 0 : i32
      %dma_start3A_470 = tpu.memref_slice %arg3[%squeeze3A_459, %dma_start3A_469] : memref<1000000x64xf32, #tpu.memory_space<hbm>> -> memref<1x64xf32, #tpu.memory_space<hbm>>
      %dma_start3A_471 = tpu.memref_slice %arg7[%dma_start3A_465] : memref<2x!tpu.dma_semaphore, #tpu.memory_space<semaphore_mem>> -> memref<1x!tpu.dma_semaphore, #tpu.memory_space<semaphore_mem>>
      %dma_start3A_472 = tpu.memref_squeeze %dma_start3A_471 : memref<1x!tpu.dma_semaphore, #tpu.memory_space<semaphore_mem>> -> memref<!tpu.dma_semaphore, #tpu.memory_space<semaphore_mem>>
      %dma_start3A_473 = arith.constant 0 : i32
      %dma_start3A_474 = tpu.memref_slice %arg6[%dma_start3A_464, %add3A_463, %dma_start3A_473] : memref<2x640x64xf32, #tpu.memory_space<vmem>> -> memref<1x1x64xf32, #tpu.memory_space<vmem>>
      %dma_start3A_475 = tpu.memref_squeeze %dma_start3A_474 : memref<1x1x64xf32, #tpu.memory_space<vmem>> -> memref<1x64xf32, #tpu.memory_space<vmem>>
      %dma_start3A_476 = arith.constant 0 : i32
      %dma_start3A_477 = tpu.memref_slice %arg3[%squeeze3A_459, %dma_start3A_476] : memref<1000000x64xf32, #tpu.memory_space<hbm>> -> memref<1x64xf32, #tpu.memory_space<hbm>>
      tpu.enqueue_dma source(%dma_start3A_477 : memref<1x64xf32, #tpu.memory_space<hbm>>) target(%dma_start3A_475 : memref<1x64xf32, #tpu.memory_space<vmem>>) target_semaphore(%dma_start3A_472 : memref<!tpu.dma_semaphore, #tpu.memory_space<semaphore_mem>>)
      %slice3A_478 = vector.extract_strided_slice %get3A_199 {offsets = [14], sizes = [1], strides = [1]} : vector<16xi32> to vector<1xi32>
      %squeeze3A_479 = vector.extract %slice3A_478[0] : i32 from vector<1xi32>
      %mul3A_480 = arith.constant 16 : i32
      %mul3A_481 = arith.muli %scan3A_195, %mul3A_480 : i32
      %add3A_482 = arith.constant 14 : i32
      %add3A_483 = arith.addi %mul3A_481, %add3A_482 : i32
      %dma_start3A_484 = arith.constant 0 : i32
      %dma_start3A_485 = arith.constant 0 : i32
      %dma_start3A_486 = arith.constant 0 : i32
      %dma_start3A_487 = tpu.memref_slice %arg6[%dma_start3A_484, %add3A_483, %dma_start3A_486] : memref<2x640x64xf32, #tpu.memory_space<vmem>> -> memref<1x1x64xf32, #tpu.memory_space<vmem>>
      %dma_start3A_488 = tpu.memref_squeeze %dma_start3A_487 : memref<1x1x64xf32, #tpu.memory_space<vmem>> -> memref<1x64xf32, #tpu.memory_space<vmem>>
      %dma_start3A_489 = arith.constant 0 : i32
      %dma_start3A_490 = tpu.memref_slice %arg3[%squeeze3A_479, %dma_start3A_489] : memref<1000000x64xf32, #tpu.memory_space<hbm>> -> memref<1x64xf32, #tpu.memory_space<hbm>>
      %dma_start3A_491 = tpu.memref_slice %arg7[%dma_start3A_485] : memref<2x!tpu.dma_semaphore, #tpu.memory_space<semaphore_mem>> -> memref<1x!tpu.dma_semaphore, #tpu.memory_space<semaphore_mem>>
      %dma_start3A_492 = tpu.memref_squeeze %dma_start3A_491 : memref<1x!tpu.dma_semaphore, #tpu.memory_space<semaphore_mem>> -> memref<!tpu.dma_semaphore, #tpu.memory_space<semaphore_mem>>
      %dma_start3A_493 = arith.constant 0 : i32
      %dma_start3A_494 = tpu.memref_slice %arg6[%dma_start3A_484, %add3A_483, %dma_start3A_493] : memref<2x640x64xf32, #tpu.memory_space<vmem>> -> memref<1x1x64xf32, #tpu.memory_space<vmem>>
      %dma_start3A_495 = tpu.memref_squeeze %dma_start3A_494 : memref<1x1x64xf32, #tpu.memory_space<vmem>> -> memref<1x64xf32, #tpu.memory_space<vmem>>
      %dma_start3A_496 = arith.constant 0 : i32
      %dma_start3A_497 = tpu.memref_slice %arg3[%squeeze3A_479, %dma_start3A_496] : memref<1000000x64xf32, #tpu.memory_space<hbm>> -> memref<1x64xf32, #tpu.memory_space<hbm>>
      tpu.enqueue_dma source(%dma_start3A_497 : memref<1x64xf32, #tpu.memory_space<hbm>>) target(%dma_start3A_495 : memref<1x64xf32, #tpu.memory_space<vmem>>) target_semaphore(%dma_start3A_492 : memref<!tpu.dma_semaphore, #tpu.memory_space<semaphore_mem>>)
      %slice3A_498 = vector.extract_strided_slice %get3A_199 {offsets = [15], sizes = [1], strides = [1]} : vector<16xi32> to vector<1xi32>
      %squeeze3A_499 = vector.extract %slice3A_498[0] : i32 from vector<1xi32>
      %mul3A_500 = arith.constant 16 : i32
      %mul3A_501 = arith.muli %scan3A_195, %mul3A_500 : i32
      %add3A_502 = arith.constant 15 : i32
      %add3A_503 = arith.addi %mul3A_501, %add3A_502 : i32
      %dma_start3A_504 = arith.constant 0 : i32
      %dma_start3A_505 = arith.constant 0 : i32
      %dma_start3A_506 = arith.constant 0 : i32
      %dma_start3A_507 = tpu.memref_slice %arg6[%dma_start3A_504, %add3A_503, %dma_start3A_506] : memref<2x640x64xf32, #tpu.memory_space<vmem>> -> memref<1x1x64xf32, #tpu.memory_space<vmem>>
      %dma_start3A_508 = tpu.memref_squeeze %dma_start3A_507 : memref<1x1x64xf32, #tpu.memory_space<vmem>> -> memref<1x64xf32, #tpu.memory_space<vmem>>
      %dma_start3A_509 = arith.constant 0 : i32
      %dma_start3A_510 = tpu.memref_slice %arg3[%squeeze3A_499, %dma_start3A_509] : memref<1000000x64xf32, #tpu.memory_space<hbm>> -> memref<1x64xf32, #tpu.memory_space<hbm>>
      %dma_start3A_511 = tpu.memref_slice %arg7[%dma_start3A_505] : memref<2x!tpu.dma_semaphore, #tpu.memory_space<semaphore_mem>> -> memref<1x!tpu.dma_semaphore, #tpu.memory_space<semaphore_mem>>
      %dma_start3A_512 = tpu.memref_squeeze %dma_start3A_511 : memref<1x!tpu.dma_semaphore, #tpu.memory_space<semaphore_mem>> -> memref<!tpu.dma_semaphore, #tpu.memory_space<semaphore_mem>>
      %dma_start3A_513 = arith.constant 0 : i32
      %dma_start3A_514 = tpu.memref_slice %arg6[%dma_start3A_504, %add3A_503, %dma_start3A_513] : memref<2x640x64xf32, #tpu.memory_space<vmem>> -> memref<1x1x64xf32, #tpu.memory_space<vmem>>
      %dma_start3A_515 = tpu.memref_squeeze %dma_start3A_514 : memref<1x1x64xf32, #tpu.memory_space<vmem>> -> memref<1x64xf32, #tpu.memory_space<vmem>>
      %dma_start3A_516 = arith.constant 0 : i32
      %dma_start3A_517 = tpu.memref_slice %arg3[%squeeze3A_499, %dma_start3A_516] : memref<1000000x64xf32, #tpu.memory_space<hbm>> -> memref<1x64xf32, #tpu.memory_space<hbm>>
      tpu.enqueue_dma source(%dma_start3A_517 : memref<1x64xf32, #tpu.memory_space<hbm>>) target(%dma_start3A_515 : memref<1x64xf32, #tpu.memory_space<vmem>>) target_semaphore(%dma_start3A_512 : memref<!tpu.dma_semaphore, #tpu.memory_space<semaphore_mem>>)
    }
    %scan3A_85 = arith.constant 40 : i32
    %scan3A_86 = arith.constant 0 : i32
    %scan3A_87 = arith.constant 0 : i32
    %scan3A_88 = arith.constant 640 : i32
    %scan3A_89 = arith.addi %scan3A_87, %scan3A_88 : i32
    %scan3A_90 = arith.constant 1 : i32
    scf.for %scan3A_195 = %scan3A_87 to %scan3A_89 step %scan3A_90  : i32 {
      %dma_wait3A_196 = arith.constant 0 : i32
      %dma_wait3A_197 = arith.constant 0 : i32
      %dma_wait3A_198 = arith.constant 0 : i32
      %dma_wait3A_199 = arith.constant 0 : i32
      %dma_wait3A_200 = tpu.memref_slice %arg6[%dma_wait3A_196, %dma_wait3A_198, %dma_wait3A_199] : memref<2x640x64xf32, #tpu.memory_space<vmem>> -> memref<1x1x64xf32, #tpu.memory_space<vmem>>
      %dma_wait3A_201 = tpu.memref_squeeze %dma_wait3A_200 : memref<1x1x64xf32, #tpu.memory_space<vmem>> -> memref<1x64xf32, #tpu.memory_space<vmem>>
      %dma_wait3A_202 = arith.constant 0 : i32
      %dma_wait3A_203 = arith.constant 0 : i32
      %dma_wait3A_204 = tpu.memref_slice %arg3[%dma_wait3A_202, %dma_wait3A_203] : memref<1000000x64xf32, #tpu.memory_space<hbm>> -> memref<1x64xf32, #tpu.memory_space<hbm>>
      %dma_wait3A_205 = tpu.memref_slice %arg7[%dma_wait3A_197] : memref<2x!tpu.dma_semaphore, #tpu.memory_space<semaphore_mem>> -> memref<1x!tpu.dma_semaphore, #tpu.memory_space<semaphore_mem>>
      %dma_wait3A_206 = tpu.memref_squeeze %dma_wait3A_205 : memref<1x!tpu.dma_semaphore, #tpu.memory_space<semaphore_mem>> -> memref<!tpu.dma_semaphore, #tpu.memory_space<semaphore_mem>>
      %dma_wait3A_207 = arith.constant 0 : i32
      %dma_wait3A_208 = arith.constant 0 : i32
      %dma_wait3A_209 = tpu.memref_slice %arg6[%dma_wait3A_196, %dma_wait3A_207, %dma_wait3A_208] : memref<2x640x64xf32, #tpu.memory_space<vmem>> -> memref<1x1x64xf32, #tpu.memory_space<vmem>>
      %dma_wait3A_210 = tpu.memref_squeeze %dma_wait3A_209 : memref<1x1x64xf32, #tpu.memory_space<vmem>> -> memref<1x64xf32, #tpu.memory_space<vmem>>
      %dma_wait3A_211 = arith.constant 0 : i32
      %dma_wait3A_212 = arith.constant 0 : i32
      %dma_wait3A_213 = tpu.memref_slice %arg3[%dma_wait3A_211, %dma_wait3A_212] : memref<1000000x64xf32, #tpu.memory_space<hbm>> -> memref<1x64xf32, #tpu.memory_space<hbm>>
      tpu.wait_dma2 semaphore(%dma_wait3A_206 : memref<!tpu.dma_semaphore, #tpu.memory_space<semaphore_mem>>) src(%dma_wait3A_213 : memref<1x64xf32, #tpu.memory_space<hbm>>) dst(%dma_wait3A_210 : memref<1x64xf32, #tpu.memory_space<vmem>>)
    }
    %scan3A_91 = arith.constant 640 : i32
    %add3A_92 = arith.constant 1280 : i32
    %add3A_93 = arith.addi %mul3A_2, %add3A_92 : i32
    %dma_start3A_94 = arith.constant 0 : i32
    %dma_start3A_95 = arith.constant 0 : i32
    %dma_start3A_96 = arith.constant 0 : i32
    %dma_start3A_97 = arith.constant 0 : i32
    %dma_start3A_98 = tpu.memref_slice %arg6[%dma_start3A_94, %dma_start3A_96, %dma_start3A_97] : memref<2x640x64xf32, #tpu.memory_space<vmem>> -> memref<1x640x64xf32, #tpu.memory_space<vmem>>
    %dma_start3A_99 = tpu.memref_squeeze %dma_start3A_98 : memref<1x640x64xf32, #tpu.memory_space<vmem>> -> memref<640x64xf32, #tpu.memory_space<vmem>>
    %dma_start3A_100 = arith.constant 0 : i32
    %dma_start3A_101 = tpu.memref_slice %arg4[%add3A_93, %dma_start3A_100] : memref<81920x64xf32, #tpu.memory_space<hbm>> -> memref<640x64xf32, #tpu.memory_space<hbm>>
    %dma_start3A_102 = tpu.memref_slice %arg8[%dma_start3A_95] : memref<2x!tpu.dma_semaphore, #tpu.memory_space<semaphore_mem>> -> memref<1x!tpu.dma_semaphore, #tpu.memory_space<semaphore_mem>>
    %dma_start3A_103 = tpu.memref_squeeze %dma_start3A_102 : memref<1x!tpu.dma_semaphore, #tpu.memory_space<semaphore_mem>> -> memref<!tpu.dma_semaphore, #tpu.memory_space<semaphore_mem>>
    %dma_start3A_104 = arith.constant 0 : i32
    %dma_start3A_105 = tpu.memref_slice %arg4[%add3A_93, %dma_start3A_104] : memref<81920x64xf32, #tpu.memory_space<hbm>> -> memref<640x64xf32, #tpu.memory_space<hbm>>
    %dma_start3A_106 = arith.constant 0 : i32
    %dma_start3A_107 = arith.constant 0 : i32
    %dma_start3A_108 = tpu.memref_slice %arg6[%dma_start3A_94, %dma_start3A_106, %dma_start3A_107] : memref<2x640x64xf32, #tpu.memory_space<vmem>> -> memref<1x640x64xf32, #tpu.memory_space<vmem>>
    %dma_start3A_109 = tpu.memref_squeeze %dma_start3A_108 : memref<1x640x64xf32, #tpu.memory_space<vmem>> -> memref<640x64xf32, #tpu.memory_space<vmem>>
    tpu.enqueue_dma source(%dma_start3A_109 : memref<640x64xf32, #tpu.memory_space<vmem>>) target(%dma_start3A_105 : memref<640x64xf32, #tpu.memory_space<hbm>>) target_semaphore(%dma_start3A_103 : memref<!tpu.dma_semaphore, #tpu.memory_space<semaphore_mem>>)
    %add3A_110 = arith.constant 640 : i32
    %add3A_111 = arith.addi %mul3A_2, %add3A_110 : i32
    %dma_wait3A_112 = arith.constant 1 : i32
    %dma_wait3A_113 = arith.constant 1 : i32
    %dma_wait3A_114 = arith.constant 0 : i32
    %dma_wait3A_115 = arith.constant 0 : i32
    %dma_wait3A_116 = tpu.memref_slice %arg6[%dma_wait3A_112, %dma_wait3A_114, %dma_wait3A_115] : memref<2x640x64xf32, #tpu.memory_space<vmem>> -> memref<1x640x64xf32, #tpu.memory_space<vmem>>
    %dma_wait3A_117 = tpu.memref_squeeze %dma_wait3A_116 : memref<1x640x64xf32, #tpu.memory_space<vmem>> -> memref<640x64xf32, #tpu.memory_space<vmem>>
    %dma_wait3A_118 = arith.constant 0 : i32
    %dma_wait3A_119 = tpu.memref_slice %arg4[%add3A_111, %dma_wait3A_118] : memref<81920x64xf32, #tpu.memory_space<hbm>> -> memref<640x64xf32, #tpu.memory_space<hbm>>
    %dma_wait3A_120 = tpu.memref_slice %arg8[%dma_wait3A_113] : memref<2x!tpu.dma_semaphore, #tpu.memory_space<semaphore_mem>> -> memref<1x!tpu.dma_semaphore, #tpu.memory_space<semaphore_mem>>
    %dma_wait3A_121 = tpu.memref_squeeze %dma_wait3A_120 : memref<1x!tpu.dma_semaphore, #tpu.memory_space<semaphore_mem>> -> memref<!tpu.dma_semaphore, #tpu.memory_space<semaphore_mem>>
    %dma_wait3A_122 = arith.constant 0 : i32
    %dma_wait3A_123 = tpu.memref_slice %arg4[%add3A_111, %dma_wait3A_122] : memref<81920x64xf32, #tpu.memory_space<hbm>> -> memref<640x64xf32, #tpu.memory_space<hbm>>
    %dma_wait3A_124 = arith.constant 0 : i32
    %dma_wait3A_125 = arith.constant 0 : i32
    %dma_wait3A_126 = tpu.memref_slice %arg6[%dma_wait3A_112, %dma_wait3A_124, %dma_wait3A_125] : memref<2x640x64xf32, #tpu.memory_space<vmem>> -> memref<1x640x64xf32, #tpu.memory_space<vmem>>
    %dma_wait3A_127 = tpu.memref_squeeze %dma_wait3A_126 : memref<1x640x64xf32, #tpu.memory_space<vmem>> -> memref<640x64xf32, #tpu.memory_space<vmem>>
    tpu.wait_dma2 semaphore(%dma_wait3A_121 : memref<!tpu.dma_semaphore, #tpu.memory_space<semaphore_mem>>) src(%dma_wait3A_127 : memref<640x64xf32, #tpu.memory_space<vmem>>) dst(%dma_wait3A_123 : memref<640x64xf32, #tpu.memory_space<hbm>>)
    %run_scoped3A_128 = arith.constant 3 : i32
    "tpu.region"() ({
      %run_scoped3A_195 = tpu.sem_alloc : memref<!tpu.dma_semaphore, #tpu.memory_space<semaphore_mem>>
      %dma_start3A_196 = arith.constant 0 : i32
      %dma_start3A_197 = tpu.memref_slice %arg2[%add3A, %run_scoped3A_128, %dma_start3A_196] : memref<32x4x640xi32, #tpu.memory_space<hbm>> -> memref<1x1x640xi32, #tpu.memory_space<hbm>>
      %dma_start3A_198 = tpu.memref_squeeze %dma_start3A_197 : memref<1x1x640xi32, #tpu.memory_space<hbm>> -> memref<640xi32, #tpu.memory_space<hbm>>
      %dma_start3A_199 = arith.constant 0 : i32
      %dma_start3A_200 = tpu.memref_slice %arg2[%add3A, %run_scoped3A_128, %dma_start3A_199] : memref<32x4x640xi32, #tpu.memory_space<hbm>> -> memref<1x1x640xi32, #tpu.memory_space<hbm>>
      %dma_start3A_201 = tpu.memref_squeeze %dma_start3A_200 : memref<1x1x640xi32, #tpu.memory_space<hbm>> -> memref<640xi32, #tpu.memory_space<hbm>>
      tpu.enqueue_dma source(%dma_start3A_201 : memref<640xi32, #tpu.memory_space<hbm>>) target(%arg5 : memref<640xi32, #tpu.memory_space<vmem>>) target_semaphore(%run_scoped3A_195 : memref<!tpu.dma_semaphore, #tpu.memory_space<semaphore_mem>>)
      %dma_wait3A_202 = arith.constant 0 : i32
      %dma_wait3A_203 = tpu.memref_slice %arg2[%add3A, %run_scoped3A_128, %dma_wait3A_202] : memref<32x4x640xi32, #tpu.memory_space<hbm>> -> memref<1x1x640xi32, #tpu.memory_space<hbm>>
      %dma_wait3A_204 = tpu.memref_squeeze %dma_wait3A_203 : memref<1x1x640xi32, #tpu.memory_space<hbm>> -> memref<640xi32, #tpu.memory_space<hbm>>
      %dma_wait3A_205 = arith.constant 0 : i32
      %dma_wait3A_206 = tpu.memref_slice %arg2[%add3A, %run_scoped3A_128, %dma_wait3A_205] : memref<32x4x640xi32, #tpu.memory_space<hbm>> -> memref<1x1x640xi32, #tpu.memory_space<hbm>>
      %dma_wait3A_207 = tpu.memref_squeeze %dma_wait3A_206 : memref<1x1x640xi32, #tpu.memory_space<hbm>> -> memref<640xi32, #tpu.memory_space<hbm>>
      tpu.wait_dma2 semaphore(%run_scoped3A_195 : memref<!tpu.dma_semaphore, #tpu.memory_space<semaphore_mem>>) src(%dma_wait3A_207 : memref<640xi32, #tpu.memory_space<hbm>>) dst(%arg5 : memref<640xi32, #tpu.memory_space<vmem>>)
      tpu.yield
    }) : () -> ()
    %scan3A_129 = arith.constant 0 : i32
    %scan3A_130 = arith.constant 0 : i32
    %scan3A_131 = arith.constant 40 : i32
    %scan3A_132 = arith.addi %scan3A_130, %scan3A_131 : i32
    %scan3A_133 = arith.constant 1 : i32
    scf.for %scan3A_195 = %scan3A_130 to %scan3A_132 step %scan3A_133  : i32 {
      %mul3A_196 = arith.constant 16 : i32
      %mul3A_197 = arith.muli %scan3A_195, %mul3A_196 : i32
      %get3A = arith.index_cast %mul3A_197 : i32 to index
      %get3A_198 = tpu.vector_load %arg5[%get3A] {strides = array<i32>} : memref<640xi32, #tpu.memory_space<vmem>>, vector<16xi32>,
      %get3A_199 = vector.shape_cast %get3A_198 : vector<16xi32> to vector<16xi32>
      %slice3A = vector.extract_strided_slice %get3A_199 {offsets = [0], sizes = [1], strides = [1]} : vector<16xi32> to vector<1xi32>
      %squeeze3A = vector.extract %slice3A[0] : i32 from vector<1xi32>
      %mul3A_200 = arith.constant 16 : i32
      %mul3A_201 = arith.muli %scan3A_195, %mul3A_200 : i32
      %add3A_202 = arith.constant 0 : i32
      %add3A_203 = arith.addi %mul3A_201, %add3A_202 : i32
      %dma_start3A_204 = arith.constant 1 : i32
      %dma_start3A_205 = arith.constant 1 : i32
      %dma_start3A_206 = arith.constant 0 : i32
      %dma_start3A_207 = tpu.memref_slice %arg6[%dma_start3A_204, %add3A_203, %dma_start3A_206] : memref<2x640x64xf32, #tpu.memory_space<vmem>> -> memref<1x1x64xf32, #tpu.memory_space<vmem>>
      %dma_start3A_208 = tpu.memref_squeeze %dma_start3A_207 : memref<1x1x64xf32, #tpu.memory_space<vmem>> -> memref<1x64xf32, #tpu.memory_space<vmem>>
      %dma_start3A_209 = arith.constant 0 : i32
      %dma_start3A_210 = tpu.memref_slice %arg3[%squeeze3A, %dma_start3A_209] : memref<1000000x64xf32, #tpu.memory_space<hbm>> -> memref<1x64xf32, #tpu.memory_space<hbm>>
      %dma_start3A_211 = tpu.memref_slice %arg7[%dma_start3A_205] : memref<2x!tpu.dma_semaphore, #tpu.memory_space<semaphore_mem>> -> memref<1x!tpu.dma_semaphore, #tpu.memory_space<semaphore_mem>>
      %dma_start3A_212 = tpu.memref_squeeze %dma_start3A_211 : memref<1x!tpu.dma_semaphore, #tpu.memory_space<semaphore_mem>> -> memref<!tpu.dma_semaphore, #tpu.memory_space<semaphore_mem>>
      %dma_start3A_213 = arith.constant 0 : i32
      %dma_start3A_214 = tpu.memref_slice %arg6[%dma_start3A_204, %add3A_203, %dma_start3A_213] : memref<2x640x64xf32, #tpu.memory_space<vmem>> -> memref<1x1x64xf32, #tpu.memory_space<vmem>>
      %dma_start3A_215 = tpu.memref_squeeze %dma_start3A_214 : memref<1x1x64xf32, #tpu.memory_space<vmem>> -> memref<1x64xf32, #tpu.memory_space<vmem>>
      %dma_start3A_216 = arith.constant 0 : i32
      %dma_start3A_217 = tpu.memref_slice %arg3[%squeeze3A, %dma_start3A_216] : memref<1000000x64xf32, #tpu.memory_space<hbm>> -> memref<1x64xf32, #tpu.memory_space<hbm>>
      tpu.enqueue_dma source(%dma_start3A_217 : memref<1x64xf32, #tpu.memory_space<hbm>>) target(%dma_start3A_215 : memref<1x64xf32, #tpu.memory_space<vmem>>) target_semaphore(%dma_start3A_212 : memref<!tpu.dma_semaphore, #tpu.memory_space<semaphore_mem>>)
      %slice3A_218 = vector.extract_strided_slice %get3A_199 {offsets = [1], sizes = [1], strides = [1]} : vector<16xi32> to vector<1xi32>
      %squeeze3A_219 = vector.extract %slice3A_218[0] : i32 from vector<1xi32>
      %mul3A_220 = arith.constant 16 : i32
      %mul3A_221 = arith.muli %scan3A_195, %mul3A_220 : i32
      %add3A_222 = arith.constant 1 : i32
      %add3A_223 = arith.addi %mul3A_221, %add3A_222 : i32
      %dma_start3A_224 = arith.constant 1 : i32
      %dma_start3A_225 = arith.constant 1 : i32
      %dma_start3A_226 = arith.constant 0 : i32
      %dma_start3A_227 = tpu.memref_slice %arg6[%dma_start3A_224, %add3A_223, %dma_start3A_226] : memref<2x640x64xf32, #tpu.memory_space<vmem>> -> memref<1x1x64xf32, #tpu.memory_space<vmem>>
      %dma_start3A_228 = tpu.memref_squeeze %dma_start3A_227 : memref<1x1x64xf32, #tpu.memory_space<vmem>> -> memref<1x64xf32, #tpu.memory_space<vmem>>
      %dma_start3A_229 = arith.constant 0 : i32
      %dma_start3A_230 = tpu.memref_slice %arg3[%squeeze3A_219, %dma_start3A_229] : memref<1000000x64xf32, #tpu.memory_space<hbm>> -> memref<1x64xf32, #tpu.memory_space<hbm>>
      %dma_start3A_231 = tpu.memref_slice %arg7[%dma_start3A_225] : memref<2x!tpu.dma_semaphore, #tpu.memory_space<semaphore_mem>> -> memref<1x!tpu.dma_semaphore, #tpu.memory_space<semaphore_mem>>
      %dma_start3A_232 = tpu.memref_squeeze %dma_start3A_231 : memref<1x!tpu.dma_semaphore, #tpu.memory_space<semaphore_mem>> -> memref<!tpu.dma_semaphore, #tpu.memory_space<semaphore_mem>>
      %dma_start3A_233 = arith.constant 0 : i32
      %dma_start3A_234 = tpu.memref_slice %arg6[%dma_start3A_224, %add3A_223, %dma_start3A_233] : memref<2x640x64xf32, #tpu.memory_space<vmem>> -> memref<1x1x64xf32, #tpu.memory_space<vmem>>
      %dma_start3A_235 = tpu.memref_squeeze %dma_start3A_234 : memref<1x1x64xf32, #tpu.memory_space<vmem>> -> memref<1x64xf32, #tpu.memory_space<vmem>>
      %dma_start3A_236 = arith.constant 0 : i32
      %dma_start3A_237 = tpu.memref_slice %arg3[%squeeze3A_219, %dma_start3A_236] : memref<1000000x64xf32, #tpu.memory_space<hbm>> -> memref<1x64xf32, #tpu.memory_space<hbm>>
      tpu.enqueue_dma source(%dma_start3A_237 : memref<1x64xf32, #tpu.memory_space<hbm>>) target(%dma_start3A_235 : memref<1x64xf32, #tpu.memory_space<vmem>>) target_semaphore(%dma_start3A_232 : memref<!tpu.dma_semaphore, #tpu.memory_space<semaphore_mem>>)
      %slice3A_238 = vector.extract_strided_slice %get3A_199 {offsets = [2], sizes = [1], strides = [1]} : vector<16xi32> to vector<1xi32>
      %squeeze3A_239 = vector.extract %slice3A_238[0] : i32 from vector<1xi32>
      %mul3A_240 = arith.constant 16 : i32
      %mul3A_241 = arith.muli %scan3A_195, %mul3A_240 : i32
      %add3A_242 = arith.constant 2 : i32
      %add3A_243 = arith.addi %mul3A_241, %add3A_242 : i32
      %dma_start3A_244 = arith.constant 1 : i32
      %dma_start3A_245 = arith.constant 1 : i32
      %dma_start3A_246 = arith.constant 0 : i32
      %dma_start3A_247 = tpu.memref_slice %arg6[%dma_start3A_244, %add3A_243, %dma_start3A_246] : memref<2x640x64xf32, #tpu.memory_space<vmem>> -> memref<1x1x64xf32, #tpu.memory_space<vmem>>
      %dma_start3A_248 = tpu.memref_squeeze %dma_start3A_247 : memref<1x1x64xf32, #tpu.memory_space<vmem>> -> memref<1x64xf32, #tpu.memory_space<vmem>>
      %dma_start3A_249 = arith.constant 0 : i32
      %dma_start3A_250 = tpu.memref_slice %arg3[%squeeze3A_239, %dma_start3A_249] : memref<1000000x64xf32, #tpu.memory_space<hbm>> -> memref<1x64xf32, #tpu.memory_space<hbm>>
      %dma_start3A_251 = tpu.memref_slice %arg7[%dma_start3A_245] : memref<2x!tpu.dma_semaphore, #tpu.memory_space<semaphore_mem>> -> memref<1x!tpu.dma_semaphore, #tpu.memory_space<semaphore_mem>>
      %dma_start3A_252 = tpu.memref_squeeze %dma_start3A_251 : memref<1x!tpu.dma_semaphore, #tpu.memory_space<semaphore_mem>> -> memref<!tpu.dma_semaphore, #tpu.memory_space<semaphore_mem>>
      %dma_start3A_253 = arith.constant 0 : i32
      %dma_start3A_254 = tpu.memref_slice %arg6[%dma_start3A_244, %add3A_243, %dma_start3A_253] : memref<2x640x64xf32, #tpu.memory_space<vmem>> -> memref<1x1x64xf32, #tpu.memory_space<vmem>>
      %dma_start3A_255 = tpu.memref_squeeze %dma_start3A_254 : memref<1x1x64xf32, #tpu.memory_space<vmem>> -> memref<1x64xf32, #tpu.memory_space<vmem>>
      %dma_start3A_256 = arith.constant 0 : i32
      %dma_start3A_257 = tpu.memref_slice %arg3[%squeeze3A_239, %dma_start3A_256] : memref<1000000x64xf32, #tpu.memory_space<hbm>> -> memref<1x64xf32, #tpu.memory_space<hbm>>
      tpu.enqueue_dma source(%dma_start3A_257 : memref<1x64xf32, #tpu.memory_space<hbm>>) target(%dma_start3A_255 : memref<1x64xf32, #tpu.memory_space<vmem>>) target_semaphore(%dma_start3A_252 : memref<!tpu.dma_semaphore, #tpu.memory_space<semaphore_mem>>)
      %slice3A_258 = vector.extract_strided_slice %get3A_199 {offsets = [3], sizes = [1], strides = [1]} : vector<16xi32> to vector<1xi32>
      %squeeze3A_259 = vector.extract %slice3A_258[0] : i32 from vector<1xi32>
      %mul3A_260 = arith.constant 16 : i32
      %mul3A_261 = arith.muli %scan3A_195, %mul3A_260 : i32
      %add3A_262 = arith.constant 3 : i32
      %add3A_263 = arith.addi %mul3A_261, %add3A_262 : i32
      %dma_start3A_264 = arith.constant 1 : i32
      %dma_start3A_265 = arith.constant 1 : i32
      %dma_start3A_266 = arith.constant 0 : i32
      %dma_start3A_267 = tpu.memref_slice %arg6[%dma_start3A_264, %add3A_263, %dma_start3A_266] : memref<2x640x64xf32, #tpu.memory_space<vmem>> -> memref<1x1x64xf32, #tpu.memory_space<vmem>>
      %dma_start3A_268 = tpu.memref_squeeze %dma_start3A_267 : memref<1x1x64xf32, #tpu.memory_space<vmem>> -> memref<1x64xf32, #tpu.memory_space<vmem>>
      %dma_start3A_269 = arith.constant 0 : i32
      %dma_start3A_270 = tpu.memref_slice %arg3[%squeeze3A_259, %dma_start3A_269] : memref<1000000x64xf32, #tpu.memory_space<hbm>> -> memref<1x64xf32, #tpu.memory_space<hbm>>
      %dma_start3A_271 = tpu.memref_slice %arg7[%dma_start3A_265] : memref<2x!tpu.dma_semaphore, #tpu.memory_space<semaphore_mem>> -> memref<1x!tpu.dma_semaphore, #tpu.memory_space<semaphore_mem>>
      %dma_start3A_272 = tpu.memref_squeeze %dma_start3A_271 : memref<1x!tpu.dma_semaphore, #tpu.memory_space<semaphore_mem>> -> memref<!tpu.dma_semaphore, #tpu.memory_space<semaphore_mem>>
      %dma_start3A_273 = arith.constant 0 : i32
      %dma_start3A_274 = tpu.memref_slice %arg6[%dma_start3A_264, %add3A_263, %dma_start3A_273] : memref<2x640x64xf32, #tpu.memory_space<vmem>> -> memref<1x1x64xf32, #tpu.memory_space<vmem>>
      %dma_start3A_275 = tpu.memref_squeeze %dma_start3A_274 : memref<1x1x64xf32, #tpu.memory_space<vmem>> -> memref<1x64xf32, #tpu.memory_space<vmem>>
      %dma_start3A_276 = arith.constant 0 : i32
      %dma_start3A_277 = tpu.memref_slice %arg3[%squeeze3A_259, %dma_start3A_276] : memref<1000000x64xf32, #tpu.memory_space<hbm>> -> memref<1x64xf32, #tpu.memory_space<hbm>>
      tpu.enqueue_dma source(%dma_start3A_277 : memref<1x64xf32, #tpu.memory_space<hbm>>) target(%dma_start3A_275 : memref<1x64xf32, #tpu.memory_space<vmem>>) target_semaphore(%dma_start3A_272 : memref<!tpu.dma_semaphore, #tpu.memory_space<semaphore_mem>>)
      %slice3A_278 = vector.extract_strided_slice %get3A_199 {offsets = [4], sizes = [1], strides = [1]} : vector<16xi32> to vector<1xi32>
      %squeeze3A_279 = vector.extract %slice3A_278[0] : i32 from vector<1xi32>
      %mul3A_280 = arith.constant 16 : i32
      %mul3A_281 = arith.muli %scan3A_195, %mul3A_280 : i32
      %add3A_282 = arith.constant 4 : i32
      %add3A_283 = arith.addi %mul3A_281, %add3A_282 : i32
      %dma_start3A_284 = arith.constant 1 : i32
      %dma_start3A_285 = arith.constant 1 : i32
      %dma_start3A_286 = arith.constant 0 : i32
      %dma_start3A_287 = tpu.memref_slice %arg6[%dma_start3A_284, %add3A_283, %dma_start3A_286] : memref<2x640x64xf32, #tpu.memory_space<vmem>> -> memref<1x1x64xf32, #tpu.memory_space<vmem>>
      %dma_start3A_288 = tpu.memref_squeeze %dma_start3A_287 : memref<1x1x64xf32, #tpu.memory_space<vmem>> -> memref<1x64xf32, #tpu.memory_space<vmem>>
      %dma_start3A_289 = arith.constant 0 : i32
      %dma_start3A_290 = tpu.memref_slice %arg3[%squeeze3A_279, %dma_start3A_289] : memref<1000000x64xf32, #tpu.memory_space<hbm>> -> memref<1x64xf32, #tpu.memory_space<hbm>>
      %dma_start3A_291 = tpu.memref_slice %arg7[%dma_start3A_285] : memref<2x!tpu.dma_semaphore, #tpu.memory_space<semaphore_mem>> -> memref<1x!tpu.dma_semaphore, #tpu.memory_space<semaphore_mem>>
      %dma_start3A_292 = tpu.memref_squeeze %dma_start3A_291 : memref<1x!tpu.dma_semaphore, #tpu.memory_space<semaphore_mem>> -> memref<!tpu.dma_semaphore, #tpu.memory_space<semaphore_mem>>
      %dma_start3A_293 = arith.constant 0 : i32
      %dma_start3A_294 = tpu.memref_slice %arg6[%dma_start3A_284, %add3A_283, %dma_start3A_293] : memref<2x640x64xf32, #tpu.memory_space<vmem>> -> memref<1x1x64xf32, #tpu.memory_space<vmem>>
      %dma_start3A_295 = tpu.memref_squeeze %dma_start3A_294 : memref<1x1x64xf32, #tpu.memory_space<vmem>> -> memref<1x64xf32, #tpu.memory_space<vmem>>
      %dma_start3A_296 = arith.constant 0 : i32
      %dma_start3A_297 = tpu.memref_slice %arg3[%squeeze3A_279, %dma_start3A_296] : memref<1000000x64xf32, #tpu.memory_space<hbm>> -> memref<1x64xf32, #tpu.memory_space<hbm>>
      tpu.enqueue_dma source(%dma_start3A_297 : memref<1x64xf32, #tpu.memory_space<hbm>>) target(%dma_start3A_295 : memref<1x64xf32, #tpu.memory_space<vmem>>) target_semaphore(%dma_start3A_292 : memref<!tpu.dma_semaphore, #tpu.memory_space<semaphore_mem>>)
      %slice3A_298 = vector.extract_strided_slice %get3A_199 {offsets = [5], sizes = [1], strides = [1]} : vector<16xi32> to vector<1xi32>
      %squeeze3A_299 = vector.extract %slice3A_298[0] : i32 from vector<1xi32>
      %mul3A_300 = arith.constant 16 : i32
      %mul3A_301 = arith.muli %scan3A_195, %mul3A_300 : i32
      %add3A_302 = arith.constant 5 : i32
      %add3A_303 = arith.addi %mul3A_301, %add3A_302 : i32
      %dma_start3A_304 = arith.constant 1 : i32
      %dma_start3A_305 = arith.constant 1 : i32
      %dma_start3A_306 = arith.constant 0 : i32
      %dma_start3A_307 = tpu.memref_slice %arg6[%dma_start3A_304, %add3A_303, %dma_start3A_306] : memref<2x640x64xf32, #tpu.memory_space<vmem>> -> memref<1x1x64xf32, #tpu.memory_space<vmem>>
      %dma_start3A_308 = tpu.memref_squeeze %dma_start3A_307 : memref<1x1x64xf32, #tpu.memory_space<vmem>> -> memref<1x64xf32, #tpu.memory_space<vmem>>
      %dma_start3A_309 = arith.constant 0 : i32
      %dma_start3A_310 = tpu.memref_slice %arg3[%squeeze3A_299, %dma_start3A_309] : memref<1000000x64xf32, #tpu.memory_space<hbm>> -> memref<1x64xf32, #tpu.memory_space<hbm>>
      %dma_start3A_311 = tpu.memref_slice %arg7[%dma_start3A_305] : memref<2x!tpu.dma_semaphore, #tpu.memory_space<semaphore_mem>> -> memref<1x!tpu.dma_semaphore, #tpu.memory_space<semaphore_mem>>
      %dma_start3A_312 = tpu.memref_squeeze %dma_start3A_311 : memref<1x!tpu.dma_semaphore, #tpu.memory_space<semaphore_mem>> -> memref<!tpu.dma_semaphore, #tpu.memory_space<semaphore_mem>>
      %dma_start3A_313 = arith.constant 0 : i32
      %dma_start3A_314 = tpu.memref_slice %arg6[%dma_start3A_304, %add3A_303, %dma_start3A_313] : memref<2x640x64xf32, #tpu.memory_space<vmem>> -> memref<1x1x64xf32, #tpu.memory_space<vmem>>
      %dma_start3A_315 = tpu.memref_squeeze %dma_start3A_314 : memref<1x1x64xf32, #tpu.memory_space<vmem>> -> memref<1x64xf32, #tpu.memory_space<vmem>>
      %dma_start3A_316 = arith.constant 0 : i32
      %dma_start3A_317 = tpu.memref_slice %arg3[%squeeze3A_299, %dma_start3A_316] : memref<1000000x64xf32, #tpu.memory_space<hbm>> -> memref<1x64xf32, #tpu.memory_space<hbm>>
      tpu.enqueue_dma source(%dma_start3A_317 : memref<1x64xf32, #tpu.memory_space<hbm>>) target(%dma_start3A_315 : memref<1x64xf32, #tpu.memory_space<vmem>>) target_semaphore(%dma_start3A_312 : memref<!tpu.dma_semaphore, #tpu.memory_space<semaphore_mem>>)
      %slice3A_318 = vector.extract_strided_slice %get3A_199 {offsets = [6], sizes = [1], strides = [1]} : vector<16xi32> to vector<1xi32>
      %squeeze3A_319 = vector.extract %slice3A_318[0] : i32 from vector<1xi32>
      %mul3A_320 = arith.constant 16 : i32
      %mul3A_321 = arith.muli %scan3A_195, %mul3A_320 : i32
      %add3A_322 = arith.constant 6 : i32
      %add3A_323 = arith.addi %mul3A_321, %add3A_322 : i32
      %dma_start3A_324 = arith.constant 1 : i32
      %dma_start3A_325 = arith.constant 1 : i32
      %dma_start3A_326 = arith.constant 0 : i32
      %dma_start3A_327 = tpu.memref_slice %arg6[%dma_start3A_324, %add3A_323, %dma_start3A_326] : memref<2x640x64xf32, #tpu.memory_space<vmem>> -> memref<1x1x64xf32, #tpu.memory_space<vmem>>
      %dma_start3A_328 = tpu.memref_squeeze %dma_start3A_327 : memref<1x1x64xf32, #tpu.memory_space<vmem>> -> memref<1x64xf32, #tpu.memory_space<vmem>>
      %dma_start3A_329 = arith.constant 0 : i32
      %dma_start3A_330 = tpu.memref_slice %arg3[%squeeze3A_319, %dma_start3A_329] : memref<1000000x64xf32, #tpu.memory_space<hbm>> -> memref<1x64xf32, #tpu.memory_space<hbm>>
      %dma_start3A_331 = tpu.memref_slice %arg7[%dma_start3A_325] : memref<2x!tpu.dma_semaphore, #tpu.memory_space<semaphore_mem>> -> memref<1x!tpu.dma_semaphore, #tpu.memory_space<semaphore_mem>>
      %dma_start3A_332 = tpu.memref_squeeze %dma_start3A_331 : memref<1x!tpu.dma_semaphore, #tpu.memory_space<semaphore_mem>> -> memref<!tpu.dma_semaphore, #tpu.memory_space<semaphore_mem>>
      %dma_start3A_333 = arith.constant 0 : i32
      %dma_start3A_334 = tpu.memref_slice %arg6[%dma_start3A_324, %add3A_323, %dma_start3A_333] : memref<2x640x64xf32, #tpu.memory_space<vmem>> -> memref<1x1x64xf32, #tpu.memory_space<vmem>>
      %dma_start3A_335 = tpu.memref_squeeze %dma_start3A_334 : memref<1x1x64xf32, #tpu.memory_space<vmem>> -> memref<1x64xf32, #tpu.memory_space<vmem>>
      %dma_start3A_336 = arith.constant 0 : i32
      %dma_start3A_337 = tpu.memref_slice %arg3[%squeeze3A_319, %dma_start3A_336] : memref<1000000x64xf32, #tpu.memory_space<hbm>> -> memref<1x64xf32, #tpu.memory_space<hbm>>
      tpu.enqueue_dma source(%dma_start3A_337 : memref<1x64xf32, #tpu.memory_space<hbm>>) target(%dma_start3A_335 : memref<1x64xf32, #tpu.memory_space<vmem>>) target_semaphore(%dma_start3A_332 : memref<!tpu.dma_semaphore, #tpu.memory_space<semaphore_mem>>)
      %slice3A_338 = vector.extract_strided_slice %get3A_199 {offsets = [7], sizes = [1], strides = [1]} : vector<16xi32> to vector<1xi32>
      %squeeze3A_339 = vector.extract %slice3A_338[0] : i32 from vector<1xi32>
      %mul3A_340 = arith.constant 16 : i32
      %mul3A_341 = arith.muli %scan3A_195, %mul3A_340 : i32
      %add3A_342 = arith.constant 7 : i32
      %add3A_343 = arith.addi %mul3A_341, %add3A_342 : i32
      %dma_start3A_344 = arith.constant 1 : i32
      %dma_start3A_345 = arith.constant 1 : i32
      %dma_start3A_346 = arith.constant 0 : i32
      %dma_start3A_347 = tpu.memref_slice %arg6[%dma_start3A_344, %add3A_343, %dma_start3A_346] : memref<2x640x64xf32, #tpu.memory_space<vmem>> -> memref<1x1x64xf32, #tpu.memory_space<vmem>>
      %dma_start3A_348 = tpu.memref_squeeze %dma_start3A_347 : memref<1x1x64xf32, #tpu.memory_space<vmem>> -> memref<1x64xf32, #tpu.memory_space<vmem>>
      %dma_start3A_349 = arith.constant 0 : i32
      %dma_start3A_350 = tpu.memref_slice %arg3[%squeeze3A_339, %dma_start3A_349] : memref<1000000x64xf32, #tpu.memory_space<hbm>> -> memref<1x64xf32, #tpu.memory_space<hbm>>
      %dma_start3A_351 = tpu.memref_slice %arg7[%dma_start3A_345] : memref<2x!tpu.dma_semaphore, #tpu.memory_space<semaphore_mem>> -> memref<1x!tpu.dma_semaphore, #tpu.memory_space<semaphore_mem>>
      %dma_start3A_352 = tpu.memref_squeeze %dma_start3A_351 : memref<1x!tpu.dma_semaphore, #tpu.memory_space<semaphore_mem>> -> memref<!tpu.dma_semaphore, #tpu.memory_space<semaphore_mem>>
      %dma_start3A_353 = arith.constant 0 : i32
      %dma_start3A_354 = tpu.memref_slice %arg6[%dma_start3A_344, %add3A_343, %dma_start3A_353] : memref<2x640x64xf32, #tpu.memory_space<vmem>> -> memref<1x1x64xf32, #tpu.memory_space<vmem>>
      %dma_start3A_355 = tpu.memref_squeeze %dma_start3A_354 : memref<1x1x64xf32, #tpu.memory_space<vmem>> -> memref<1x64xf32, #tpu.memory_space<vmem>>
      %dma_start3A_356 = arith.constant 0 : i32
      %dma_start3A_357 = tpu.memref_slice %arg3[%squeeze3A_339, %dma_start3A_356] : memref<1000000x64xf32, #tpu.memory_space<hbm>> -> memref<1x64xf32, #tpu.memory_space<hbm>>
      tpu.enqueue_dma source(%dma_start3A_357 : memref<1x64xf32, #tpu.memory_space<hbm>>) target(%dma_start3A_355 : memref<1x64xf32, #tpu.memory_space<vmem>>) target_semaphore(%dma_start3A_352 : memref<!tpu.dma_semaphore, #tpu.memory_space<semaphore_mem>>)
      %slice3A_358 = vector.extract_strided_slice %get3A_199 {offsets = [8], sizes = [1], strides = [1]} : vector<16xi32> to vector<1xi32>
      %squeeze3A_359 = vector.extract %slice3A_358[0] : i32 from vector<1xi32>
      %mul3A_360 = arith.constant 16 : i32
      %mul3A_361 = arith.muli %scan3A_195, %mul3A_360 : i32
      %add3A_362 = arith.constant 8 : i32
      %add3A_363 = arith.addi %mul3A_361, %add3A_362 : i32
      %dma_start3A_364 = arith.constant 1 : i32
      %dma_start3A_365 = arith.constant 1 : i32
      %dma_start3A_366 = arith.constant 0 : i32
      %dma_start3A_367 = tpu.memref_slice %arg6[%dma_start3A_364, %add3A_363, %dma_start3A_366] : memref<2x640x64xf32, #tpu.memory_space<vmem>> -> memref<1x1x64xf32, #tpu.memory_space<vmem>>
      %dma_start3A_368 = tpu.memref_squeeze %dma_start3A_367 : memref<1x1x64xf32, #tpu.memory_space<vmem>> -> memref<1x64xf32, #tpu.memory_space<vmem>>
      %dma_start3A_369 = arith.constant 0 : i32
      %dma_start3A_370 = tpu.memref_slice %arg3[%squeeze3A_359, %dma_start3A_369] : memref<1000000x64xf32, #tpu.memory_space<hbm>> -> memref<1x64xf32, #tpu.memory_space<hbm>>
      %dma_start3A_371 = tpu.memref_slice %arg7[%dma_start3A_365] : memref<2x!tpu.dma_semaphore, #tpu.memory_space<semaphore_mem>> -> memref<1x!tpu.dma_semaphore, #tpu.memory_space<semaphore_mem>>
      %dma_start3A_372 = tpu.memref_squeeze %dma_start3A_371 : memref<1x!tpu.dma_semaphore, #tpu.memory_space<semaphore_mem>> -> memref<!tpu.dma_semaphore, #tpu.memory_space<semaphore_mem>>
      %dma_start3A_373 = arith.constant 0 : i32
      %dma_start3A_374 = tpu.memref_slice %arg6[%dma_start3A_364, %add3A_363, %dma_start3A_373] : memref<2x640x64xf32, #tpu.memory_space<vmem>> -> memref<1x1x64xf32, #tpu.memory_space<vmem>>
      %dma_start3A_375 = tpu.memref_squeeze %dma_start3A_374 : memref<1x1x64xf32, #tpu.memory_space<vmem>> -> memref<1x64xf32, #tpu.memory_space<vmem>>
      %dma_start3A_376 = arith.constant 0 : i32
      %dma_start3A_377 = tpu.memref_slice %arg3[%squeeze3A_359, %dma_start3A_376] : memref<1000000x64xf32, #tpu.memory_space<hbm>> -> memref<1x64xf32, #tpu.memory_space<hbm>>
      tpu.enqueue_dma source(%dma_start3A_377 : memref<1x64xf32, #tpu.memory_space<hbm>>) target(%dma_start3A_375 : memref<1x64xf32, #tpu.memory_space<vmem>>) target_semaphore(%dma_start3A_372 : memref<!tpu.dma_semaphore, #tpu.memory_space<semaphore_mem>>)
      %slice3A_378 = vector.extract_strided_slice %get3A_199 {offsets = [9], sizes = [1], strides = [1]} : vector<16xi32> to vector<1xi32>
      %squeeze3A_379 = vector.extract %slice3A_378[0] : i32 from vector<1xi32>
      %mul3A_380 = arith.constant 16 : i32
      %mul3A_381 = arith.muli %scan3A_195, %mul3A_380 : i32
      %add3A_382 = arith.constant 9 : i32
      %add3A_383 = arith.addi %mul3A_381, %add3A_382 : i32
      %dma_start3A_384 = arith.constant 1 : i32
      %dma_start3A_385 = arith.constant 1 : i32
      %dma_start3A_386 = arith.constant 0 : i32
      %dma_start3A_387 = tpu.memref_slice %arg6[%dma_start3A_384, %add3A_383, %dma_start3A_386] : memref<2x640x64xf32, #tpu.memory_space<vmem>> -> memref<1x1x64xf32, #tpu.memory_space<vmem>>
      %dma_start3A_388 = tpu.memref_squeeze %dma_start3A_387 : memref<1x1x64xf32, #tpu.memory_space<vmem>> -> memref<1x64xf32, #tpu.memory_space<vmem>>
      %dma_start3A_389 = arith.constant 0 : i32
      %dma_start3A_390 = tpu.memref_slice %arg3[%squeeze3A_379, %dma_start3A_389] : memref<1000000x64xf32, #tpu.memory_space<hbm>> -> memref<1x64xf32, #tpu.memory_space<hbm>>
      %dma_start3A_391 = tpu.memref_slice %arg7[%dma_start3A_385] : memref<2x!tpu.dma_semaphore, #tpu.memory_space<semaphore_mem>> -> memref<1x!tpu.dma_semaphore, #tpu.memory_space<semaphore_mem>>
      %dma_start3A_392 = tpu.memref_squeeze %dma_start3A_391 : memref<1x!tpu.dma_semaphore, #tpu.memory_space<semaphore_mem>> -> memref<!tpu.dma_semaphore, #tpu.memory_space<semaphore_mem>>
      %dma_start3A_393 = arith.constant 0 : i32
      %dma_start3A_394 = tpu.memref_slice %arg6[%dma_start3A_384, %add3A_383, %dma_start3A_393] : memref<2x640x64xf32, #tpu.memory_space<vmem>> -> memref<1x1x64xf32, #tpu.memory_space<vmem>>
      %dma_start3A_395 = tpu.memref_squeeze %dma_start3A_394 : memref<1x1x64xf32, #tpu.memory_space<vmem>> -> memref<1x64xf32, #tpu.memory_space<vmem>>
      %dma_start3A_396 = arith.constant 0 : i32
      %dma_start3A_397 = tpu.memref_slice %arg3[%squeeze3A_379, %dma_start3A_396] : memref<1000000x64xf32, #tpu.memory_space<hbm>> -> memref<1x64xf32, #tpu.memory_space<hbm>>
      tpu.enqueue_dma source(%dma_start3A_397 : memref<1x64xf32, #tpu.memory_space<hbm>>) target(%dma_start3A_395 : memref<1x64xf32, #tpu.memory_space<vmem>>) target_semaphore(%dma_start3A_392 : memref<!tpu.dma_semaphore, #tpu.memory_space<semaphore_mem>>)
      %slice3A_398 = vector.extract_strided_slice %get3A_199 {offsets = [10], sizes = [1], strides = [1]} : vector<16xi32> to vector<1xi32>
      %squeeze3A_399 = vector.extract %slice3A_398[0] : i32 from vector<1xi32>
      %mul3A_400 = arith.constant 16 : i32
      %mul3A_401 = arith.muli %scan3A_195, %mul3A_400 : i32
      %add3A_402 = arith.constant 10 : i32
      %add3A_403 = arith.addi %mul3A_401, %add3A_402 : i32
      %dma_start3A_404 = arith.constant 1 : i32
      %dma_start3A_405 = arith.constant 1 : i32
      %dma_start3A_406 = arith.constant 0 : i32
      %dma_start3A_407 = tpu.memref_slice %arg6[%dma_start3A_404, %add3A_403, %dma_start3A_406] : memref<2x640x64xf32, #tpu.memory_space<vmem>> -> memref<1x1x64xf32, #tpu.memory_space<vmem>>
      %dma_start3A_408 = tpu.memref_squeeze %dma_start3A_407 : memref<1x1x64xf32, #tpu.memory_space<vmem>> -> memref<1x64xf32, #tpu.memory_space<vmem>>
      %dma_start3A_409 = arith.constant 0 : i32
      %dma_start3A_410 = tpu.memref_slice %arg3[%squeeze3A_399, %dma_start3A_409] : memref<1000000x64xf32, #tpu.memory_space<hbm>> -> memref<1x64xf32, #tpu.memory_space<hbm>>
      %dma_start3A_411 = tpu.memref_slice %arg7[%dma_start3A_405] : memref<2x!tpu.dma_semaphore, #tpu.memory_space<semaphore_mem>> -> memref<1x!tpu.dma_semaphore, #tpu.memory_space<semaphore_mem>>
      %dma_start3A_412 = tpu.memref_squeeze %dma_start3A_411 : memref<1x!tpu.dma_semaphore, #tpu.memory_space<semaphore_mem>> -> memref<!tpu.dma_semaphore, #tpu.memory_space<semaphore_mem>>
      %dma_start3A_413 = arith.constant 0 : i32
      %dma_start3A_414 = tpu.memref_slice %arg6[%dma_start3A_404, %add3A_403, %dma_start3A_413] : memref<2x640x64xf32, #tpu.memory_space<vmem>> -> memref<1x1x64xf32, #tpu.memory_space<vmem>>
      %dma_start3A_415 = tpu.memref_squeeze %dma_start3A_414 : memref<1x1x64xf32, #tpu.memory_space<vmem>> -> memref<1x64xf32, #tpu.memory_space<vmem>>
      %dma_start3A_416 = arith.constant 0 : i32
      %dma_start3A_417 = tpu.memref_slice %arg3[%squeeze3A_399, %dma_start3A_416] : memref<1000000x64xf32, #tpu.memory_space<hbm>> -> memref<1x64xf32, #tpu.memory_space<hbm>>
      tpu.enqueue_dma source(%dma_start3A_417 : memref<1x64xf32, #tpu.memory_space<hbm>>) target(%dma_start3A_415 : memref<1x64xf32, #tpu.memory_space<vmem>>) target_semaphore(%dma_start3A_412 : memref<!tpu.dma_semaphore, #tpu.memory_space<semaphore_mem>>)
      %slice3A_418 = vector.extract_strided_slice %get3A_199 {offsets = [11], sizes = [1], strides = [1]} : vector<16xi32> to vector<1xi32>
      %squeeze3A_419 = vector.extract %slice3A_418[0] : i32 from vector<1xi32>
      %mul3A_420 = arith.constant 16 : i32
      %mul3A_421 = arith.muli %scan3A_195, %mul3A_420 : i32
      %add3A_422 = arith.constant 11 : i32
      %add3A_423 = arith.addi %mul3A_421, %add3A_422 : i32
      %dma_start3A_424 = arith.constant 1 : i32
      %dma_start3A_425 = arith.constant 1 : i32
      %dma_start3A_426 = arith.constant 0 : i32
      %dma_start3A_427 = tpu.memref_slice %arg6[%dma_start3A_424, %add3A_423, %dma_start3A_426] : memref<2x640x64xf32, #tpu.memory_space<vmem>> -> memref<1x1x64xf32, #tpu.memory_space<vmem>>
      %dma_start3A_428 = tpu.memref_squeeze %dma_start3A_427 : memref<1x1x64xf32, #tpu.memory_space<vmem>> -> memref<1x64xf32, #tpu.memory_space<vmem>>
      %dma_start3A_429 = arith.constant 0 : i32
      %dma_start3A_430 = tpu.memref_slice %arg3[%squeeze3A_419, %dma_start3A_429] : memref<1000000x64xf32, #tpu.memory_space<hbm>> -> memref<1x64xf32, #tpu.memory_space<hbm>>
      %dma_start3A_431 = tpu.memref_slice %arg7[%dma_start3A_425] : memref<2x!tpu.dma_semaphore, #tpu.memory_space<semaphore_mem>> -> memref<1x!tpu.dma_semaphore, #tpu.memory_space<semaphore_mem>>
      %dma_start3A_432 = tpu.memref_squeeze %dma_start3A_431 : memref<1x!tpu.dma_semaphore, #tpu.memory_space<semaphore_mem>> -> memref<!tpu.dma_semaphore, #tpu.memory_space<semaphore_mem>>
      %dma_start3A_433 = arith.constant 0 : i32
      %dma_start3A_434 = tpu.memref_slice %arg6[%dma_start3A_424, %add3A_423, %dma_start3A_433] : memref<2x640x64xf32, #tpu.memory_space<vmem>> -> memref<1x1x64xf32, #tpu.memory_space<vmem>>
      %dma_start3A_435 = tpu.memref_squeeze %dma_start3A_434 : memref<1x1x64xf32, #tpu.memory_space<vmem>> -> memref<1x64xf32, #tpu.memory_space<vmem>>
      %dma_start3A_436 = arith.constant 0 : i32
      %dma_start3A_437 = tpu.memref_slice %arg3[%squeeze3A_419, %dma_start3A_436] : memref<1000000x64xf32, #tpu.memory_space<hbm>> -> memref<1x64xf32, #tpu.memory_space<hbm>>
      tpu.enqueue_dma source(%dma_start3A_437 : memref<1x64xf32, #tpu.memory_space<hbm>>) target(%dma_start3A_435 : memref<1x64xf32, #tpu.memory_space<vmem>>) target_semaphore(%dma_start3A_432 : memref<!tpu.dma_semaphore, #tpu.memory_space<semaphore_mem>>)
      %slice3A_438 = vector.extract_strided_slice %get3A_199 {offsets = [12], sizes = [1], strides = [1]} : vector<16xi32> to vector<1xi32>
      %squeeze3A_439 = vector.extract %slice3A_438[0] : i32 from vector<1xi32>
      %mul3A_440 = arith.constant 16 : i32
      %mul3A_441 = arith.muli %scan3A_195, %mul3A_440 : i32
      %add3A_442 = arith.constant 12 : i32
      %add3A_443 = arith.addi %mul3A_441, %add3A_442 : i32
      %dma_start3A_444 = arith.constant 1 : i32
      %dma_start3A_445 = arith.constant 1 : i32
      %dma_start3A_446 = arith.constant 0 : i32
      %dma_start3A_447 = tpu.memref_slice %arg6[%dma_start3A_444, %add3A_443, %dma_start3A_446] : memref<2x640x64xf32, #tpu.memory_space<vmem>> -> memref<1x1x64xf32, #tpu.memory_space<vmem>>
      %dma_start3A_448 = tpu.memref_squeeze %dma_start3A_447 : memref<1x1x64xf32, #tpu.memory_space<vmem>> -> memref<1x64xf32, #tpu.memory_space<vmem>>
      %dma_start3A_449 = arith.constant 0 : i32
      %dma_start3A_450 = tpu.memref_slice %arg3[%squeeze3A_439, %dma_start3A_449] : memref<1000000x64xf32, #tpu.memory_space<hbm>> -> memref<1x64xf32, #tpu.memory_space<hbm>>
      %dma_start3A_451 = tpu.memref_slice %arg7[%dma_start3A_445] : memref<2x!tpu.dma_semaphore, #tpu.memory_space<semaphore_mem>> -> memref<1x!tpu.dma_semaphore, #tpu.memory_space<semaphore_mem>>
      %dma_start3A_452 = tpu.memref_squeeze %dma_start3A_451 : memref<1x!tpu.dma_semaphore, #tpu.memory_space<semaphore_mem>> -> memref<!tpu.dma_semaphore, #tpu.memory_space<semaphore_mem>>
      %dma_start3A_453 = arith.constant 0 : i32
      %dma_start3A_454 = tpu.memref_slice %arg6[%dma_start3A_444, %add3A_443, %dma_start3A_453] : memref<2x640x64xf32, #tpu.memory_space<vmem>> -> memref<1x1x64xf32, #tpu.memory_space<vmem>>
      %dma_start3A_455 = tpu.memref_squeeze %dma_start3A_454 : memref<1x1x64xf32, #tpu.memory_space<vmem>> -> memref<1x64xf32, #tpu.memory_space<vmem>>
      %dma_start3A_456 = arith.constant 0 : i32
      %dma_start3A_457 = tpu.memref_slice %arg3[%squeeze3A_439, %dma_start3A_456] : memref<1000000x64xf32, #tpu.memory_space<hbm>> -> memref<1x64xf32, #tpu.memory_space<hbm>>
      tpu.enqueue_dma source(%dma_start3A_457 : memref<1x64xf32, #tpu.memory_space<hbm>>) target(%dma_start3A_455 : memref<1x64xf32, #tpu.memory_space<vmem>>) target_semaphore(%dma_start3A_452 : memref<!tpu.dma_semaphore, #tpu.memory_space<semaphore_mem>>)
      %slice3A_458 = vector.extract_strided_slice %get3A_199 {offsets = [13], sizes = [1], strides = [1]} : vector<16xi32> to vector<1xi32>
      %squeeze3A_459 = vector.extract %slice3A_458[0] : i32 from vector<1xi32>
      %mul3A_460 = arith.constant 16 : i32
      %mul3A_461 = arith.muli %scan3A_195, %mul3A_460 : i32
      %add3A_462 = arith.constant 13 : i32
      %add3A_463 = arith.addi %mul3A_461, %add3A_462 : i32
      %dma_start3A_464 = arith.constant 1 : i32
      %dma_start3A_465 = arith.constant 1 : i32
      %dma_start3A_466 = arith.constant 0 : i32
      %dma_start3A_467 = tpu.memref_slice %arg6[%dma_start3A_464, %add3A_463, %dma_start3A_466] : memref<2x640x64xf32, #tpu.memory_space<vmem>> -> memref<1x1x64xf32, #tpu.memory_space<vmem>>
      %dma_start3A_468 = tpu.memref_squeeze %dma_start3A_467 : memref<1x1x64xf32, #tpu.memory_space<vmem>> -> memref<1x64xf32, #tpu.memory_space<vmem>>
      %dma_start3A_469 = arith.constant 0 : i32
      %dma_start3A_470 = tpu.memref_slice %arg3[%squeeze3A_459, %dma_start3A_469] : memref<1000000x64xf32, #tpu.memory_space<hbm>> -> memref<1x64xf32, #tpu.memory_space<hbm>>
      %dma_start3A_471 = tpu.memref_slice %arg7[%dma_start3A_465] : memref<2x!tpu.dma_semaphore, #tpu.memory_space<semaphore_mem>> -> memref<1x!tpu.dma_semaphore, #tpu.memory_space<semaphore_mem>>
      %dma_start3A_472 = tpu.memref_squeeze %dma_start3A_471 : memref<1x!tpu.dma_semaphore, #tpu.memory_space<semaphore_mem>> -> memref<!tpu.dma_semaphore, #tpu.memory_space<semaphore_mem>>
      %dma_start3A_473 = arith.constant 0 : i32
      %dma_start3A_474 = tpu.memref_slice %arg6[%dma_start3A_464, %add3A_463, %dma_start3A_473] : memref<2x640x64xf32, #tpu.memory_space<vmem>> -> memref<1x1x64xf32, #tpu.memory_space<vmem>>
      %dma_start3A_475 = tpu.memref_squeeze %dma_start3A_474 : memref<1x1x64xf32, #tpu.memory_space<vmem>> -> memref<1x64xf32, #tpu.memory_space<vmem>>
      %dma_start3A_476 = arith.constant 0 : i32
      %dma_start3A_477 = tpu.memref_slice %arg3[%squeeze3A_459, %dma_start3A_476] : memref<1000000x64xf32, #tpu.memory_space<hbm>> -> memref<1x64xf32, #tpu.memory_space<hbm>>
      tpu.enqueue_dma source(%dma_start3A_477 : memref<1x64xf32, #tpu.memory_space<hbm>>) target(%dma_start3A_475 : memref<1x64xf32, #tpu.memory_space<vmem>>) target_semaphore(%dma_start3A_472 : memref<!tpu.dma_semaphore, #tpu.memory_space<semaphore_mem>>)
      %slice3A_478 = vector.extract_strided_slice %get3A_199 {offsets = [14], sizes = [1], strides = [1]} : vector<16xi32> to vector<1xi32>
      %squeeze3A_479 = vector.extract %slice3A_478[0] : i32 from vector<1xi32>
      %mul3A_480 = arith.constant 16 : i32
      %mul3A_481 = arith.muli %scan3A_195, %mul3A_480 : i32
      %add3A_482 = arith.constant 14 : i32
      %add3A_483 = arith.addi %mul3A_481, %add3A_482 : i32
      %dma_start3A_484 = arith.constant 1 : i32
      %dma_start3A_485 = arith.constant 1 : i32
      %dma_start3A_486 = arith.constant 0 : i32
      %dma_start3A_487 = tpu.memref_slice %arg6[%dma_start3A_484, %add3A_483, %dma_start3A_486] : memref<2x640x64xf32, #tpu.memory_space<vmem>> -> memref<1x1x64xf32, #tpu.memory_space<vmem>>
      %dma_start3A_488 = tpu.memref_squeeze %dma_start3A_487 : memref<1x1x64xf32, #tpu.memory_space<vmem>> -> memref<1x64xf32, #tpu.memory_space<vmem>>
      %dma_start3A_489 = arith.constant 0 : i32
      %dma_start3A_490 = tpu.memref_slice %arg3[%squeeze3A_479, %dma_start3A_489] : memref<1000000x64xf32, #tpu.memory_space<hbm>> -> memref<1x64xf32, #tpu.memory_space<hbm>>
      %dma_start3A_491 = tpu.memref_slice %arg7[%dma_start3A_485] : memref<2x!tpu.dma_semaphore, #tpu.memory_space<semaphore_mem>> -> memref<1x!tpu.dma_semaphore, #tpu.memory_space<semaphore_mem>>
      %dma_start3A_492 = tpu.memref_squeeze %dma_start3A_491 : memref<1x!tpu.dma_semaphore, #tpu.memory_space<semaphore_mem>> -> memref<!tpu.dma_semaphore, #tpu.memory_space<semaphore_mem>>
      %dma_start3A_493 = arith.constant 0 : i32
      %dma_start3A_494 = tpu.memref_slice %arg6[%dma_start3A_484, %add3A_483, %dma_start3A_493] : memref<2x640x64xf32, #tpu.memory_space<vmem>> -> memref<1x1x64xf32, #tpu.memory_space<vmem>>
      %dma_start3A_495 = tpu.memref_squeeze %dma_start3A_494 : memref<1x1x64xf32, #tpu.memory_space<vmem>> -> memref<1x64xf32, #tpu.memory_space<vmem>>
      %dma_start3A_496 = arith.constant 0 : i32
      %dma_start3A_497 = tpu.memref_slice %arg3[%squeeze3A_479, %dma_start3A_496] : memref<1000000x64xf32, #tpu.memory_space<hbm>> -> memref<1x64xf32, #tpu.memory_space<hbm>>
      tpu.enqueue_dma source(%dma_start3A_497 : memref<1x64xf32, #tpu.memory_space<hbm>>) target(%dma_start3A_495 : memref<1x64xf32, #tpu.memory_space<vmem>>) target_semaphore(%dma_start3A_492 : memref<!tpu.dma_semaphore, #tpu.memory_space<semaphore_mem>>)
      %slice3A_498 = vector.extract_strided_slice %get3A_199 {offsets = [15], sizes = [1], strides = [1]} : vector<16xi32> to vector<1xi32>
      %squeeze3A_499 = vector.extract %slice3A_498[0] : i32 from vector<1xi32>
      %mul3A_500 = arith.constant 16 : i32
      %mul3A_501 = arith.muli %scan3A_195, %mul3A_500 : i32
      %add3A_502 = arith.constant 15 : i32
      %add3A_503 = arith.addi %mul3A_501, %add3A_502 : i32
      %dma_start3A_504 = arith.constant 1 : i32
      %dma_start3A_505 = arith.constant 1 : i32
      %dma_start3A_506 = arith.constant 0 : i32
      %dma_start3A_507 = tpu.memref_slice %arg6[%dma_start3A_504, %add3A_503, %dma_start3A_506] : memref<2x640x64xf32, #tpu.memory_space<vmem>> -> memref<1x1x64xf32, #tpu.memory_space<vmem>>
      %dma_start3A_508 = tpu.memref_squeeze %dma_start3A_507 : memref<1x1x64xf32, #tpu.memory_space<vmem>> -> memref<1x64xf32, #tpu.memory_space<vmem>>
      %dma_start3A_509 = arith.constant 0 : i32
      %dma_start3A_510 = tpu.memref_slice %arg3[%squeeze3A_499, %dma_start3A_509] : memref<1000000x64xf32, #tpu.memory_space<hbm>> -> memref<1x64xf32, #tpu.memory_space<hbm>>
      %dma_start3A_511 = tpu.memref_slice %arg7[%dma_start3A_505] : memref<2x!tpu.dma_semaphore, #tpu.memory_space<semaphore_mem>> -> memref<1x!tpu.dma_semaphore, #tpu.memory_space<semaphore_mem>>
      %dma_start3A_512 = tpu.memref_squeeze %dma_start3A_511 : memref<1x!tpu.dma_semaphore, #tpu.memory_space<semaphore_mem>> -> memref<!tpu.dma_semaphore, #tpu.memory_space<semaphore_mem>>
      %dma_start3A_513 = arith.constant 0 : i32
      %dma_start3A_514 = tpu.memref_slice %arg6[%dma_start3A_504, %add3A_503, %dma_start3A_513] : memref<2x640x64xf32, #tpu.memory_space<vmem>> -> memref<1x1x64xf32, #tpu.memory_space<vmem>>
      %dma_start3A_515 = tpu.memref_squeeze %dma_start3A_514 : memref<1x1x64xf32, #tpu.memory_space<vmem>> -> memref<1x64xf32, #tpu.memory_space<vmem>>
      %dma_start3A_516 = arith.constant 0 : i32
      %dma_start3A_517 = tpu.memref_slice %arg3[%squeeze3A_499, %dma_start3A_516] : memref<1000000x64xf32, #tpu.memory_space<hbm>> -> memref<1x64xf32, #tpu.memory_space<hbm>>
      tpu.enqueue_dma source(%dma_start3A_517 : memref<1x64xf32, #tpu.memory_space<hbm>>) target(%dma_start3A_515 : memref<1x64xf32, #tpu.memory_space<vmem>>) target_semaphore(%dma_start3A_512 : memref<!tpu.dma_semaphore, #tpu.memory_space<semaphore_mem>>)
    }
    %scan3A_134 = arith.constant 40 : i32
    %scan3A_135 = arith.constant 0 : i32
    %scan3A_136 = arith.constant 0 : i32
    %scan3A_137 = arith.constant 640 : i32
    %scan3A_138 = arith.addi %scan3A_136, %scan3A_137 : i32
    %scan3A_139 = arith.constant 1 : i32
    scf.for %scan3A_195 = %scan3A_136 to %scan3A_138 step %scan3A_139  : i32 {
      %dma_wait3A_196 = arith.constant 1 : i32
      %dma_wait3A_197 = arith.constant 1 : i32
      %dma_wait3A_198 = arith.constant 0 : i32
      %dma_wait3A_199 = arith.constant 0 : i32
      %dma_wait3A_200 = tpu.memref_slice %arg6[%dma_wait3A_196, %dma_wait3A_198, %dma_wait3A_199] : memref<2x640x64xf32, #tpu.memory_space<vmem>> -> memref<1x1x64xf32, #tpu.memory_space<vmem>>
      %dma_wait3A_201 = tpu.memref_squeeze %dma_wait3A_200 : memref<1x1x64xf32, #tpu.memory_space<vmem>> -> memref<1x64xf32, #tpu.memory_space<vmem>>
      %dma_wait3A_202 = arith.constant 0 : i32
      %dma_wait3A_203 = arith.constant 0 : i32
      %dma_wait3A_204 = tpu.memref_slice %arg3[%dma_wait3A_202, %dma_wait3A_203] : memref<1000000x64xf32, #tpu.memory_space<hbm>> -> memref<1x64xf32, #tpu.memory_space<hbm>>
      %dma_wait3A_205 = tpu.memref_slice %arg7[%dma_wait3A_197] : memref<2x!tpu.dma_semaphore, #tpu.memory_space<semaphore_mem>> -> memref<1x!tpu.dma_semaphore, #tpu.memory_space<semaphore_mem>>
      %dma_wait3A_206 = tpu.memref_squeeze %dma_wait3A_205 : memref<1x!tpu.dma_semaphore, #tpu.memory_space<semaphore_mem>> -> memref<!tpu.dma_semaphore, #tpu.memory_space<semaphore_mem>>
      %dma_wait3A_207 = arith.constant 0 : i32
      %dma_wait3A_208 = arith.constant 0 : i32
      %dma_wait3A_209 = tpu.memref_slice %arg6[%dma_wait3A_196, %dma_wait3A_207, %dma_wait3A_208] : memref<2x640x64xf32, #tpu.memory_space<vmem>> -> memref<1x1x64xf32, #tpu.memory_space<vmem>>
      %dma_wait3A_210 = tpu.memref_squeeze %dma_wait3A_209 : memref<1x1x64xf32, #tpu.memory_space<vmem>> -> memref<1x64xf32, #tpu.memory_space<vmem>>
      %dma_wait3A_211 = arith.constant 0 : i32
      %dma_wait3A_212 = arith.constant 0 : i32
      %dma_wait3A_213 = tpu.memref_slice %arg3[%dma_wait3A_211, %dma_wait3A_212] : memref<1000000x64xf32, #tpu.memory_space<hbm>> -> memref<1x64xf32, #tpu.memory_space<hbm>>
      tpu.wait_dma2 semaphore(%dma_wait3A_206 : memref<!tpu.dma_semaphore, #tpu.memory_space<semaphore_mem>>) src(%dma_wait3A_213 : memref<1x64xf32, #tpu.memory_space<hbm>>) dst(%dma_wait3A_210 : memref<1x64xf32, #tpu.memory_space<vmem>>)
    }
    %scan3A_140 = arith.constant 640 : i32
    %add3A_141 = arith.constant 1920 : i32
    %add3A_142 = arith.addi %mul3A_2, %add3A_141 : i32
    %dma_start3A_143 = arith.constant 1 : i32
    %dma_start3A_144 = arith.constant 1 : i32
    %dma_start3A_145 = arith.constant 0 : i32
    %dma_start3A_146 = arith.constant 0 : i32
    %dma_start3A_147 = tpu.memref_slice %arg6[%dma_start3A_143, %dma_start3A_145, %dma_start3A_146] : memref<2x640x64xf32, #tpu.memory_space<vmem>> -> memref<1x640x64xf32, #tpu.memory_space<vmem>>
    %dma_start3A_148 = tpu.memref_squeeze %dma_start3A_147 : memref<1x640x64xf32, #tpu.memory_space<vmem>> -> memref<640x64xf32, #tpu.memory_space<vmem>>
    %dma_start3A_149 = arith.constant 0 : i32
    %dma_start3A_150 = tpu.memref_slice %arg4[%add3A_142, %dma_start3A_149] : memref<81920x64xf32, #tpu.memory_space<hbm>> -> memref<640x64xf32, #tpu.memory_space<hbm>>
    %dma_start3A_151 = tpu.memref_slice %arg8[%dma_start3A_144] : memref<2x!tpu.dma_semaphore, #tpu.memory_space<semaphore_mem>> -> memref<1x!tpu.dma_semaphore, #tpu.memory_space<semaphore_mem>>
    %dma_start3A_152 = tpu.memref_squeeze %dma_start3A_151 : memref<1x!tpu.dma_semaphore, #tpu.memory_space<semaphore_mem>> -> memref<!tpu.dma_semaphore, #tpu.memory_space<semaphore_mem>>
    %dma_start3A_153 = arith.constant 0 : i32
    %dma_start3A_154 = tpu.memref_slice %arg4[%add3A_142, %dma_start3A_153] : memref<81920x64xf32, #tpu.memory_space<hbm>> -> memref<640x64xf32, #tpu.memory_space<hbm>>
    %dma_start3A_155 = arith.constant 0 : i32
    %dma_start3A_156 = arith.constant 0 : i32
    %dma_start3A_157 = tpu.memref_slice %arg6[%dma_start3A_143, %dma_start3A_155, %dma_start3A_156] : memref<2x640x64xf32, #tpu.memory_space<vmem>> -> memref<1x640x64xf32, #tpu.memory_space<vmem>>
    %dma_start3A_158 = tpu.memref_squeeze %dma_start3A_157 : memref<1x640x64xf32, #tpu.memory_space<vmem>> -> memref<640x64xf32, #tpu.memory_space<vmem>>
    tpu.enqueue_dma source(%dma_start3A_158 : memref<640x64xf32, #tpu.memory_space<vmem>>) target(%dma_start3A_154 : memref<640x64xf32, #tpu.memory_space<hbm>>) target_semaphore(%dma_start3A_152 : memref<!tpu.dma_semaphore, #tpu.memory_space<semaphore_mem>>)
    %add3A_159 = arith.constant 1280 : i32
    %add3A_160 = arith.addi %mul3A_2, %add3A_159 : i32
    %dma_wait3A_161 = arith.constant 0 : i32
    %dma_wait3A_162 = arith.constant 0 : i32
    %dma_wait3A_163 = arith.constant 0 : i32
    %dma_wait3A_164 = arith.constant 0 : i32
    %dma_wait3A_165 = tpu.memref_slice %arg6[%dma_wait3A_161, %dma_wait3A_163, %dma_wait3A_164] : memref<2x640x64xf32, #tpu.memory_space<vmem>> -> memref<1x640x64xf32, #tpu.memory_space<vmem>>
    %dma_wait3A_166 = tpu.memref_squeeze %dma_wait3A_165 : memref<1x640x64xf32, #tpu.memory_space<vmem>> -> memref<640x64xf32, #tpu.memory_space<vmem>>
    %dma_wait3A_167 = arith.constant 0 : i32
    %dma_wait3A_168 = tpu.memref_slice %arg4[%add3A_160, %dma_wait3A_167] : memref<81920x64xf32, #tpu.memory_space<hbm>> -> memref<640x64xf32, #tpu.memory_space<hbm>>
    %dma_wait3A_169 = tpu.memref_slice %arg8[%dma_wait3A_162] : memref<2x!tpu.dma_semaphore, #tpu.memory_space<semaphore_mem>> -> memref<1x!tpu.dma_semaphore, #tpu.memory_space<semaphore_mem>>
    %dma_wait3A_170 = tpu.memref_squeeze %dma_wait3A_169 : memref<1x!tpu.dma_semaphore, #tpu.memory_space<semaphore_mem>> -> memref<!tpu.dma_semaphore, #tpu.memory_space<semaphore_mem>>
    %dma_wait3A_171 = arith.constant 0 : i32
    %dma_wait3A_172 = tpu.memref_slice %arg4[%add3A_160, %dma_wait3A_171] : memref<81920x64xf32, #tpu.memory_space<hbm>> -> memref<640x64xf32, #tpu.memory_space<hbm>>
    %dma_wait3A_173 = arith.constant 0 : i32
    %dma_wait3A_174 = arith.constant 0 : i32
    %dma_wait3A_175 = tpu.memref_slice %arg6[%dma_wait3A_161, %dma_wait3A_173, %dma_wait3A_174] : memref<2x640x64xf32, #tpu.memory_space<vmem>> -> memref<1x640x64xf32, #tpu.memory_space<vmem>>
    %dma_wait3A_176 = tpu.memref_squeeze %dma_wait3A_175 : memref<1x640x64xf32, #tpu.memory_space<vmem>> -> memref<640x64xf32, #tpu.memory_space<vmem>>
    tpu.wait_dma2 semaphore(%dma_wait3A_170 : memref<!tpu.dma_semaphore, #tpu.memory_space<semaphore_mem>>) src(%dma_wait3A_176 : memref<640x64xf32, #tpu.memory_space<vmem>>) dst(%dma_wait3A_172 : memref<640x64xf32, #tpu.memory_space<hbm>>)
    %add3A_177 = arith.constant 1920 : i32
    %add3A_178 = arith.addi %mul3A_2, %add3A_177 : i32
    %dma_wait3A_179 = arith.constant 1 : i32
    %dma_wait3A_180 = arith.constant 1 : i32
    %dma_wait3A_181 = arith.constant 0 : i32
    %dma_wait3A_182 = arith.constant 0 : i32
    %dma_wait3A_183 = tpu.memref_slice %arg6[%dma_wait3A_179, %dma_wait3A_181, %dma_wait3A_182] : memref<2x640x64xf32, #tpu.memory_space<vmem>> -> memref<1x640x64xf32, #tpu.memory_space<vmem>>
    %dma_wait3A_184 = tpu.memref_squeeze %dma_wait3A_183 : memref<1x640x64xf32, #tpu.memory_space<vmem>> -> memref<640x64xf32, #tpu.memory_space<vmem>>
    %dma_wait3A_185 = arith.constant 0 : i32
    %dma_wait3A_186 = tpu.memref_slice %arg4[%add3A_178, %dma_wait3A_185] : memref<81920x64xf32, #tpu.memory_space<hbm>> -> memref<640x64xf32, #tpu.memory_space<hbm>>
    %dma_wait3A_187 = tpu.memref_slice %arg8[%dma_wait3A_180] : memref<2x!tpu.dma_semaphore, #tpu.memory_space<semaphore_mem>> -> memref<1x!tpu.dma_semaphore, #tpu.memory_space<semaphore_mem>>
    %dma_wait3A_188 = tpu.memref_squeeze %dma_wait3A_187 : memref<1x!tpu.dma_semaphore, #tpu.memory_space<semaphore_mem>> -> memref<!tpu.dma_semaphore, #tpu.memory_space<semaphore_mem>>
    %dma_wait3A_189 = arith.constant 0 : i32
    %dma_wait3A_190 = tpu.memref_slice %arg4[%add3A_178, %dma_wait3A_189] : memref<81920x64xf32, #tpu.memory_space<hbm>> -> memref<640x64xf32, #tpu.memory_space<hbm>>
    %dma_wait3A_191 = arith.constant 0 : i32
    %dma_wait3A_192 = arith.constant 0 : i32
    %dma_wait3A_193 = tpu.memref_slice %arg6[%dma_wait3A_179, %dma_wait3A_191, %dma_wait3A_192] : memref<2x640x64xf32, #tpu.memory_space<vmem>> -> memref<1x640x64xf32, #tpu.memory_space<vmem>>
    %dma_wait3A_194 = tpu.memref_squeeze %dma_wait3A_193 : memref<1x640x64xf32, #tpu.memory_space<vmem>> -> memref<640x64xf32, #tpu.memory_space<vmem>>
    tpu.wait_dma2 semaphore(%dma_wait3A_188 : memref<!tpu.dma_semaphore, #tpu.memory_space<semaphore_mem>>) src(%dma_wait3A_194 : memref<640x64xf32, #tpu.memory_space<vmem>>) dst(%dma_wait3A_190 : memref<640x64xf32, #tpu.memory_space<hbm>>)
    return
  }
}

module attributes {stable_mosaic.version = 14 : i64} {
  func.func @_mask_body(%arg0: memref<640x128xi32, #tpu.memory_space<vmem>>, %arg1: memref<640x128xi32, #tpu.memory_space<vmem>>, %arg2: memref<640x128xf32, #tpu.memory_space<vmem>>) attributes {dimension_semantics = [], scalar_prefetch = 0 : i64, scratch_operands = 0 : i64, tpu.core_type = #tpu.core_type<tc>} {
    %get3A = arith.constant 0 : index
    %get3A_0 = arith.constant 0 : index
    %get3A_1 = vector.load %arg0[%get3A, %get3A_0] : memref<640x128xi32, #tpu.memory_space<vmem>>, vector<640x128xi32>
    %eq3A = arith.constant 0 : i32
    %eq3A_2 = vector.broadcast %eq3A : i32 to vector<640x128xi32>
    %eq3A_3 = arith.cmpi eq, %get3A_1, %eq3A_2 : vector<640x128xi32>
    %swap3A = arith.constant 0 : index
    %swap3A_4 = arith.constant 0 : index
    %swap3A_5 = vector.load %arg1[%swap3A, %swap3A_4] : memref<640x128xi32, #tpu.memory_space<vmem>>, vector<640x128xi32>
    %swap3A_6 = arith.extui %eq3A_3 : vector<640x128xi1> to vector<640x128xi32>
    %swap3A_7 = arith.constant dense<0> : vector<640x128xi32>
    %swap3A_8 = arith.cmpi ne, %swap3A_5, %swap3A_7 : vector<640x128xi32>
    tpu.vector_store %arg1[%swap3A, %swap3A_4], %swap3A_6 {strides = array<i32>} : memref<640x128xi32, #tpu.memory_space<vmem>>, vector<640x128xi32>,
    %eq3A_9 = arith.constant 2 : i32
    %eq3A_10 = vector.broadcast %eq3A_9 : i32 to vector<640x128xi32>
    %eq3A_11 = arith.cmpi eq, %get3A_1, %eq3A_10 : vector<640x128xi32>
    %convert_element_type3A = arith.extui %eq3A_11 : vector<640x128xi1> to vector<640x128xi32>
    %convert_element_type3A_12 = arith.sitofp %convert_element_type3A : vector<640x128xi32> to vector<640x128xf32>
    %swap3A_13 = arith.constant 0 : index
    %swap3A_14 = arith.constant 0 : index
    %swap3A_15 = vector.load %arg2[%swap3A_13, %swap3A_14] : memref<640x128xf32, #tpu.memory_space<vmem>>, vector<640x128xf32>
    tpu.vector_store %arg2[%swap3A_13, %swap3A_14], %convert_element_type3A_12 {strides = array<i32>} : memref<640x128xf32, #tpu.memory_space<vmem>>, vector<640x128xf32>,
    return
  }
}

</mosaic_0001>

<sc_bundles>
// kernel: kernel.4.cloned.1.call-start
scs
__scs_entry_jumppad:
0x0: {  	(pc) =	sbr.rel $0x88, $3  }
0x1: {  	(tag) =	ssettag $0x0;
	lr =	simm.s32 $0x1  }
0x2: {  	[smem:$0x3F9F] =	sst lr;
	_ =	strace $0xD0000000  }
0x3: {  	_ = 	snop  }
0x4: {  	_ = 	snop  }
0x5: {  	_ = 	snop  }
0x6: {  	_ = 	snop  }
0x7: {  	_ = 	snop  }
__scs_overlays_trampoline_lowered:
0x8: {  	[smem:$0x3FAE] =	sst s0  }
0x9: {  	[smem:$0x3FAF] =	sst s1  }
0xa: {  	[smem:$0x3FB0] =	sst s2  }
0xb: {  	[smem:$0x3FB1] =	sst s3  }
0xc: {  	[smem:$0x3FB2] =	sst s4  }
0xd: {  	[smem:$0x3FB3] =	sst s5  }
0xe: {  	[smem:$0x3FB4] =	sst s6  }
0xf: {  	[smem:$0x3FB5] =	sst s7  }
0x10: {  	[smem:$0x3FB6] =	sst s8  }
0x11: {  	[smem:$0x3FB7] =	sst s9;
	s0 =	simm.s32 @!p0 $0x0  }
0x12: {  	s1 =	sld [smem:$0x3F9D];
	s0 =	simm.s32 @p0 $0x1  }
0x13: {  	[smem:$0x3FB8] =	sst s0;
	s0 =	simm.s32 @!p1 $0x0  }
0x14: {  	s2 =	sld [smem:$0x3F9C];
	s0 =	simm.s32 @p1 $0x1  }
0x15: {  	[smem:$0x3FB9] =	sst s0;
	s0 =	simm.s32 @!p2 $0x0  }
0x16: {  	s3 =	sld [smem:$0x3FDB];
	s0 =	simm.s32 @p2 $0x1  }
0x17: {  	s4 =	simm.s32 $0x1BF5;
	[smem:$0x3FBB] =	sst s0  }
0x18: {  	s0 =	sld [smem:$0x3F9E];
	_ =	swait.ge [sflag:s4], $0x0  }
0x19: {  	s7 =	sld [smem:$0x3F9F]  }
0x1a: {  	s8 =	sadd.s32 $0xFFFFE003, lr  }
0x1b: {  	s9 =	sadd.s32 $0xFFFFFEF7, lr;
	s5 =	simm.s32 $0xFFFFFFFF;
	p2 =	slt.u32 s8, $0xFFFFF086  }
0x1c: {  	p1 =	slt.u32 s9, $0xF7A;
	s5 =	simm.s32 @!p2 $0x0  }
0x1d: {  	s5 =	simm.s32 @p1 $0x1;
	p0 =	seq.s32 s7, s2  }
0x1e: {  	s7 =	smul.u32 @!p0 $0xF7A, s2;
	p2 =	seq.s32 @!p0 s5, $0x0  }
0x1f: {  	s9 =	smul.u32 $0xF7A, s1;
	s8 =	simm.s32 @!p0 $0x1BF5;
	p2 =	por !p2, p0  }
0x20: {  	[sflag:s8] =	ssyncset.s32 @!p0 $0xFFFFF086;
	s6 =	sadd.s32 @!p0 s3, s7;
	s7 =	simm.s32 @!p0 $0x108  }
0x21: {  	s3 =	sadd.s32 s3, s9;
	s6 =	sadd.s32 @!p0 $0x88, s6;
	s7 =	simm.s32 @p2 $0x1082  }
0x22: {  	[simem:s7], [sflag:s8] =	dma.local @!p0 [hbm:s6], $0xF7A  }
0x23: {  	s9 =	sor.u32 $0xD0000000, s2;
	s6 =	simm.s32 $0x108;
	_ =	swait.ge @!p0 [sflag:s8], $0x0  }
0x24: {  	s3 =	sadd.s32 $0x88, s3;
	s6 =	simm.s32 @!p1 $0x1082;
	[sflag:s4] =	ssyncset.s32 $0xFFFFF086  }
0x25: {  	[simem:s6], [sflag:s4] =	dma.local [hbm:s3], $0xF7A  }
0x26: {  	[smem:$0x3F9F] =	sst s1;
	(tag) =	ssettag s2;
	_ =	strace s9  }
0x27: {  	s1 =	sld [smem:$0x3FAF]  }
0x28: {  	s2 =	sld [smem:$0x3FB0]  }
0x29: {  	s4 =	sld [smem:$0x3FB2]  }
0x2a: {  	p0 =	seq.s32 s5, $0x0;
	s5 =	sld [smem:$0x3FB3]  }
0x2b: {  	s6 =	sld [smem:$0x3FB4]  }
0x2c: {  	s7 =	sld [smem:$0x3FB5]  }
0x2d: {  	s3 =	simm.s32 $0x108;
	s8 =	sld [smem:$0x3FB6]  }
0x2e: {  	s3 =	simm.s32 @!p0 $0x1082;
	s9 =	sld [smem:$0x3FB7]  }
0x2f: {  	lr =	sadd.s32 s0, s3;
	s0 =	sld [smem:$0x3FAE]  }
0x30: {  	s3 =	sld [smem:$0x3FB1]  }
0x31: {  	[smem:$0x3FBA] =	sst s10  }
0x32: {  	s10 =	sld [smem:$0x3FB8];
	_ =	sdelay $0x3  }
0x33: {  	p0 =	seq.s32 s10, $0x1;
	s10 =	sld [smem:$0x3FBA];
	_ =	sdelay $0x3  }
0x34: {  	[smem:$0x3FBA] =	sst s10  }
0x35: {  	s10 =	sld [smem:$0x3FB9];
	_ =	sdelay $0x3  }
0x36: {  	p1 =	seq.s32 s10, $0x1;
	s10 =	sld [smem:$0x3FBA];
	_ =	sdelay $0x3  }
0x37: {  	[smem:$0x3FBA] =	sst s10  }
0x38: {  	s10 =	sld [smem:$0x3FBB]  }
0x39: {  	_ = 	snop;
	(pc) =	sbr.ind lr, $3  }
0x3a: {  	_ = 	snop  }
0x3b: {  	_ = 	snop  }
0x3c: {  	p2 =	seq.s32 s10, $0x1;
	s10 =	sld [smem:$0x3FBA]  }
0x3d: {  	_ =	shalt  }
0x3e: {  	_ =	shalt  }
0x3f: {  	_ =	shalt  }
0x40: {  	_ =	shalt  }
0x41: {  	_ =	shalt  }
0x42: {  	_ =	shalt  }
0x43: {  	_ =	shalt  }
0x44: {  	_ =	shalt  }
0x45: {  	_ =	shalt  }
0x46: {  	_ =	shalt  }
0x47: {  	_ =	shalt  }
0x48: {  	_ =	shalt  }
0x49: {  	_ =	shalt  }
0x4a: {  	_ =	shalt  }
0x4b: {  	_ =	shalt  }
0x4c: {  	_ =	shalt  }
0x4d: {  	_ =	shalt  }
0x4e: {  	_ =	shalt  }
0x4f: {  	_ =	shalt  }
0x50: {  	_ =	shalt  }
0x51: {  	_ =	shalt  }
0x52: {  	_ =	shalt  }
0x53: {  	_ =	shalt  }
0x54: {  	_ =	shalt  }
0x55: {  	_ =	shalt  }
0x56: {  	_ =	shalt  }
0x57: {  	_ =	shalt  }
0x58: {  	_ =	shalt  }
0x59: {  	_ =	shalt  }
0x5a: {  	_ =	shalt  }
0x5b: {  	_ =	shalt  }
0x5c: {  	_ =	shalt  }
0x5d: {  	_ =	shalt  }
0x5e: {  	_ =	shalt  }
0x5f: {  	_ =	shalt  }
0x60: {  	_ =	shalt  }
0x61: {  	_ =	shalt  }
0x62: {  	_ =	shalt  }
0x63: {  	_ =	shalt  }
0x64: {  	_ =	shalt  }
0x65: {  	_ =	shalt  }
0x66: {  	_ =	shalt  }
0x67: {  	_ =	shalt  }
0x68: {  	_ =	shalt  }
0x69: {  	_ =	shalt  }
0x6a: {  	_ =	shalt  }
0x6b: {  	_ =	shalt  }
0x6c: {  	_ =	shalt  }
0x6d: {  	_ =	shalt  }
0x6e: {  	_ =	shalt  }
0x6f: {  	_ =	shalt  }
0x70: {  	_ =	shalt  }
0x71: {  	_ =	shalt  }
0x72: {  	_ =	shalt  }
0x73: {  	_ =	shalt  }
0x74: {  	_ =	shalt  }
0x75: {  	_ =	shalt  }
0x76: {  	_ =	shalt  }
0x77: {  	_ =	shalt  }
0x78: {  	_ =	shalt  }
0x79: {  	_ =	shalt  }
0x7a: {  	_ =	shalt  }
0x7b: {  	_ =	shalt  }
0x7c: {  	_ =	shalt  }
0x7d: {  	_ =	shalt  }
0x7e: {  	_ =	shalt  }
0x7f: {  	_ =	shalt  }
0x80: {  	_ =	shalt  }
0x81: {  	_ =	shalt  }
0x82: {  	_ =	shalt  }
0x83: {  	_ =	shalt  }
0x84: {  	_ =	shalt  }
0x85: {  	_ =	shalt  }
0x86: {  	_ =	shalt  }
0x87: {  	_ =	shalt  }
.Lfunc_end0:
.L_simem_size_0:
called_computation_lowered:
.L_overlay_start_0:
0x88: {  	s2 =	sld [smem:$0x3FD9]  }
0x89: {  	s3 =	sld [smem:$0x3FFE];
	_ =	sdelay $0x1  }
0x8a: {  	s1 =	srdreg.scid  }
0x8b: {  	s0 =	sand.u32 $0x1, s1  }
0x8c: {  	s14 =	sshll.u32 s0, $0xA;
	s2 =	sadd.s32 s3, s2  }
0x8d: {  	s2 =	sadd.s32 s2, s14  }
0x8e: {  	[smem:$0x3FC6] =	sst s2  }
0x8f: {  	_ = 	snop  }
0x90: {  	s2 =	sld [smem:$0x3FD0];
	_ =	sdelay $0x2  }
0x91: {  	s15 =	simm.s32 $0xA;
	s4 =	simm.s32 $0x10  }
0x92: {  	[smem:s4], [sflag:s15] =	dma.local [hbm:s2], $0x1  }
0x93: {  	_ =	swait.eq [sflag:s15], $0x1  }
0x94: {  	[sflag:s15] =	ssyncset.done $0x0  }
0x95: {  	[sflag:s15] =	ssyncadd.s32 $0xFFFFFFFF  }
0x96: {  	s16 =	sld [smem:$0x10];
	(tm) =	ssettm $0x1  }
0x97: {  	s17 =	sld [smem:$0x3FFB];
	_ =	sdelay $0x3  }
0x98: {  	_ =	strace s17  }
0x99: {  	s3 =	sld [smem:$0x3FFC];
	_ =	sdelay $0x3  }
0x9a: {  	_ =	strace s3  }
0x9b: {  	s3 =	sld [smem:$0x3FFD];
	_ =	sdelay $0x3  }
0x9c: {  	_ =	strace s3  }
0x9d: {  	_ =	strace $0x8FFFFFFF  }
0x9e: {  	s18 =	sld [smem:$0x3FDB];
	_ =	sdelay $0x1  }
0x9f: {  	s19 =	simm.s32 $_scs_section_size  }
0xa0: {  	s5 =	simm.s32 $_size__tile_overlayer_lowered;
	s6 =	simm.s32 $_tile_overlayer_lowered  }
0xa1: {  	s22 =	simm.s32 $0x1BFF;
	s21 =	sshll.u32 s6, $0x1;
	s3 =	sadd.s32 s19, s18  }
0xa2: {  	s7 =	simm.s32 $0x0;
	s20 =	sshll.u32 s5, $0x1;
	s5 =	sadd.s32 s21, s3  }
0xa3: {  	[timem:s7], [sflag:s22] =	dma.local [hbm:s5], s20  }
0xa4: {  	_ =	swait.ge [sflag:s22], s20  }
0xa5: {  	s4 =	ssub.s32 $0x0, s20;
	[sflag:s22] =	ssyncset.done $0x0  }
0xa6: {  	[sflag:s22] =	ssyncadd.s32 s4;
	_ =	sdelay $0x1  }
0xa7: {  	s23 =	simm.s32 $0x1B8B  }
0xa8: {  	_ =	swait.ge [sflag:s23], $0x1  }
0xa9: {  	[sflag:s23] =	ssyncset.done $0x0  }
0xaa: {  	s25 =	simm.s32 $0x1B8E;
	s24 =	sld [smem:$0x3FFE];
	[sflag:s23] =	ssyncadd.s32 $0xFFFFFFFF  }
0xab: {  	s26 =	simm.s32 $execute0_lowered;
	[smem:$0x3FD2] =	sst s25  }
0xac: {  	s5 =	sshll.u32 s26, $0x1;
	_ =	strace $0x80000046;
	[dreg:$0x1] =	wrdreg $0xFFFFFFFF  }
0xad: {  	s28 =	simm.s32 $_size_execute0_lowered;
	s3 =	sadd.s32 s3, s5;
	[dreg:$0x0] =	wrdreg $0x0  }
0xae: {  	s5 =	sshll.u32 s28, $0x1;
	[dreg:$0x2] =	wrdreg s3  }
0xaf: {  	[dreg:$0x3] =	wrdreg s5  }
0xb0: {  	[dreg:$0x4] =	wrdreg $0xC0  }
0xb1: {  	_ =	task [dreg:s7], $0x5FFFF  }
0xb2: {  	[dreg:$0x1] =	wrdreg $0xFFFFFFFF  }
0xb3: {  	[dreg:$0x0] =	wrdreg $0x60  }
0xb4: {  	[dreg:$0x2] =	wrdreg s24  }
0xb5: {  	[dreg:$0x3] =	wrdreg s16  }
0xb6: {  	[dreg:$0x4] =	wrdreg $0x9  }
0xb7: {  	_ =	task.clear_ibuf [dreg:s7], $0x5FFFF;
	_ =	strace $0x90000046  }
0xb8: {  	s29 =	simm.s32 $0x9;
	_ =	strace $0x80000048  }
0xb9: {  	_ =	swait.ge [sflag:s29], $0x1  }
0xba: {  	[sflag:s29] =	ssyncadd.s32 $0xFFFFFFFF  }
0xbb: {  	_ =	strace $0x90000048  }
0xbc: {  	_ =	sfence  }
0xbd: {  	s30 =	sld [smem:$0x0];
	_ =	sdelay $0x2  }
0xbe: {  	s31 =	sshll.u32 s1, $0xD;
	s1 =	sshrl.u32 s1, $0x2  }
0xbf: {  	s3 =	sand.u32 $0x4000, s31;
	s1 =	sadd.s32 s1, s30  }
0xc0: {  	s0 =	sor.u32 s3, s0;
	s1 =	sshll.u32 s1, $0x11  }
0xc1: {  	s0 =	sor.u32 s1, s0  }
0xc2: {  	s0 =	sadd.s32 $0x8F2B, s0  }
0xc3: {  	[sflag:s0] =	ssyncadd.remote.s32 $0x1  }
0xc4: {  	_ =	sfence.sel $0xFFFF  }
0xc5: {  	[dreg:$0x0] =	wrdreg $0xFFFFFFFF;
	(pc) =	sbr.abs _section_cstart, $3  }
0xc6: {  	[dreg:$0x1] =	wrdreg $0xFFFFFFFF  }
0xc7: {  	_ =	task.clear_ibuf [dreg:s7], $0x2FFFF;
	_ =	strace $0x9FFFFFFF  }
0xc8: {  	(tm) =	ssettm $0x7FFFFFFF  }
0xc9: {  	_ =	shalt  }
tec
execute0_lowered:
.L_overlay_start_1:
0x0: {  	(tag) =	ssettag $0x1  }
0x1: {  	s0 =	rddreg [dreg:$0x0]  }
0x2: {  	s1 =	rddreg [dreg:$0x1];
	s3 =	srdreg.scid  }
0x3: {  	s5 =	stileid.u32;
	s2 =	simm.s32 $0x0;
	s14 =	simm.s32 $0x1  }
0x4: {  	s16 =	simm.s32 $0x2;
	s18 =	simm.s32 $0x3;
	s19 =	simm.s32 $0x4  }
0x5: {  	s20 =	simm.s32 $0x0;
	s4 =	sand.u32 $0x1, s3;
	s22 =	sshll.u32 s5, $0x1  }
0x6: {  	[smem:$0x7FF] =	sst s2;
	s10 =	sadd.s32 $0x10A00, s0;
	s5 =	sor.u32 s4, s22  }
0x7: {  	s3 =	sadd.s32 $0xF55600, s0;
	s23 =	ssub.s32 $0x2, s4;
	s9 =	smul.u32 $0xA00, s5  }
0x8: {  	_ =	strace $0x80000047;
	s4 =	sshrl.u32 s23, $0x1;
	s5 =	smul.u32 $0x5000, s5  }
0x9: {  	s0 =	ssub.s32 s23, s4;
	s6 =	sshrl.u32 s9, $0x3;
	s7 =	sadd.s32 $0x280, s9  }
0xa: {  	s25 =	sadd.s32 s1, s5;
	s11 =	sadd.s32 $0x500, s9;
	s9 =	sadd.s32 $0x780, s9  }
0xb: {  	s24 =	sadd.s32 s10, s6;
	[dreg:$0x4] =	wrdreg s25;
	s26 =	sshrl.u32 s7, $0x3  }
0xc: {  	s7 =	sshll.u32 s7, $0x3;
	s8 =	sshrl.u32 s11, $0x3;
	s11 =	sshll.u32 s11, $0x3  }
0xd: {  	s12 =	sshrl.u32 s9, $0x3;
	[dreg:$0x3] =	wrdreg s24;
	s28 =	sadd.s32 s10, s26  }
0xe: {  	s13 =	sshll.u32 s9, $0x3;
	s29 =	sadd.s32 s1, s7;
	[dreg:$0x5] =	wrdreg s28  }
0xf: {  	s30 =	sadd.s32 s10, s8;
	s31 =	sadd.s32 s1, s11;
	[dreg:$0x6] =	wrdreg s29  }
0x10: {  	s10 =	sadd.s32 s10, s12;
	s11 =	sadd.s32 s1, s13;
	[dreg:$0x7] =	wrdreg s30  }
0x11: {  	s12 =	smax.u32 s0, $0x1;
	s13 =	simm.s32 $0x5;
	[dreg:$0x8] =	wrdreg s31  }
.LBB2_1:
0x12: {  	s0 =	rddreg [dreg:$0x3]  }
0x13: {  	[tilespmem:s2], [sflag:$0x5] =	stream.linear.gather [hbm4b:s0+s2], $0x280, $0x38;
	[tilespmem:$0x14280] =	vst v63  }
0x14: {  	_ =	swait.ge [sflag:s13], $0x280  }
0x15: {  	[sflag:s13] =	ssyncset.done $0x0  }
0x16: {  	[sflag:s13] =	ssyncadd.s32 $0xFFFFFD80  }
0x17: {  	v0 =	vld [tilespmem:s2+$0x0];
	_ =	sdelay $0x4  }
0x18: {  	v0 =	vshll.u32 v0, $0x3  }
0x19: {  	(v2sf) =	vpush v0, $0x0  }
0x1a: {  	(v2sf) =	vpush v0, $0x1  }
0x1b: {  	(v2sf) =	vpush v0, $0x2;
	_ =	sdelay $0x1  }
0x1c: {  	(v2sf) =	vpush v0, $0x4;
	_ =	sdelay $0x1  }
0x1d: {  	(v2sf) =	vpush v0, $0x3  }
0x1e: {  	(v2sf) =	vpush v0, $0x5  }
0x1f: {  	s22 =	simm.s32 $0x1000;
	s21 =	simm.s32 $0x0;
	s23 =	simm.s32 $0x0;
	(v2sf) =	vpush v0, $0x6  }
.LBB2_2:
0x20: {  	p0 =	sne.s32 s22, $0x27000  }
0x21: {  	s4 =	sadd.s32 $0x2C0, s21;
	s28 =	sadd.s32 $0x540, s21;
	s24 =	smov.u32 s22  }
0x22: {  	s22 =	sadd.s32 $0x1000, s22;
	s31 =	sadd.s32 $0x440, s21;
	s25 =	sadd.s32 $0x580, s21;
	(v2sf) =	vpush v0, $0x7  }
0x23: {  	s1 =	sadd.s32 $0x3C0, s21;
	s30 =	sadd.s32 $0x480, s21;
	s26 =	sadd.s32 $0x5C0, s21  }
0x24: {  	s15 =	sadd.s32 $0x280, s21;
	s5 =	sadd.s32 $0x380, s21;
	(v2sf) =	vpush v0, $0x8  }
0x25: {  	s17 =	sadd.s32 $0x400, s21;
	s23 =	sadd.s32 $0x10, s23  }
0x26: {  	s6 =	sadd.s32 $0x300, s21;
	s29 =	sadd.s32 $0x500, s21;
	s0 =	spop (v2sf);
	(v2sf) =	vpush v0, $0x9  }
0x27: {  	s7 =	sand.u32 $0x1FFFFFF8, s0;
	s0 =	sadd.s32 $0x4C0, s21;
	s8 =	spop (v2sf)  }
0x28: {  	s7 =	sadd.s32 s3, s7;
	s8 =	sand.u32 $0x1FFFFFF8, s8;
	s9 =	spop (v2sf);
	(v2sf) =	vpush v0, $0xA  }
0x29: {  	[tilespmem:s15], [sflag:$0x1] =	stream.linear.gather [hbm4b:s7+s2], $0x40, $0x38;
	[tilespmem:$0x14280] =	vst v63  }
0x2a: {  	s7 =	sadd.s32 s3, s8;
	s8 =	sadd.s32 $0x340, s21;
	s15 =	spop (v2sf);
	(v2sf) =	vpush v0, $0xB  }
0x2b: {  	[tilespmem:s4], [sflag:$0x1] =	stream.linear.gather [hbm4b:s7+s2], $0x40, $0x38;
	[tilespmem:$0x14280] =	vst v63  }
0x2c: {  	s4 =	sand.u32 $0x1FFFFFF8, s9;
	s7 =	sand.u32 $0x1FFFFFF8, s15;
	s9 =	spop (v2sf);
	(v2sf) =	vpush v0, $0xC  }
0x2d: {  	s4 =	sadd.s32 s3, s4;
	s9 =	sand.u32 $0x1FFFFFF8, s9;
	s15 =	spop (v2sf)  }
0x2e: {  	[tilespmem:s6], [sflag:$0x1] =	stream.linear.gather [hbm4b:s4+s2], $0x40, $0x38;
	(v2sf) =	vpush v0, $0xD;
	[tilespmem:$0x14280] =	vst v63  }
0x2f: {  	s4 =	sadd.s32 s3, s9;
	s6 =	sand.u32 $0x1FFFFFF8, s15;
	s9 =	spop (v2sf)  }
0x30: {  	[tilespmem:s8], [sflag:$0x1] =	stream.linear.gather [hbm4b:s4+s2], $0x40, $0x38;
	(v2sf) =	vpush v0, $0xE;
	[tilespmem:$0x14280] =	vst v63  }
0x31: {  	s4 =	sadd.s32 s3, s7;
	s7 =	sand.u32 $0x1FFFFFF8, s9;
	s8 =	spop (v2sf)  }
0x32: {  	[tilespmem:s5], [sflag:$0x1] =	stream.linear.gather [hbm4b:s4+s2], $0x40, $0x38;
	(v2sf) =	vpush v0, $0xF;
	[tilespmem:$0x14280] =	vst v63  }
0x33: {  	s4 =	sadd.s32 s3, s6;
	s5 =	sand.u32 $0x1FFFFFF8, s8;
	s6 =	spop (v2sf)  }
0x34: {  	[tilespmem:s1], [sflag:$0x1] =	stream.linear.gather [hbm4b:s4+s2], $0x40, $0x38;
	[tilespmem:$0x14280] =	vst v63  }
0x35: {  	s1 =	sadd.s32 s3, s7;
	s4 =	sand.u32 $0x1FFFFFF8, s6;
	s6 =	spop (v2sf)  }
0x36: {  	[tilespmem:s17], [sflag:$0x1] =	stream.linear.gather [hbm4b:s1+s2], $0x40, $0x38;
	[tilespmem:$0x14280] =	vst v63  }
0x37: {  	s1 =	sadd.s32 s3, s5;
	s5 =	sand.u32 $0x1FFFFFF8, s6;
	s6 =	spop (v2sf)  }
0x38: {  	[tilespmem:s31], [sflag:$0x1] =	stream.linear.gather [hbm4b:s1+s2], $0x40, $0x38;
	[tilespmem:$0x14280] =	vst v63  }
0x39: {  	s1 =	sadd.s32 s3, s4;
	s4 =	sand.u32 $0x1FFFFFF8, s6;
	s6 =	spop (v2sf)  }
0x3a: {  	[tilespmem:s30], [sflag:$0x1] =	stream.linear.gather [hbm4b:s1+s2], $0x40, $0x38;
	[tilespmem:$0x14280] =	vst v63  }
0x3b: {  	s1 =	sadd.s32 s3, s5;
	s5 =	sand.u32 $0x1FFFFFF8, s6;
	s6 =	spop (v2sf)  }
0x3c: {  	[tilespmem:s0], [sflag:$0x1] =	stream.linear.gather [hbm4b:s1+s2], $0x40, $0x38;
	[tilespmem:$0x14280] =	vst v63  }
0x3d: {  	s0 =	sadd.s32 s3, s4;
	s1 =	sand.u32 $0x1FFFFFF8, s6;
	s4 =	spop (v2sf)  }
0x3e: {  	[tilespmem:s29], [sflag:$0x1] =	stream.linear.gather [hbm4b:s0+s2], $0x40, $0x38;
	[tilespmem:$0x14280] =	vst v63  }
0x3f: {  	s0 =	sadd.s32 s3, s5;
	s4 =	sand.u32 $0x1FFFFFF8, s4;
	s5 =	spop (v2sf)  }
0x40: {  	[tilespmem:s28], [sflag:$0x1] =	stream.linear.gather [hbm4b:s0+s2], $0x40, $0x38;
	[tilespmem:$0x14280] =	vst v63  }
0x41: {  	s0 =	sadd.s32 s3, s1;
	s1 =	sand.u32 $0x1FFFFFF8, s5;
	s5 =	spop (v2sf)  }
0x42: {  	[tilespmem:s25], [sflag:$0x1] =	stream.linear.gather [hbm4b:s0+s2], $0x40, $0x38;
	[tilespmem:$0x14280] =	vst v63  }
0x43: {  	s0 =	sadd.s32 s3, s4;
	s4 =	sand.u32 $0x1FFFFFF8, s5  }
0x44: {  	[tilespmem:s26], [sflag:$0x1] =	stream.linear.gather [hbm4b:s0+s2], $0x40, $0x38;
	[tilespmem:$0x14280] =	vst v63  }
0x45: {  	s1 =	sadd.s32 s3, s1;
	s0 =	sadd.s32 $0x600, s21  }
0x46: {  	[tilespmem:s0], [sflag:$0x1] =	stream.linear.gather [hbm4b:s1+s2], $0x40, $0x38;
	[tilespmem:$0x14280] =	vst v63  }
0x47: {  	s0 =	sadd.s32 $0x640, s21;
	s1 =	sadd.s32 s3, s4  }
0x48: {  	[tilespmem:s0], [sflag:$0x1] =	stream.linear.gather [hbm4b:s1+s2], $0x40, $0x38;
	[tilespmem:$0x14280] =	vst v63  }
0x49: {  	v0 =	vld [tilespmem:s23+$0x0];
	_ =	sdelay $0x4  }
0x4a: {  	v0 =	vshll.u32 v0, $0x3  }
0x4b: {  	(v2sf) =	vpush v0, $0x0  }
0x4c: {  	(v2sf) =	vpush v0, $0x1  }
0x4d: {  	(v2sf) =	vpush v0, $0x2;
	_ =	sdelay $0x1  }
0x4e: {  	(v2sf) =	vpush v0, $0x4  }
.Ltmp0:
0x4f: {  	(pc) =	sbr.rel @p0 .LBB2_2-.Ltmp0, $3  }
0x50: {  	(v2sf) =	vpush v0, $0x3  }
0x51: {  	(v2sf) =	vpush v0, $0x5;
	_ =	sdelay $0x1  }
0x52: {  	s21 =	sshra.s32 s24, $0x2;
	(v2sf) =	vpush v0, $0x6  }
0x53: {  	_ =	sdelay $0x1  }
0x54: {  	s0 =	sadd.s32 $0x2C0, s21;
	s24 =	sadd.s32 $0x540, s21  }
0x55: {  	s1 =	sadd.s32 $0x440, s21;
	s22 =	sadd.s32 $0x580, s21;
	(v2sf) =	vpush v0, $0x7;
	s4 =	sadd.s32 $0x3C0, s21  }
0x56: {  	s5 =	sadd.s32 $0x480, s21;
	s23 =	sadd.s32 $0x5C0, s21;
	s6 =	sadd.s32 $0x280, s21  }
0x57: {  	s7 =	sadd.s32 $0x380, s21;
	s8 =	sadd.s32 $0x400, s21;
	(v2sf) =	vpush v0, $0x8;
	s9 =	spop (v2sf)  }
0x58: {  	s15 =	sadd.s32 $0x300, s21;
	s9 =	sand.u32 $0x1FFFFFF8, s9;
	s17 =	spop (v2sf)  }
0x59: {  	(v2sf) =	vpush v0, $0x9;
	s9 =	sadd.s32 s3, s9;
	s17 =	sand.u32 $0x1FFFFFF8, s17;
	s25 =	spop (v2sf)  }
0x5a: {  	[tilespmem:s6], [sflag:$0x1] =	stream.linear.gather [hbm4b:s9+s2], $0x40, $0x38;
	[tilespmem:$0x14280] =	vst v63  }
0x5b: {  	(v2sf) =	vpush v0, $0xA;
	s26 =	sadd.s32 s3, s17;
	s29 =	sand.u32 $0x1FFFFFF8, s25;
	s28 =	spop (v2sf)  }
0x5c: {  	[tilespmem:s0], [sflag:$0x1] =	stream.linear.gather [hbm4b:s26+s2], $0x40, $0x38;
	[tilespmem:$0x14280] =	vst v63  }
0x5d: {  	s6 =	sadd.s32 $0x500, s21;
	(v2sf) =	vpush v0, $0xB;
	s9 =	sadd.s32 s3, s29;
	s30 =	spop (v2sf)  }
0x5e: {  	s0 =	sadd.s32 $0x4C0, s21;
	s26 =	sadd.s32 $0x340, s21;
	s25 =	sand.u32 $0x1FFFFFF8, s30  }
0x5f: {  	(v2sf) =	vpush v0, $0xC;
	[tilespmem:s15], [sflag:$0x1] =	stream.linear.gather [hbm4b:s9+s2], $0x40, $0x38;
	[tilespmem:$0x14280] =	vst v63  }
0x60: {  	s31 =	sand.u32 $0x1FFFFFF8, s28;
	s28 =	spop (v2sf);
	s29 =	sadd.s32 s3, s25  }
0x61: {  	(v2sf) =	vpush v0, $0xD;
	[tilespmem:s26], [sflag:$0x1] =	stream.linear.gather [hbm4b:s29+s2], $0x40, $0x38;
	[tilespmem:$0x14280] =	vst v63  }
0x62: {  	s9 =	sadd.s32 s3, s31;
	s15 =	sand.u32 $0x1FFFFFF8, s28;
	s30 =	spop (v2sf)  }
0x63: {  	(v2sf) =	vpush v0, $0xE;
	[tilespmem:s7], [sflag:$0x1] =	stream.linear.gather [hbm4b:s9+s2], $0x40, $0x38;
	[tilespmem:$0x14280] =	vst v63  }
0x64: {  	s15 =	sadd.s32 s3, s15;
	s31 =	sand.u32 $0x1FFFFFF8, s30;
	s17 =	spop (v2sf)  }
0x65: {  	(v2sf) =	vpush v0, $0xF;
	[tilespmem:s4], [sflag:$0x1] =	stream.linear.gather [hbm4b:s15+s2], $0x40, $0x38;
	[tilespmem:$0x14280] =	vst v63  }
0x66: {  	s25 =	sand.u32 $0x1FFFFFF8, s17;
	s26 =	spop (v2sf);
	s7 =	sadd.s32 s3, s31  }
0x67: {  	[tilespmem:s8], [sflag:$0x1] =	stream.linear.gather [hbm4b:s7+s2], $0x40, $0x38;
	[tilespmem:$0x14280] =	vst v63  }
0x68: {  	s28 =	sand.u32 $0x1FFFFFF8, s26;
	s4 =	sadd.s32 s3, s25;
	s29 =	spop (v2sf)  }
0x69: {  	[tilespmem:s1], [sflag:$0x1] =	stream.linear.gather [hbm4b:s4+s2], $0x40, $0x38;
	[tilespmem:$0x14280] =	vst v63  }
0x6a: {  	s7 =	sadd.s32 s3, s28;
	s30 =	sand.u32 $0x1FFFFFF8, s29;
	s31 =	spop (v2sf)  }
0x6b: {  	[tilespmem:s5], [sflag:$0x1] =	stream.linear.gather [hbm4b:s7+s2], $0x40, $0x38;
	[tilespmem:$0x14280] =	vst v63  }
0x6c: {  	s4 =	sand.u32 $0x1FFFFFF8, s31;
	s1 =	sadd.s32 s3, s30;
	s8 =	spop (v2sf)  }
0x6d: {  	[tilespmem:s0], [sflag:$0x1] =	stream.linear.gather [hbm4b:s1+s2], $0x40, $0x38;
	[tilespmem:$0x14280] =	vst v63  }
0x6e: {  	s4 =	sadd.s32 s3, s4;
	s9 =	sand.u32 $0x1FFFFFF8, s8;
	s15 =	spop (v2sf)  }
0x6f: {  	[tilespmem:s6], [sflag:$0x1] =	stream.linear.gather [hbm4b:s4+s2], $0x40, $0x38;
	[tilespmem:$0x14280] =	vst v63  }
0x70: {  	s0 =	sadd.s32 s3, s9;
	s1 =	sand.u32 $0x1FFFFFF8, s15;
	s17 =	spop (v2sf)  }
0x71: {  	[tilespmem:s24], [sflag:$0x1] =	stream.linear.gather [hbm4b:s0+s2], $0x40, $0x38;
	[tilespmem:$0x14280] =	vst v63  }
0x72: {  	s1 =	sadd.s32 s3, s1;
	s25 =	spop (v2sf);
	s24 =	sand.u32 $0x1FFFFFF8, s17  }
0x73: {  	[tilespmem:s22], [sflag:$0x1] =	stream.linear.gather [hbm4b:s1+s2], $0x40, $0x38;
	[tilespmem:$0x14280] =	vst v63  }
0x74: {  	s26 =	sand.u32 $0x1FFFFFF8, s25;
	s28 =	spop (v2sf);
	s0 =	sadd.s32 s3, s24  }
0x75: {  	[tilespmem:s23], [sflag:$0x1] =	stream.linear.gather [hbm4b:s0+s2], $0x40, $0x38;
	[tilespmem:$0x14280] =	vst v63  }
0x76: {  	s30 =	sadd.s32 $0x600, s21;
	s29 =	sand.u32 $0x1FFFFFF8, s28;
	s1 =	sadd.s32 s3, s26  }
0x77: {  	[tilespmem:s30], [sflag:$0x1] =	stream.linear.gather [hbm4b:s1+s2], $0x40, $0x38;
	[tilespmem:$0x14280] =	vst v63  }
0x78: {  	s31 =	sadd.s32 $0x640, s21;
	s0 =	sadd.s32 s3, s29  }
0x79: {  	[tilespmem:s31], [sflag:$0x1] =	stream.linear.gather [hbm4b:s0+s2], $0x40, $0x38;
	[tilespmem:$0x14280] =	vst v63  }
0x7a: {  	_ =	swait.ge [sflag:s14], $0x40  }
0x7b: {  	s0 =	simm.s32 $0x27F;
	[sflag:s14] =	ssyncset.done $0x0  }
.LBB2_4:
0x7c: {  	p0 =	sne.s32 s0, $0x1;
	s0 =	sadd.s32 $0xFFFFFFFF, s0;
	[sflag:s14] =	ssyncadd.s32 $0xFFFFFFC0  }
.Ltmp1:
0x7d: {  	(pc) =	sbr.rel @p0 .LBB2_4-.Ltmp1, $3  }
0x7e: {  	_ =	sdelay $0x1  }
0x7f: {  	_ =	swait.ge [sflag:s14], $0x40  }
0x80: {  	[sflag:s14] =	ssyncset.done $0x0  }
0x81: {  	[sflag:s14] =	ssyncadd.s32 $0xFFFFFFC0  }
0x82: {  	s22 =	simm.s32 $0x0;
	s0 =	rddreg [dreg:$0x4];
	s1 =	simm.s32 $0x280  }
0x83: {  	[hbm4b:s0+s22] =	stream.linear.scatter [tilespmem:s1], [sflag:$0x3], $0xA000, $0x38;
	[tilespmem:$0x14280] =	vst v63  }
0x84: {  	s31 =	rddreg [dreg:$0x5]  }
0x85: {  	[tilespmem:s22], [sflag:$0x5] =	stream.linear.gather [hbm4b:s31+s22], $0x280, $0x38;
	[tilespmem:$0x14280] =	vst v63  }
0x86: {  	_ =	swait.ge [sflag:s13], $0x280  }
0x87: {  	[sflag:s13] =	ssyncset.done $0x0  }
0x88: {  	[sflag:s13] =	ssyncadd.s32 $0xFFFFFD80  }
0x89: {  	v0 =	vld [tilespmem:s22+$0x0];
	_ =	sdelay $0x4  }
0x8a: {  	v0 =	vshll.u32 v0, $0x3  }
0x8b: {  	(v2sf) =	vpush v0, $0x0  }
0x8c: {  	(v2sf) =	vpush v0, $0x1  }
0x8d: {  	(v2sf) =	vpush v0, $0x2;
	_ =	sdelay $0x1  }
0x8e: {  	(v2sf) =	vpush v0, $0x4;
	_ =	sdelay $0x1  }
0x8f: {  	(v2sf) =	vpush v0, $0x3  }
0x90: {  	(v2sf) =	vpush v0, $0x5  }
0x91: {  	s23 =	simm.s32 $0x1000;
	s21 =	simm.s32 $0x0;
	(v2sf) =	vpush v0, $0x6  }
.LBB2_6:
0x92: {  	p0 =	sne.s32 s23, $0x27000  }
0x93: {  	s4 =	sadd.s32 $0xA2C0, s21;
	s28 =	sadd.s32 $0xA540, s21;
	s24 =	smov.u32 s23  }
0x94: {  	s23 =	sadd.s32 $0x1000, s23;
	s31 =	sadd.s32 $0xA440, s21;
	s25 =	sadd.s32 $0xA580, s21;
	(v2sf) =	vpush v0, $0x7  }
0x95: {  	s1 =	sadd.s32 $0xA3C0, s21;
	s30 =	sadd.s32 $0xA480, s21;
	s26 =	sadd.s32 $0xA5C0, s21  }
0x96: {  	s5 =	sadd.s32 $0xA280, s21;
	s6 =	sadd.s32 $0xA380, s21;
	(v2sf) =	vpush v0, $0x8  }
0x97: {  	s7 =	sadd.s32 $0xA400, s21;
	s22 =	sadd.s32 $0x10, s22  }
0x98: {  	s8 =	sadd.s32 $0xA300, s21;
	s29 =	sadd.s32 $0xA500, s21;
	s0 =	spop (v2sf);
	(v2sf) =	vpush v0, $0x9  }
0x99: {  	s9 =	sand.u32 $0x1FFFFFF8, s0;
	s0 =	sadd.s32 $0xA4C0, s21;
	s15 =	spop (v2sf)  }
0x9a: {  	s9 =	sadd.s32 s3, s9;
	s15 =	sand.u32 $0x1FFFFFF8, s15;
	s17 =	spop (v2sf);
	(v2sf) =	vpush v0, $0xA  }
0x9b: {  	[tilespmem:s5], [sflag:$0x2] =	stream.linear.gather [hbm4b:s9+s2], $0x40, $0x38;
	[tilespmem:$0x14280] =	vst v63  }
0x9c: {  	s5 =	sadd.s32 s3, s15;
	s9 =	sadd.s32 $0xA340, s21;
	s15 =	spop (v2sf);
	(v2sf) =	vpush v0, $0xB  }
0x9d: {  	[tilespmem:s4], [sflag:$0x2] =	stream.linear.gather [hbm4b:s5+s2], $0x40, $0x38;
	[tilespmem:$0x14280] =	vst v63  }
0x9e: {  	s4 =	sand.u32 $0x1FFFFFF8, s17;
	s5 =	sand.u32 $0x1FFFFFF8, s15;
	s15 =	spop (v2sf);
	(v2sf) =	vpush v0, $0xC  }
0x9f: {  	s4 =	sadd.s32 s3, s4;
	s15 =	sand.u32 $0x1FFFFFF8, s15;
	s17 =	spop (v2sf)  }
0xa0: {  	[tilespmem:s8], [sflag:$0x2] =	stream.linear.gather [hbm4b:s4+s2], $0x40, $0x38;
	(v2sf) =	vpush v0, $0xD;
	[tilespmem:$0x14280] =	vst v63  }
0xa1: {  	s4 =	sadd.s32 s3, s15;
	s8 =	sand.u32 $0x1FFFFFF8, s17;
	s15 =	spop (v2sf)  }
0xa2: {  	[tilespmem:s9], [sflag:$0x2] =	stream.linear.gather [hbm4b:s4+s2], $0x40, $0x38;
	(v2sf) =	vpush v0, $0xE;
	[tilespmem:$0x14280] =	vst v63  }
0xa3: {  	s4 =	sadd.s32 s3, s5;
	s5 =	sand.u32 $0x1FFFFFF8, s15;
	s9 =	spop (v2sf)  }
0xa4: {  	[tilespmem:s6], [sflag:$0x2] =	stream.linear.gather [hbm4b:s4+s2], $0x40, $0x38;
	(v2sf) =	vpush v0, $0xF;
	[tilespmem:$0x14280] =	vst v63  }
0xa5: {  	s4 =	sadd.s32 s3, s8;
	s6 =	sand.u32 $0x1FFFFFF8, s9;
	s8 =	spop (v2sf)  }
0xa6: {  	[tilespmem:s1], [sflag:$0x2] =	stream.linear.gather [hbm4b:s4+s2], $0x40, $0x38;
	[tilespmem:$0x14280] =	vst v63  }
0xa7: {  	s1 =	sadd.s32 s3, s5;
	s4 =	sand.u32 $0x1FFFFFF8, s8;
	s5 =	spop (v2sf)  }
0xa8: {  	[tilespmem:s7], [sflag:$0x2] =	stream.linear.gather [hbm4b:s1+s2], $0x40, $0x38;
	[tilespmem:$0x14280] =	vst v63  }
0xa9: {  	s1 =	sadd.s32 s3, s6;
	s5 =	sand.u32 $0x1FFFFFF8, s5;
	s6 =	spop (v2sf)  }
0xaa: {  	[tilespmem:s31], [sflag:$0x2] =	stream.linear.gather [hbm4b:s1+s2], $0x40, $0x38;
	[tilespmem:$0x14280] =	vst v63  }
0xab: {  	s1 =	sadd.s32 s3, s4;
	s4 =	sand.u32 $0x1FFFFFF8, s6;
	s6 =	spop (v2sf)  }
0xac: {  	[tilespmem:s30], [sflag:$0x2] =	stream.linear.gather [hbm4b:s1+s2], $0x40, $0x38;
	[tilespmem:$0x14280] =	vst v63  }
0xad: {  	s1 =	sadd.s32 s3, s5;
	s5 =	sand.u32 $0x1FFFFFF8, s6;
	s6 =	spop (v2sf)  }
0xae: {  	[tilespmem:s0], [sflag:$0x2] =	stream.linear.gather [hbm4b:s1+s2], $0x40, $0x38;
	[tilespmem:$0x14280] =	vst v63  }
0xaf: {  	s0 =	sadd.s32 s3, s4;
	s1 =	sand.u32 $0x1FFFFFF8, s6;
	s4 =	spop (v2sf)  }
0xb0: {  	[tilespmem:s29], [sflag:$0x2] =	stream.linear.gather [hbm4b:s0+s2], $0x40, $0x38;
	[tilespmem:$0x14280] =	vst v63  }
0xb1: {  	s0 =	sadd.s32 s3, s5;
	s4 =	sand.u32 $0x1FFFFFF8, s4;
	s5 =	spop (v2sf)  }
0xb2: {  	[tilespmem:s28], [sflag:$0x2] =	stream.linear.gather [hbm4b:s0+s2], $0x40, $0x38;
	[tilespmem:$0x14280] =	vst v63  }
0xb3: {  	s0 =	sadd.s32 s3, s1;
	s1 =	sand.u32 $0x1FFFFFF8, s5;
	s5 =	spop (v2sf)  }
0xb4: {  	[tilespmem:s25], [sflag:$0x2] =	stream.linear.gather [hbm4b:s0+s2], $0x40, $0x38;
	[tilespmem:$0x14280] =	vst v63  }
0xb5: {  	s0 =	sadd.s32 s3, s4;
	s4 =	sand.u32 $0x1FFFFFF8, s5  }
0xb6: {  	[tilespmem:s26], [sflag:$0x2] =	stream.linear.gather [hbm4b:s0+s2], $0x40, $0x38;
	[tilespmem:$0x14280] =	vst v63  }
0xb7: {  	s1 =	sadd.s32 s3, s1;
	s0 =	sadd.s32 $0xA600, s21  }
0xb8: {  	[tilespmem:s0], [sflag:$0x2] =	stream.linear.gather [hbm4b:s1+s2], $0x40, $0x38;
	[tilespmem:$0x14280] =	vst v63  }
0xb9: {  	s0 =	sadd.s32 $0xA640, s21;
	s1 =	sadd.s32 s3, s4  }
0xba: {  	[tilespmem:s0], [sflag:$0x2] =	stream.linear.gather [hbm4b:s1+s2], $0x40, $0x38;
	[tilespmem:$0x14280] =	vst v63  }
0xbb: {  	v0 =	vld [tilespmem:s22+$0x0];
	_ =	sdelay $0x4  }
0xbc: {  	v0 =	vshll.u32 v0, $0x3  }
0xbd: {  	(v2sf) =	vpush v0, $0x0  }
0xbe: {  	(v2sf) =	vpush v0, $0x1  }
0xbf: {  	(v2sf) =	vpush v0, $0x2;
	_ =	sdelay $0x1  }
0xc0: {  	(v2sf) =	vpush v0, $0x4  }
.Ltmp2:
0xc1: {  	(pc) =	sbr.rel @p0 .LBB2_6-.Ltmp2, $3  }
0xc2: {  	(v2sf) =	vpush v0, $0x3  }
0xc3: {  	(v2sf) =	vpush v0, $0x5;
	_ =	sdelay $0x1  }
0xc4: {  	s21 =	sshra.s32 s24, $0x2;
	(v2sf) =	vpush v0, $0x6  }
0xc5: {  	_ =	sdelay $0x1  }
0xc6: {  	s0 =	sadd.s32 $0xA2C0, s21;
	s24 =	sadd.s32 $0xA540, s21  }
0xc7: {  	s1 =	sadd.s32 $0xA440, s21;
	s22 =	sadd.s32 $0xA580, s21;
	(v2sf) =	vpush v0, $0x7;
	s4 =	sadd.s32 $0xA3C0, s21  }
0xc8: {  	s5 =	sadd.s32 $0xA480, s21;
	s23 =	sadd.s32 $0xA5C0, s21;
	s6 =	sadd.s32 $0xA280, s21  }
0xc9: {  	s7 =	sadd.s32 $0xA380, s21;
	s8 =	sadd.s32 $0xA400, s21;
	(v2sf) =	vpush v0, $0x8;
	s9 =	spop (v2sf)  }
0xca: {  	s15 =	sadd.s32 $0xA300, s21;
	s9 =	sand.u32 $0x1FFFFFF8, s9;
	s17 =	spop (v2sf)  }
0xcb: {  	(v2sf) =	vpush v0, $0x9;
	s9 =	sadd.s32 s3, s9;
	s17 =	sand.u32 $0x1FFFFFF8, s17;
	s25 =	spop (v2sf)  }
0xcc: {  	[tilespmem:s6], [sflag:$0x2] =	stream.linear.gather [hbm4b:s9+s2], $0x40, $0x38;
	[tilespmem:$0x14280] =	vst v63  }
0xcd: {  	(v2sf) =	vpush v0, $0xA;
	s26 =	sadd.s32 s3, s17;
	s29 =	sand.u32 $0x1FFFFFF8, s25;
	s28 =	spop (v2sf)  }
0xce: {  	[tilespmem:s0], [sflag:$0x2] =	stream.linear.gather [hbm4b:s26+s2], $0x40, $0x38;
	[tilespmem:$0x14280] =	vst v63  }
0xcf: {  	s6 =	sadd.s32 $0xA500, s21;
	(v2sf) =	vpush v0, $0xB;
	s9 =	sadd.s32 s3, s29;
	s30 =	spop (v2sf)  }
0xd0: {  	s0 =	sadd.s32 $0xA4C0, s21;
	s26 =	sadd.s32 $0xA340, s21;
	s25 =	sand.u32 $0x1FFFFFF8, s30  }
0xd1: {  	(v2sf) =	vpush v0, $0xC;
	[tilespmem:s15], [sflag:$0x2] =	stream.linear.gather [hbm4b:s9+s2], $0x40, $0x38;
	[tilespmem:$0x14280] =	vst v63  }
0xd2: {  	s31 =	sand.u32 $0x1FFFFFF8, s28;
	s28 =	spop (v2sf);
	s29 =	sadd.s32 s3, s25  }
0xd3: {  	(v2sf) =	vpush v0, $0xD;
	[tilespmem:s26], [sflag:$0x2] =	stream.linear.gather [hbm4b:s29+s2], $0x40, $0x38;
	[tilespmem:$0x14280] =	vst v63  }
0xd4: {  	s9 =	sadd.s32 s3, s31;
	s15 =	sand.u32 $0x1FFFFFF8, s28;
	s30 =	spop (v2sf)  }
0xd5: {  	(v2sf) =	vpush v0, $0xE;
	[tilespmem:s7], [sflag:$0x2] =	stream.linear.gather [hbm4b:s9+s2], $0x40, $0x38;
	[tilespmem:$0x14280] =	vst v63  }
0xd6: {  	s15 =	sadd.s32 s3, s15;
	s31 =	sand.u32 $0x1FFFFFF8, s30;
	s17 =	spop (v2sf)  }
0xd7: {  	(v2sf) =	vpush v0, $0xF;
	[tilespmem:s4], [sflag:$0x2] =	stream.linear.gather [hbm4b:s15+s2], $0x40, $0x38;
	[tilespmem:$0x14280] =	vst v63  }
0xd8: {  	s25 =	sand.u32 $0x1FFFFFF8, s17;
	s26 =	spop (v2sf);
	s7 =	sadd.s32 s3, s31  }
0xd9: {  	[tilespmem:s8], [sflag:$0x2] =	stream.linear.gather [hbm4b:s7+s2], $0x40, $0x38;
	[tilespmem:$0x14280] =	vst v63  }
0xda: {  	s28 =	sand.u32 $0x1FFFFFF8, s26;
	s4 =	sadd.s32 s3, s25;
	s29 =	spop (v2sf)  }
0xdb: {  	[tilespmem:s1], [sflag:$0x2] =	stream.linear.gather [hbm4b:s4+s2], $0x40, $0x38;
	[tilespmem:$0x14280] =	vst v63  }
0xdc: {  	s7 =	sadd.s32 s3, s28;
	s30 =	sand.u32 $0x1FFFFFF8, s29;
	s31 =	spop (v2sf)  }
0xdd: {  	[tilespmem:s5], [sflag:$0x2] =	stream.linear.gather [hbm4b:s7+s2], $0x40, $0x38;
	[tilespmem:$0x14280] =	vst v63  }
0xde: {  	s4 =	sand.u32 $0x1FFFFFF8, s31;
	s1 =	sadd.s32 s3, s30;
	s8 =	spop (v2sf)  }
0xdf: {  	[tilespmem:s0], [sflag:$0x2] =	stream.linear.gather [hbm4b:s1+s2], $0x40, $0x38;
	[tilespmem:$0x14280] =	vst v63  }
0xe0: {  	s4 =	sadd.s32 s3, s4;
	s9 =	sand.u32 $0x1FFFFFF8, s8;
	s15 =	spop (v2sf)  }
0xe1: {  	[tilespmem:s6], [sflag:$0x2] =	stream.linear.gather [hbm4b:s4+s2], $0x40, $0x38;
	[tilespmem:$0x14280] =	vst v63  }
0xe2: {  	s0 =	sadd.s32 s3, s9;
	s1 =	sand.u32 $0x1FFFFFF8, s15;
	s17 =	spop (v2sf)  }
0xe3: {  	[tilespmem:s24], [sflag:$0x2] =	stream.linear.gather [hbm4b:s0+s2], $0x40, $0x38;
	[tilespmem:$0x14280] =	vst v63  }
0xe4: {  	s1 =	sadd.s32 s3, s1;
	s25 =	spop (v2sf);
	s24 =	sand.u32 $0x1FFFFFF8, s17  }
0xe5: {  	[tilespmem:s22], [sflag:$0x2] =	stream.linear.gather [hbm4b:s1+s2], $0x40, $0x38;
	[tilespmem:$0x14280] =	vst v63  }
0xe6: {  	s26 =	sand.u32 $0x1FFFFFF8, s25;
	s28 =	spop (v2sf);
	s0 =	sadd.s32 s3, s24  }
0xe7: {  	[tilespmem:s23], [sflag:$0x2] =	stream.linear.gather [hbm4b:s0+s2], $0x40, $0x38;
	[tilespmem:$0x14280] =	vst v63  }
0xe8: {  	s30 =	sadd.s32 $0xA600, s21;
	s29 =	sand.u32 $0x1FFFFFF8, s28;
	s1 =	sadd.s32 s3, s26  }
0xe9: {  	[tilespmem:s30], [sflag:$0x2] =	stream.linear.gather [hbm4b:s1+s2], $0x40, $0x38;
	[tilespmem:$0x14280] =	vst v63  }
0xea: {  	s31 =	sadd.s32 $0xA640, s21;
	s0 =	sadd.s32 s3, s29  }
0xeb: {  	[tilespmem:s31], [sflag:$0x2] =	stream.linear.gather [hbm4b:s0+s2], $0x40, $0x38;
	[tilespmem:$0x14280] =	vst v63  }
0xec: {  	_ =	swait.ge [sflag:s16], $0x40  }
0xed: {  	s0 =	simm.s32 $0x27F;
	[sflag:s16] =	ssyncset.done $0x0  }
.LBB2_8:
0xee: {  	p0 =	sne.s32 s0, $0x1;
	s0 =	sadd.s32 $0xFFFFFFFF, s0;
	[sflag:s16] =	ssyncadd.s32 $0xFFFFFFC0  }
.Ltmp3:
0xef: {  	(pc) =	sbr.rel @p0 .LBB2_8-.Ltmp3, $3  }
0xf0: {  	_ =	sdelay $0x1  }
0xf1: {  	_ =	swait.ge [sflag:s16], $0x40  }
0xf2: {  	[sflag:s16] =	ssyncset.done $0x0  }
0xf3: {  	[sflag:s16] =	ssyncadd.s32 $0xFFFFFFC0  }
0xf4: {  	s22 =	simm.s32 $0x0;
	s0 =	rddreg [dreg:$0x6];
	s1 =	simm.s32 $0xA280  }
0xf5: {  	[hbm4b:s0+s22] =	stream.linear.scatter [tilespmem:s1], [sflag:$0x4], $0xA000, $0x38;
	[tilespmem:$0x14280] =	vst v63  }
0xf6: {  	_ =	swait.ge [sflag:s18], $0xA000  }
0xf7: {  	[sflag:s18] =	ssyncset.done $0x0  }
0xf8: {  	s31 =	rddreg [dreg:$0x7];
	[sflag:s18] =	ssyncadd.s32 $0xFFFF6000  }
0xf9: {  	[tilespmem:s22], [sflag:$0x5] =	stream.linear.gather [hbm4b:s31+s22], $0x280, $0x38;
	[tilespmem:$0x14280] =	vst v63  }
0xfa: {  	_ =	swait.ge [sflag:s13], $0x280  }
0xfb: {  	[sflag:s13] =	ssyncset.done $0x0  }
0xfc: {  	[sflag:s13] =	ssyncadd.s32 $0xFFFFFD80  }
0xfd: {  	v0 =	vld [tilespmem:s22+$0x0];
	_ =	sdelay $0x4  }
0xfe: {  	v0 =	vshll.u32 v0, $0x3  }
0xff: {  	(v2sf) =	vpush v0, $0x0  }
0x100: {  	(v2sf) =	vpush v0, $0x1  }
0x101: {  	(v2sf) =	vpush v0, $0x2;
	_ =	sdelay $0x1  }
0x102: {  	(v2sf) =	vpush v0, $0x4;
	_ =	sdelay $0x1  }
0x103: {  	(v2sf) =	vpush v0, $0x3  }
0x104: {  	(v2sf) =	vpush v0, $0x5  }
0x105: {  	s23 =	simm.s32 $0x1000;
	s21 =	simm.s32 $0x0;
	(v2sf) =	vpush v0, $0x6  }
.LBB2_10:
0x106: {  	p0 =	sne.s32 s23, $0x27000  }
0x107: {  	s4 =	sadd.s32 $0x2C0, s21;
	s28 =	sadd.s32 $0x540, s21;
	s24 =	smov.u32 s23  }
0x108: {  	s23 =	sadd.s32 $0x1000, s23;
	s31 =	sadd.s32 $0x440, s21;
	s25 =	sadd.s32 $0x580, s21;
	(v2sf) =	vpush v0, $0x7  }
0x109: {  	s1 =	sadd.s32 $0x3C0, s21;
	s30 =	sadd.s32 $0x480, s21;
	s26 =	sadd.s32 $0x5C0, s21  }
0x10a: {  	s5 =	sadd.s32 $0x280, s21;
	s6 =	sadd.s32 $0x380, s21;
	(v2sf) =	vpush v0, $0x8  }
0x10b: {  	s7 =	sadd.s32 $0x400, s21;
	s22 =	sadd.s32 $0x10, s22  }
0x10c: {  	s8 =	sadd.s32 $0x300, s21;
	s29 =	sadd.s32 $0x500, s21;
	s0 =	spop (v2sf);
	(v2sf) =	vpush v0, $0x9  }
0x10d: {  	s9 =	sand.u32 $0x1FFFFFF8, s0;
	s0 =	sadd.s32 $0x4C0, s21;
	s15 =	spop (v2sf)  }
0x10e: {  	s9 =	sadd.s32 s3, s9;
	s15 =	sand.u32 $0x1FFFFFF8, s15;
	s17 =	spop (v2sf);
	(v2sf) =	vpush v0, $0xA  }
0x10f: {  	[tilespmem:s5], [sflag:$0x1] =	stream.linear.gather [hbm4b:s9+s2], $0x40, $0x38;
	[tilespmem:$0x14280] =	vst v63  }
0x110: {  	s5 =	sadd.s32 s3, s15;
	s9 =	sadd.s32 $0x340, s21;
	s15 =	spop (v2sf);
	(v2sf) =	vpush v0, $0xB  }
0x111: {  	[tilespmem:s4], [sflag:$0x1] =	stream.linear.gather [hbm4b:s5+s2], $0x40, $0x38;
	[tilespmem:$0x14280] =	vst v63  }
0x112: {  	s4 =	sand.u32 $0x1FFFFFF8, s17;
	s5 =	sand.u32 $0x1FFFFFF8, s15;
	s15 =	spop (v2sf);
	(v2sf) =	vpush v0, $0xC  }
0x113: {  	s4 =	sadd.s32 s3, s4;
	s15 =	sand.u32 $0x1FFFFFF8, s15;
	s17 =	spop (v2sf)  }
0x114: {  	[tilespmem:s8], [sflag:$0x1] =	stream.linear.gather [hbm4b:s4+s2], $0x40, $0x38;
	(v2sf) =	vpush v0, $0xD;
	[tilespmem:$0x14280] =	vst v63  }
0x115: {  	s4 =	sadd.s32 s3, s15;
	s8 =	sand.u32 $0x1FFFFFF8, s17;
	s15 =	spop (v2sf)  }
0x116: {  	[tilespmem:s9], [sflag:$0x1] =	stream.linear.gather [hbm4b:s4+s2], $0x40, $0x38;
	(v2sf) =	vpush v0, $0xE;
	[tilespmem:$0x14280] =	vst v63  }
0x117: {  	s4 =	sadd.s32 s3, s5;
	s5 =	sand.u32 $0x1FFFFFF8, s15;
	s9 =	spop (v2sf)  }
0x118: {  	[tilespmem:s6], [sflag:$0x1] =	stream.linear.gather [hbm4b:s4+s2], $0x40, $0x38;
	(v2sf) =	vpush v0, $0xF;
	[tilespmem:$0x14280] =	vst v63  }
0x119: {  	s4 =	sadd.s32 s3, s8;
	s6 =	sand.u32 $0x1FFFFFF8, s9;
	s8 =	spop (v2sf)  }
0x11a: {  	[tilespmem:s1], [sflag:$0x1] =	stream.linear.gather [hbm4b:s4+s2], $0x40, $0x38;
	[tilespmem:$0x14280] =	vst v63  }
0x11b: {  	s1 =	sadd.s32 s3, s5;
	s4 =	sand.u32 $0x1FFFFFF8, s8;
	s5 =	spop (v2sf)  }
0x11c: {  	[tilespmem:s7], [sflag:$0x1] =	stream.linear.gather [hbm4b:s1+s2], $0x40, $0x38;
	[tilespmem:$0x14280] =	vst v63  }
0x11d: {  	s1 =	sadd.s32 s3, s6;
	s5 =	sand.u32 $0x1FFFFFF8, s5;
	s6 =	spop (v2sf)  }
0x11e: {  	[tilespmem:s31], [sflag:$0x1] =	stream.linear.gather [hbm4b:s1+s2], $0x40, $0x38;
	[tilespmem:$0x14280] =	vst v63  }
0x11f: {  	s1 =	sadd.s32 s3, s4;
	s4 =	sand.u32 $0x1FFFFFF8, s6;
	s6 =	spop (v2sf)  }
0x120: {  	[tilespmem:s30], [sflag:$0x1] =	stream.linear.gather [hbm4b:s1+s2], $0x40, $0x38;
	[tilespmem:$0x14280] =	vst v63  }
0x121: {  	s1 =	sadd.s32 s3, s5;
	s5 =	sand.u32 $0x1FFFFFF8, s6;
	s6 =	spop (v2sf)  }
0x122: {  	[tilespmem:s0], [sflag:$0x1] =	stream.linear.gather [hbm4b:s1+s2], $0x40, $0x38;
	[tilespmem:$0x14280] =	vst v63  }
0x123: {  	s0 =	sadd.s32 s3, s4;
	s1 =	sand.u32 $0x1FFFFFF8, s6;
	s4 =	spop (v2sf)  }
0x124: {  	[tilespmem:s29], [sflag:$0x1] =	stream.linear.gather [hbm4b:s0+s2], $0x40, $0x38;
	[tilespmem:$0x14280] =	vst v63  }
0x125: {  	s0 =	sadd.s32 s3, s5;
	s4 =	sand.u32 $0x1FFFFFF8, s4;
	s5 =	spop (v2sf)  }
0x126: {  	[tilespmem:s28], [sflag:$0x1] =	stream.linear.gather [hbm4b:s0+s2], $0x40, $0x38;
	[tilespmem:$0x14280] =	vst v63  }
0x127: {  	s0 =	sadd.s32 s3, s1;
	s1 =	sand.u32 $0x1FFFFFF8, s5;
	s5 =	spop (v2sf)  }
0x128: {  	[tilespmem:s25], [sflag:$0x1] =	stream.linear.gather [hbm4b:s0+s2], $0x40, $0x38;
	[tilespmem:$0x14280] =	vst v63  }
0x129: {  	s0 =	sadd.s32 s3, s4;
	s4 =	sand.u32 $0x1FFFFFF8, s5  }
0x12a: {  	[tilespmem:s26], [sflag:$0x1] =	stream.linear.gather [hbm4b:s0+s2], $0x40, $0x38;
	[tilespmem:$0x14280] =	vst v63  }
0x12b: {  	s1 =	sadd.s32 s3, s1;
	s0 =	sadd.s32 $0x600, s21  }
0x12c: {  	[tilespmem:s0], [sflag:$0x1] =	stream.linear.gather [hbm4b:s1+s2], $0x40, $0x38;
	[tilespmem:$0x14280] =	vst v63  }
0x12d: {  	s0 =	sadd.s32 $0x640, s21;
	s1 =	sadd.s32 s3, s4  }
0x12e: {  	[tilespmem:s0], [sflag:$0x1] =	stream.linear.gather [hbm4b:s1+s2], $0x40, $0x38;
	[tilespmem:$0x14280] =	vst v63  }
0x12f: {  	v0 =	vld [tilespmem:s22+$0x0];
	_ =	sdelay $0x4  }
0x130: {  	v0 =	vshll.u32 v0, $0x3  }
0x131: {  	(v2sf) =	vpush v0, $0x0  }
0x132: {  	(v2sf) =	vpush v0, $0x1  }
0x133: {  	(v2sf) =	vpush v0, $0x2;
	_ =	sdelay $0x1  }
0x134: {  	(v2sf) =	vpush v0, $0x4  }
.Ltmp4:
0x135: {  	(pc) =	sbr.rel @p0 .LBB2_10-.Ltmp4, $3  }
0x136: {  	(v2sf) =	vpush v0, $0x3  }
0x137: {  	(v2sf) =	vpush v0, $0x5;
	_ =	sdelay $0x1  }
0x138: {  	s21 =	sshra.s32 s24, $0x2;
	(v2sf) =	vpush v0, $0x6  }
0x139: {  	_ =	sdelay $0x1  }
0x13a: {  	s0 =	sadd.s32 $0x2C0, s21;
	s24 =	sadd.s32 $0x540, s21  }
0x13b: {  	s1 =	sadd.s32 $0x440, s21;
	s22 =	sadd.s32 $0x580, s21;
	(v2sf) =	vpush v0, $0x7;
	s4 =	sadd.s32 $0x3C0, s21  }
0x13c: {  	s5 =	sadd.s32 $0x480, s21;
	s23 =	sadd.s32 $0x5C0, s21;
	s6 =	sadd.s32 $0x280, s21  }
0x13d: {  	s7 =	sadd.s32 $0x380, s21;
	s8 =	sadd.s32 $0x400, s21;
	(v2sf) =	vpush v0, $0x8;
	s9 =	spop (v2sf)  }
0x13e: {  	s15 =	sadd.s32 $0x300, s21;
	s9 =	sand.u32 $0x1FFFFFF8, s9;
	s17 =	spop (v2sf)  }
0x13f: {  	(v2sf) =	vpush v0, $0x9;
	s9 =	sadd.s32 s3, s9;
	s17 =	sand.u32 $0x1FFFFFF8, s17;
	s25 =	spop (v2sf)  }
0x140: {  	[tilespmem:s6], [sflag:$0x1] =	stream.linear.gather [hbm4b:s9+s2], $0x40, $0x38;
	[tilespmem:$0x14280] =	vst v63  }
0x141: {  	(v2sf) =	vpush v0, $0xA;
	s26 =	sadd.s32 s3, s17;
	s29 =	sand.u32 $0x1FFFFFF8, s25;
	s28 =	spop (v2sf)  }
0x142: {  	[tilespmem:s0], [sflag:$0x1] =	stream.linear.gather [hbm4b:s26+s2], $0x40, $0x38;
	[tilespmem:$0x14280] =	vst v63  }
0x143: {  	s6 =	sadd.s32 $0x500, s21;
	(v2sf) =	vpush v0, $0xB;
	s9 =	sadd.s32 s3, s29;
	s30 =	spop (v2sf)  }
0x144: {  	s0 =	sadd.s32 $0x4C0, s21;
	s26 =	sadd.s32 $0x340, s21;
	s25 =	sand.u32 $0x1FFFFFF8, s30  }
0x145: {  	(v2sf) =	vpush v0, $0xC;
	[tilespmem:s15], [sflag:$0x1] =	stream.linear.gather [hbm4b:s9+s2], $0x40, $0x38;
	[tilespmem:$0x14280] =	vst v63  }
0x146: {  	s31 =	sand.u32 $0x1FFFFFF8, s28;
	s28 =	spop (v2sf);
	s29 =	sadd.s32 s3, s25  }
0x147: {  	(v2sf) =	vpush v0, $0xD;
	[tilespmem:s26], [sflag:$0x1] =	stream.linear.gather [hbm4b:s29+s2], $0x40, $0x38;
	[tilespmem:$0x14280] =	vst v63  }
0x148: {  	s9 =	sadd.s32 s3, s31;
	s15 =	sand.u32 $0x1FFFFFF8, s28;
	s30 =	spop (v2sf)  }
0x149: {  	(v2sf) =	vpush v0, $0xE;
	[tilespmem:s7], [sflag:$0x1] =	stream.linear.gather [hbm4b:s9+s2], $0x40, $0x38;
	[tilespmem:$0x14280] =	vst v63  }
0x14a: {  	s15 =	sadd.s32 s3, s15;
	s31 =	sand.u32 $0x1FFFFFF8, s30;
	s17 =	spop (v2sf)  }
0x14b: {  	(v2sf) =	vpush v0, $0xF;
	[tilespmem:s4], [sflag:$0x1] =	stream.linear.gather [hbm4b:s15+s2], $0x40, $0x38;
	[tilespmem:$0x14280] =	vst v63  }
0x14c: {  	s25 =	sand.u32 $0x1FFFFFF8, s17;
	s26 =	spop (v2sf);
	s7 =	sadd.s32 s3, s31  }
0x14d: {  	[tilespmem:s8], [sflag:$0x1] =	stream.linear.gather [hbm4b:s7+s2], $0x40, $0x38;
	[tilespmem:$0x14280] =	vst v63  }
0x14e: {  	s28 =	sand.u32 $0x1FFFFFF8, s26;
	s4 =	sadd.s32 s3, s25;
	s29 =	spop (v2sf)  }
0x14f: {  	[tilespmem:s1], [sflag:$0x1] =	stream.linear.gather [hbm4b:s4+s2], $0x40, $0x38;
	[tilespmem:$0x14280] =	vst v63  }
0x150: {  	s7 =	sadd.s32 s3, s28;
	s30 =	sand.u32 $0x1FFFFFF8, s29;
	s31 =	spop (v2sf)  }
0x151: {  	[tilespmem:s5], [sflag:$0x1] =	stream.linear.gather [hbm4b:s7+s2], $0x40, $0x38;
	[tilespmem:$0x14280] =	vst v63  }
0x152: {  	s4 =	sand.u32 $0x1FFFFFF8, s31;
	s1 =	sadd.s32 s3, s30;
	s8 =	spop (v2sf)  }
0x153: {  	[tilespmem:s0], [sflag:$0x1] =	stream.linear.gather [hbm4b:s1+s2], $0x40, $0x38;
	[tilespmem:$0x14280] =	vst v63  }
0x154: {  	s4 =	sadd.s32 s3, s4;
	s9 =	sand.u32 $0x1FFFFFF8, s8;
	s15 =	spop (v2sf)  }
0x155: {  	[tilespmem:s6], [sflag:$0x1] =	stream.linear.gather [hbm4b:s4+s2], $0x40, $0x38;
	[tilespmem:$0x14280] =	vst v63  }
0x156: {  	s0 =	sadd.s32 s3, s9;
	s1 =	sand.u32 $0x1FFFFFF8, s15;
	s17 =	spop (v2sf)  }
0x157: {  	[tilespmem:s24], [sflag:$0x1] =	stream.linear.gather [hbm4b:s0+s2], $0x40, $0x38;
	[tilespmem:$0x14280] =	vst v63  }
0x158: {  	s1 =	sadd.s32 s3, s1;
	s25 =	spop (v2sf);
	s24 =	sand.u32 $0x1FFFFFF8, s17  }
0x159: {  	[tilespmem:s22], [sflag:$0x1] =	stream.linear.gather [hbm4b:s1+s2], $0x40, $0x38;
	[tilespmem:$0x14280] =	vst v63  }
0x15a: {  	s26 =	sand.u32 $0x1FFFFFF8, s25;
	s28 =	spop (v2sf);
	s0 =	sadd.s32 s3, s24  }
0x15b: {  	[tilespmem:s23], [sflag:$0x1] =	stream.linear.gather [hbm4b:s0+s2], $0x40, $0x38;
	[tilespmem:$0x14280] =	vst v63  }
0x15c: {  	s30 =	sadd.s32 $0x600, s21;
	s29 =	sand.u32 $0x1FFFFFF8, s28;
	s1 =	sadd.s32 s3, s26  }
0x15d: {  	[tilespmem:s30], [sflag:$0x1] =	stream.linear.gather [hbm4b:s1+s2], $0x40, $0x38;
	[tilespmem:$0x14280] =	vst v63  }
0x15e: {  	s31 =	sadd.s32 $0x640, s21;
	s0 =	sadd.s32 s3, s29  }
0x15f: {  	[tilespmem:s31], [sflag:$0x1] =	stream.linear.gather [hbm4b:s0+s2], $0x40, $0x38;
	[tilespmem:$0x14280] =	vst v63  }
0x160: {  	_ =	swait.ge [sflag:s14], $0x40  }
0x161: {  	s0 =	simm.s32 $0x27F;
	[sflag:s14] =	ssyncset.done $0x0  }
.LBB2_12:
0x162: {  	p0 =	sne.s32 s0, $0x1;
	s0 =	sadd.s32 $0xFFFFFFFF, s0;
	[sflag:s14] =	ssyncadd.s32 $0xFFFFFFC0  }
.Ltmp5:
0x163: {  	(pc) =	sbr.rel @p0 .LBB2_12-.Ltmp5, $3  }
0x164: {  	_ =	sdelay $0x1  }
0x165: {  	_ =	swait.ge [sflag:s14], $0x40  }
0x166: {  	[sflag:s14] =	ssyncset.done $0x0  }
0x167: {  	[sflag:s14] =	ssyncadd.s32 $0xFFFFFFC0  }
0x168: {  	s22 =	simm.s32 $0x0;
	s0 =	rddreg [dreg:$0x8];
	s1 =	simm.s32 $0x280  }
0x169: {  	[hbm4b:s0+s22] =	stream.linear.scatter [tilespmem:s1], [sflag:$0x3], $0xA000, $0x38;
	[tilespmem:$0x14280] =	vst v63  }
0x16a: {  	_ =	swait.ge [sflag:s19], $0xA000  }
0x16b: {  	[sflag:s19] =	ssyncset.done $0x0  }
0x16c: {  	[sflag:s19] =	ssyncadd.s32 $0xFFFF6000  }
0x16d: {  	[tilespmem:s22], [sflag:$0x5] =	stream.linear.gather [hbm4b:s10+s22], $0x280, $0x38;
	[tilespmem:$0x14280] =	vst v63  }
0x16e: {  	_ =	swait.ge [sflag:s13], $0x280  }
0x16f: {  	[sflag:s13] =	ssyncset.done $0x0  }
0x170: {  	[sflag:s13] =	ssyncadd.s32 $0xFFFFFD80  }
0x171: {  	v0 =	vld [tilespmem:s22+$0x0];
	_ =	sdelay $0x4  }
0x172: {  	v0 =	vshll.u32 v0, $0x3  }
0x173: {  	(v2sf) =	vpush v0, $0x0  }
0x174: {  	(v2sf) =	vpush v0, $0x1  }
0x175: {  	(v2sf) =	vpush v0, $0x2;
	_ =	sdelay $0x1  }
0x176: {  	(v2sf) =	vpush v0, $0x4;
	_ =	sdelay $0x1  }
0x177: {  	(v2sf) =	vpush v0, $0x3  }
0x178: {  	(v2sf) =	vpush v0, $0x5  }
0x179: {  	s23 =	simm.s32 $0x1000;
	s21 =	simm.s32 $0x0;
	(v2sf) =	vpush v0, $0x6  }
.LBB2_14:
0x17a: {  	p0 =	sne.s32 s23, $0x27000  }
0x17b: {  	s4 =	sadd.s32 $0xA2C0, s21;
	s28 =	sadd.s32 $0xA540, s21;
	s24 =	smov.u32 s23  }
0x17c: {  	s23 =	sadd.s32 $0x1000, s23;
	s31 =	sadd.s32 $0xA440, s21;
	s25 =	sadd.s32 $0xA580, s21;
	(v2sf) =	vpush v0, $0x7  }
0x17d: {  	s1 =	sadd.s32 $0xA3C0, s21;
	s30 =	sadd.s32 $0xA480, s21;
	s26 =	sadd.s32 $0xA5C0, s21  }
0x17e: {  	s5 =	sadd.s32 $0xA280, s21;
	s6 =	sadd.s32 $0xA380, s21;
	(v2sf) =	vpush v0, $0x8  }
0x17f: {  	s7 =	sadd.s32 $0xA400, s21;
	s22 =	sadd.s32 $0x10, s22  }
0x180: {  	s8 =	sadd.s32 $0xA300, s21;
	s29 =	sadd.s32 $0xA500, s21;
	s0 =	spop (v2sf);
	(v2sf) =	vpush v0, $0x9  }
0x181: {  	s9 =	sand.u32 $0x1FFFFFF8, s0;
	s0 =	sadd.s32 $0xA4C0, s21;
	s15 =	spop (v2sf)  }
0x182: {  	s9 =	sadd.s32 s3, s9;
	s15 =	sand.u32 $0x1FFFFFF8, s15;
	s17 =	spop (v2sf);
	(v2sf) =	vpush v0, $0xA  }
0x183: {  	[tilespmem:s5], [sflag:$0x2] =	stream.linear.gather [hbm4b:s9+s2], $0x40, $0x38;
	[tilespmem:$0x14280] =	vst v63  }
0x184: {  	s5 =	sadd.s32 s3, s15;
	s9 =	sadd.s32 $0xA340, s21;
	s15 =	spop (v2sf);
	(v2sf) =	vpush v0, $0xB  }
0x185: {  	[tilespmem:s4], [sflag:$0x2] =	stream.linear.gather [hbm4b:s5+s2], $0x40, $0x38;
	[tilespmem:$0x14280] =	vst v63  }
0x186: {  	s4 =	sand.u32 $0x1FFFFFF8, s17;
	s5 =	sand.u32 $0x1FFFFFF8, s15;
	s15 =	spop (v2sf);
	(v2sf) =	vpush v0, $0xC  }
0x187: {  	s4 =	sadd.s32 s3, s4;
	s15 =	sand.u32 $0x1FFFFFF8, s15;
	s17 =	spop (v2sf)  }
0x188: {  	[tilespmem:s8], [sflag:$0x2] =	stream.linear.gather [hbm4b:s4+s2], $0x40, $0x38;
	(v2sf) =	vpush v0, $0xD;
	[tilespmem:$0x14280] =	vst v63  }
0x189: {  	s4 =	sadd.s32 s3, s15;
	s8 =	sand.u32 $0x1FFFFFF8, s17;
	s15 =	spop (v2sf)  }
0x18a: {  	[tilespmem:s9], [sflag:$0x2] =	stream.linear.gather [hbm4b:s4+s2], $0x40, $0x38;
	(v2sf) =	vpush v0, $0xE;
	[tilespmem:$0x14280] =	vst v63  }
0x18b: {  	s4 =	sadd.s32 s3, s5;
	s5 =	sand.u32 $0x1FFFFFF8, s15;
	s9 =	spop (v2sf)  }
0x18c: {  	[tilespmem:s6], [sflag:$0x2] =	stream.linear.gather [hbm4b:s4+s2], $0x40, $0x38;
	(v2sf) =	vpush v0, $0xF;
	[tilespmem:$0x14280] =	vst v63  }
0x18d: {  	s4 =	sadd.s32 s3, s8;
	s6 =	sand.u32 $0x1FFFFFF8, s9;
	s8 =	spop (v2sf)  }
0x18e: {  	[tilespmem:s1], [sflag:$0x2] =	stream.linear.gather [hbm4b:s4+s2], $0x40, $0x38;
	[tilespmem:$0x14280] =	vst v63  }
0x18f: {  	s1 =	sadd.s32 s3, s5;
	s4 =	sand.u32 $0x1FFFFFF8, s8;
	s5 =	spop (v2sf)  }
0x190: {  	[tilespmem:s7], [sflag:$0x2] =	stream.linear.gather [hbm4b:s1+s2], $0x40, $0x38;
	[tilespmem:$0x14280] =	vst v63  }
0x191: {  	s1 =	sadd.s32 s3, s6;
	s5 =	sand.u32 $0x1FFFFFF8, s5;
	s6 =	spop (v2sf)  }
0x192: {  	[tilespmem:s31], [sflag:$0x2] =	stream.linear.gather [hbm4b:s1+s2], $0x40, $0x38;
	[tilespmem:$0x14280] =	vst v63  }
0x193: {  	s1 =	sadd.s32 s3, s4;
	s4 =	sand.u32 $0x1FFFFFF8, s6;
	s6 =	spop (v2sf)  }
0x194: {  	[tilespmem:s30], [sflag:$0x2] =	stream.linear.gather [hbm4b:s1+s2], $0x40, $0x38;
	[tilespmem:$0x14280] =	vst v63  }
0x195: {  	s1 =	sadd.s32 s3, s5;
	s5 =	sand.u32 $0x1FFFFFF8, s6;
	s6 =	spop (v2sf)  }
0x196: {  	[tilespmem:s0], [sflag:$0x2] =	stream.linear.gather [hbm4b:s1+s2], $0x40, $0x38;
	[tilespmem:$0x14280] =	vst v63  }
0x197: {  	s0 =	sadd.s32 s3, s4;
	s1 =	sand.u32 $0x1FFFFFF8, s6;
	s4 =	spop (v2sf)  }
0x198: {  	[tilespmem:s29], [sflag:$0x2] =	stream.linear.gather [hbm4b:s0+s2], $0x40, $0x38;
	[tilespmem:$0x14280] =	vst v63  }
0x199: {  	s0 =	sadd.s32 s3, s5;
	s4 =	sand.u32 $0x1FFFFFF8, s4;
	s5 =	spop (v2sf)  }
0x19a: {  	[tilespmem:s28], [sflag:$0x2] =	stream.linear.gather [hbm4b:s0+s2], $0x40, $0x38;
	[tilespmem:$0x14280] =	vst v63  }
0x19b: {  	s0 =	sadd.s32 s3, s1;
	s1 =	sand.u32 $0x1FFFFFF8, s5;
	s5 =	spop (v2sf)  }
0x19c: {  	[tilespmem:s25], [sflag:$0x2] =	stream.linear.gather [hbm4b:s0+s2], $0x40, $0x38;
	[tilespmem:$0x14280] =	vst v63  }
0x19d: {  	s0 =	sadd.s32 s3, s4;
	s4 =	sand.u32 $0x1FFFFFF8, s5  }
0x19e: {  	[tilespmem:s26], [sflag:$0x2] =	stream.linear.gather [hbm4b:s0+s2], $0x40, $0x38;
	[tilespmem:$0x14280] =	vst v63  }
0x19f: {  	s1 =	sadd.s32 s3, s1;
	s0 =	sadd.s32 $0xA600, s21  }
0x1a0: {  	[tilespmem:s0], [sflag:$0x2] =	stream.linear.gather [hbm4b:s1+s2], $0x40, $0x38;
	[tilespmem:$0x14280] =	vst v63  }
0x1a1: {  	s0 =	sadd.s32 $0xA640, s21;
	s1 =	sadd.s32 s3, s4  }
0x1a2: {  	[tilespmem:s0], [sflag:$0x2] =	stream.linear.gather [hbm4b:s1+s2], $0x40, $0x38;
	[tilespmem:$0x14280] =	vst v63  }
0x1a3: {  	v0 =	vld [tilespmem:s22+$0x0];
	_ =	sdelay $0x4  }
0x1a4: {  	v0 =	vshll.u32 v0, $0x3  }
0x1a5: {  	(v2sf) =	vpush v0, $0x0  }
0x1a6: {  	(v2sf) =	vpush v0, $0x1  }
0x1a7: {  	(v2sf) =	vpush v0, $0x2;
	_ =	sdelay $0x1  }
0x1a8: {  	(v2sf) =	vpush v0, $0x4  }
.Ltmp6:
0x1a9: {  	(pc) =	sbr.rel @p0 .LBB2_14-.Ltmp6, $3  }
0x1aa: {  	(v2sf) =	vpush v0, $0x3  }
0x1ab: {  	(v2sf) =	vpush v0, $0x5;
	_ =	sdelay $0x1  }
0x1ac: {  	s21 =	sshra.s32 s24, $0x2;
	(v2sf) =	vpush v0, $0x6  }
0x1ad: {  	_ =	sdelay $0x1  }
0x1ae: {  	s0 =	sadd.s32 $0xA2C0, s21;
	s24 =	sadd.s32 $0xA540, s21  }
0x1af: {  	s1 =	sadd.s32 $0xA440, s21;
	s22 =	sadd.s32 $0xA580, s21;
	(v2sf) =	vpush v0, $0x7;
	s4 =	sadd.s32 $0xA3C0, s21  }
0x1b0: {  	s5 =	sadd.s32 $0xA480, s21;
	s23 =	sadd.s32 $0xA5C0, s21;
	s6 =	sadd.s32 $0xA280, s21  }
0x1b1: {  	s7 =	sadd.s32 $0xA380, s21;
	s8 =	sadd.s32 $0xA400, s21;
	(v2sf) =	vpush v0, $0x8;
	s9 =	spop (v2sf)  }
0x1b2: {  	s15 =	sadd.s32 $0xA300, s21;
	s9 =	sand.u32 $0x1FFFFFF8, s9;
	s17 =	spop (v2sf)  }
0x1b3: {  	(v2sf) =	vpush v0, $0x9;
	s9 =	sadd.s32 s3, s9;
	s17 =	sand.u32 $0x1FFFFFF8, s17;
	s25 =	spop (v2sf)  }
0x1b4: {  	[tilespmem:s6], [sflag:$0x2] =	stream.linear.gather [hbm4b:s9+s2], $0x40, $0x38;
	[tilespmem:$0x14280] =	vst v63  }
0x1b5: {  	(v2sf) =	vpush v0, $0xA;
	s26 =	sadd.s32 s3, s17;
	s29 =	sand.u32 $0x1FFFFFF8, s25;
	s28 =	spop (v2sf)  }
0x1b6: {  	[tilespmem:s0], [sflag:$0x2] =	stream.linear.gather [hbm4b:s26+s2], $0x40, $0x38;
	[tilespmem:$0x14280] =	vst v63  }
0x1b7: {  	s6 =	sadd.s32 $0xA500, s21;
	(v2sf) =	vpush v0, $0xB;
	s9 =	sadd.s32 s3, s29;
	s30 =	spop (v2sf)  }
0x1b8: {  	s0 =	sadd.s32 $0xA4C0, s21;
	s26 =	sadd.s32 $0xA340, s21;
	s25 =	sand.u32 $0x1FFFFFF8, s30  }
0x1b9: {  	(v2sf) =	vpush v0, $0xC;
	[tilespmem:s15], [sflag:$0x2] =	stream.linear.gather [hbm4b:s9+s2], $0x40, $0x38;
	[tilespmem:$0x14280] =	vst v63  }
0x1ba: {  	s31 =	sand.u32 $0x1FFFFFF8, s28;
	s28 =	spop (v2sf);
	s29 =	sadd.s32 s3, s25  }
0x1bb: {  	(v2sf) =	vpush v0, $0xD;
	[tilespmem:s26], [sflag:$0x2] =	stream.linear.gather [hbm4b:s29+s2], $0x40, $0x38;
	[tilespmem:$0x14280] =	vst v63  }
0x1bc: {  	s9 =	sadd.s32 s3, s31;
	s15 =	sand.u32 $0x1FFFFFF8, s28;
	s30 =	spop (v2sf)  }
0x1bd: {  	(v2sf) =	vpush v0, $0xE;
	[tilespmem:s7], [sflag:$0x2] =	stream.linear.gather [hbm4b:s9+s2], $0x40, $0x38;
	[tilespmem:$0x14280] =	vst v63  }
0x1be: {  	s15 =	sadd.s32 s3, s15;
	s31 =	sand.u32 $0x1FFFFFF8, s30;
	s17 =	spop (v2sf)  }
0x1bf: {  	(v2sf) =	vpush v0, $0xF;
	[tilespmem:s4], [sflag:$0x2] =	stream.linear.gather [hbm4b:s15+s2], $0x40, $0x38;
	[tilespmem:$0x14280] =	vst v63  }
0x1c0: {  	s25 =	sand.u32 $0x1FFFFFF8, s17;
	s26 =	spop (v2sf);
	s7 =	sadd.s32 s3, s31  }
0x1c1: {  	[tilespmem:s8], [sflag:$0x2] =	stream.linear.gather [hbm4b:s7+s2], $0x40, $0x38;
	[tilespmem:$0x14280] =	vst v63  }
0x1c2: {  	s28 =	sand.u32 $0x1FFFFFF8, s26;
	s4 =	sadd.s32 s3, s25;
	s29 =	spop (v2sf)  }
0x1c3: {  	[tilespmem:s1], [sflag:$0x2] =	stream.linear.gather [hbm4b:s4+s2], $0x40, $0x38;
	[tilespmem:$0x14280] =	vst v63  }
0x1c4: {  	s7 =	sadd.s32 s3, s28;
	s30 =	sand.u32 $0x1FFFFFF8, s29;
	s31 =	spop (v2sf)  }
0x1c5: {  	[tilespmem:s5], [sflag:$0x2] =	stream.linear.gather [hbm4b:s7+s2], $0x40, $0x38;
	[tilespmem:$0x14280] =	vst v63  }
0x1c6: {  	s4 =	sand.u32 $0x1FFFFFF8, s31;
	s1 =	sadd.s32 s3, s30;
	s8 =	spop (v2sf)  }
0x1c7: {  	[tilespmem:s0], [sflag:$0x2] =	stream.linear.gather [hbm4b:s1+s2], $0x40, $0x38;
	[tilespmem:$0x14280] =	vst v63  }
0x1c8: {  	s4 =	sadd.s32 s3, s4;
	s9 =	sand.u32 $0x1FFFFFF8, s8;
	s15 =	spop (v2sf)  }
0x1c9: {  	[tilespmem:s6], [sflag:$0x2] =	stream.linear.gather [hbm4b:s4+s2], $0x40, $0x38;
	[tilespmem:$0x14280] =	vst v63  }
0x1ca: {  	s0 =	sadd.s32 s3, s9;
	s1 =	sand.u32 $0x1FFFFFF8, s15;
	s17 =	spop (v2sf)  }
0x1cb: {  	[tilespmem:s24], [sflag:$0x2] =	stream.linear.gather [hbm4b:s0+s2], $0x40, $0x38;
	[tilespmem:$0x14280] =	vst v63  }
0x1cc: {  	s1 =	sadd.s32 s3, s1;
	s25 =	spop (v2sf);
	s24 =	sand.u32 $0x1FFFFFF8, s17  }
0x1cd: {  	[tilespmem:s22], [sflag:$0x2] =	stream.linear.gather [hbm4b:s1+s2], $0x40, $0x38;
	[tilespmem:$0x14280] =	vst v63  }
0x1ce: {  	s26 =	sand.u32 $0x1FFFFFF8, s25;
	s28 =	spop (v2sf);
	s0 =	sadd.s32 s3, s24  }
0x1cf: {  	[tilespmem:s23], [sflag:$0x2] =	stream.linear.gather [hbm4b:s0+s2], $0x40, $0x38;
	[tilespmem:$0x14280] =	vst v63  }
0x1d0: {  	s30 =	sadd.s32 $0xA600, s21;
	s29 =	sand.u32 $0x1FFFFFF8, s28;
	s1 =	sadd.s32 s3, s26  }
0x1d1: {  	[tilespmem:s30], [sflag:$0x2] =	stream.linear.gather [hbm4b:s1+s2], $0x40, $0x38;
	[tilespmem:$0x14280] =	vst v63  }
0x1d2: {  	s31 =	sadd.s32 $0xA640, s21;
	s0 =	sadd.s32 s3, s29  }
0x1d3: {  	[tilespmem:s31], [sflag:$0x2] =	stream.linear.gather [hbm4b:s0+s2], $0x40, $0x38;
	[tilespmem:$0x14280] =	vst v63  }
0x1d4: {  	_ =	swait.ge [sflag:s16], $0x40  }
0x1d5: {  	s0 =	simm.s32 $0x27F;
	[sflag:s16] =	ssyncset.done $0x0  }
.LBB2_16:
0x1d6: {  	p0 =	sne.s32 s0, $0x1;
	s0 =	sadd.s32 $0xFFFFFFFF, s0;
	[sflag:s16] =	ssyncadd.s32 $0xFFFFFFC0  }
.Ltmp7:
0x1d7: {  	(pc) =	sbr.rel @p0 .LBB2_16-.Ltmp7, $3  }
0x1d8: {  	_ =	sdelay $0x1  }
0x1d9: {  	_ =	swait.ge [sflag:s16], $0x40  }
0x1da: {  	[sflag:s16] =	ssyncset.done $0x0  }
0x1db: {  	[sflag:s16] =	ssyncadd.s32 $0xFFFFFFC0;
	s0 =	simm.s32 $0xA280;
	s20 =	sadd.s32 $0x1, s20  }
0x1dc: {  	[hbm4b:s11+s2] =	stream.linear.scatter [tilespmem:s0], [sflag:$0x4], $0xA000, $0x38;
	[tilespmem:$0x14280] =	vst v63  }
0x1dd: {  	p0 =	sne.s32 s20, s12;
	_ =	swait.ge [sflag:s18], $0xA000  }
.Ltmp8:
0x1de: {  	[sflag:s18] =	ssyncset.done $0x0;
	(pc) =	sbr.rel @p0 .LBB2_1-.Ltmp8, $4  }
0x1df: {  	[sflag:s18] =	ssyncadd.s32 $0xFFFF6000  }
0x1e0: {  	_ =	swait.ge [sflag:s19], $0xA000  }
0x1e1: {  	[sflag:s19] =	ssyncset.done $0x0  }
0x1e2: {  	[sflag:s19] =	ssyncadd.s32 $0xFFFF6000  }
0x1e3: {  	_ =	sfence.sel $0x180000  }
0x1e4: {  	[bflag:$0x0] =	sbarrier.arrive $0xFFFF  }
0x1e5: {  	_ =	strace $0x90000047  }
0x1e6: {  	s0 =	stileid.u32;
	[bflag:$0x2] =	sbarrier.arrive $0xFFFF  }
0x1e7: {  	p0 =	sne.s32 s0, $0x0;
	s0 =	rddreg [dreg:$0x2]  }
0x1e8: {  	s0 =	sadd.s32 @!p0 $0x100000, s0  }
0x1e9: {  	[sflag:s0] =	ssyncadd.tile.s32 @!p0 $0x1;
	_ =	shalt  }
.Lfunc_end2:
_tile_overlayer_lowered:
.L_overlay_start_2:
0x1ea: {  	(tag) =	ssettag $0x2  }
0x1eb: {  	s0 =	rddreg [dreg:$0x0];
	s2 =	stileid.u32  }
0x1ec: {  	s1 =	rddreg [dreg:$0x1];
	p0 =	sne.s32 s2, $0x0  }
0x1ed: {  	s3 =	rddreg [dreg:$0x2];
	[bflag:$0x3] =	sbarrier.arrive $0xFFFF;
	s2 =	simm.s32 @!p0 $0x1C05  }
0x1ee: {  	[timem:s3], [sflag:s2] =	dma.local @!p0 [hbm:s0], s1  }
0x1ef: {  	s0 =	simm.s32 @!p0 $0x5  }
0x1f0: {  	_ =	swait.ge @!p0 [sflag:s0], s1  }
0x1f1: {  	s1 =	ssub.s32 @!p0 $0x0, s1;
	[sflag:s0] =	ssyncset.done @!p0 $0x0  }
0x1f2: {  	[sflag:s0] =	ssyncadd.s32 @!p0 s1  }
0x1f3: {  	[bflag:$0x3] =	sbarrier.arrive $0xFFFF  }
0x1f4: {  	_ =	shalt  }

</sc_bundles>
